<compile_context>
chip_gen: v7x
topology: tpu7x:2x2x1
jax: 0.10.2.dev20260603
libtpu: 0.0.44.dev20260713+nightly
codegen_flags: <defaults>
</compile_context>

<pallas_src>
import jax
import jax.numpy as jnp
from jax import lax
from jax.experimental import pallas as pl
from jax.experimental.pallas import tpu as pltpu
from jax.experimental.pallas import tpu_sc as plsc

_BATCH = 16384
_SEQ = 100
_OUT_DIM = 128
_ROWS = _SEQ * _BATCH
_NW = 32
_PER_W = _ROWS // _NW
_CHUNK = 512
_NCOPY = _PER_W // _CHUNK
_DEPTH = 4
_L = 16


def _sc_fill(emb_hbm, out_hbm, scal_v, buf_v, sems):
    c = lax.axis_index("c")
    s = lax.axis_index("s")
    wid = s * 2 + c

    pltpu.sync_copy(emb_hbm, scal_v)
    v = scal_v[...]

    def fill(r, carry):
        for k in range(_OUT_DIM // _L):
            buf_v[r, pl.ds(k * _L, _L)] = v
        return carry

    lax.fori_loop(0, _CHUNK, fill, 0)

    base = wid * _PER_W
    copies = []
    for i in range(_NCOPY):
        cp = pltpu.make_async_copy(
            buf_v,
            out_hbm.at[pl.ds(base + i * _CHUNK, _CHUNK)],
            sems.at[i % _DEPTH],
        )
        if i >= _DEPTH:
            copies[i - _DEPTH].wait()
        cp.start()
        copies.append(cp)
    for i in range(_NCOPY - _DEPTH, _NCOPY):
        copies[i].wait()


def kernel(inputs, emb_table):
    del inputs
    emb_flat = jnp.broadcast_to(emb_table.reshape((1,)), (_L,))
    out = pl.kernel(
        _sc_fill,
        out_type=jax.ShapeDtypeStruct((_ROWS, _OUT_DIM), jnp.float32),
        mesh=plsc.VectorSubcoreMesh(core_axis_name="c", subcore_axis_name="s"),
        scratch_types=[
            pltpu.VMEM((_L,), jnp.float32),
            pltpu.VMEM((_CHUNK, _OUT_DIM), jnp.float32),
            pltpu.SemaphoreType.DMA((_DEPTH,)),
        ],
    )(emb_flat)
    return jnp.transpose(out.reshape(_SEQ, _BATCH, _OUT_DIM), (1, 0, 2))

# --- scband reference (transcript-rebuilt; emitter-appended) ---
"""Pipeline reference for scband-embedding-shared-7988639171085 (READ-ONLY COPY).

The authoritative reference and input builder live on the scoring server;
editing this copy changes nothing except your own understanding.
"""

import jax, jax.numpy as jnp
import numpy as np

BATCH = 16384
SEQ = 100
INPUT_DIM = 1000000
OUTPUT_DIM = 128
# Inner shared embedding layer mimics psiz semantics: a single shared scalar
# embedding (table shape [1, 1]) that is looked up for every (zeroed) index and
# then repeated OUTPUT_DIM times along the last axis.
INNER_VOCAB = 1
INNER_DIM = 1


def setup_inputs(seed: int = 0) -> dict:
    key = jax.random.key(seed)
    k_idx, k_emb = jax.random.split(key)
    inputs = jax.random.randint(k_idx, (BATCH, SEQ), 0, INPUT_DIM, dtype=jnp.int32)
    emb_table = jax.random.normal(k_emb, (INNER_VOCAB, INNER_DIM), dtype=jnp.float32) * 0.05
    return {"inputs": inputs, "emb_table": emb_table}


def reference(inputs, emb_table):
    # call(): inputs = zeros_like(inputs)
    z = jnp.zeros_like(inputs)
    # outputs = self._embedding(inputs)  -> gather row 0 for every position
    outputs = jnp.take(emb_table, z, axis=0)  # [BATCH, SEQ, INNER_DIM]
    # outputs = keras.ops.repeat(outputs, self.output_dim, axis=-1)
    outputs = jnp.repeat(outputs, OUTPUT_DIM, axis=-1)  # [BATCH, SEQ, INNER_DIM*OUTPUT_DIM]
    return outputs

if __name__ == "__main__":
    import jax
    _d = setup_inputs()
    print(jax.jit(kernel)(*tuple(_d.values())))

</pallas_src>

<mosaic_0001>
#map = affine_map<(d0, d1) -> (0)>
#map1 = affine_map<(d0, d1) -> (0, 0)>
module attributes {stable_mosaic.version = 14 : i64} {
  func.func @_sc_fill(%arg0: i32, %arg1: i32, %arg2: memref<16xf32, #tpu.memory_space<hbm>>, %arg3: memref<1638400x128xf32, #tpu.memory_space<hbm>>, %arg4: memref<16xf32, #tpu.memory_space<vmem>>, %arg5: memref<512x128xf32, #tpu.memory_space<vmem>>, %arg6: memref<4x!tpu.dma_semaphore, #tpu.memory_space<semaphore_mem>>) attributes {dimension_semantics = [#tpu.dimension_semantics<core_parallel>, #tpu.dimension_semantics<subcore_parallel>], iteration_bounds = array<i64: 2, 16>, scalar_prefetch = 0 : i64, scratch_operands = 3 : i64, tpu.core_type = #tpu.core_type<sc_vector_subcore>, window_params = [{transform_indices = #map}, {transform_indices = #map1}]} {
    %mul3A = arith.constant 2 : i32
    %mul3A_0 = arith.muli %arg1, %mul3A : i32
    %add3A = arith.addi %mul3A_0, %arg0 : i32
    "tpu.region"() ({
      %run_scoped3A = tpu.sem_alloc : memref<!tpu.dma_semaphore, #tpu.memory_space<semaphore_mem>>
      tpu.enqueue_dma source(%arg2 : memref<16xf32, #tpu.memory_space<hbm>>) target(%arg4 : memref<16xf32, #tpu.memory_space<vmem>>) target_semaphore(%run_scoped3A : memref<!tpu.dma_semaphore, #tpu.memory_space<semaphore_mem>>)
      tpu.wait_dma2 semaphore(%run_scoped3A : memref<!tpu.dma_semaphore, #tpu.memory_space<semaphore_mem>>) src(%arg2 : memref<16xf32, #tpu.memory_space<hbm>>) dst(%arg4 : memref<16xf32, #tpu.memory_space<vmem>>)
      tpu.yield
    }) : () -> ()
    %get3A = arith.constant 0 : index
    %get3A_1 = tpu.vector_load %arg4[%get3A] {strides = array<i32>} : memref<16xf32, #tpu.memory_space<vmem>>, vector<16xf32>,
    %get3A_2 = vector.shape_cast %get3A_1 : vector<16xf32> to vector<16xf32>
    %scan3A = arith.constant 0 : i32
    %scan3A_3 = arith.constant 0 : i32
    %scan3A_4 = arith.constant 512 : i32
    %scan3A_5 = arith.addi %scan3A_3, %scan3A_4 : i32
    %scan3A_6 = arith.constant 1 : i32
    scf.for %scan3A_1608 = %scan3A_3 to %scan3A_5 step %scan3A_6  : i32 {
      %swap3A = arith.index_cast %scan3A_1608 : i32 to index
      %swap3A_1609 = arith.constant 0 : index
      %swap3A_1610 = tpu.vector_load %arg5[%swap3A, %swap3A_1609] {strides = array<i32>} : memref<512x128xf32, #tpu.memory_space<vmem>>, vector<1x16xf32>,
      %swap3A_1611 = vector.shape_cast %swap3A_1610 : vector<1x16xf32> to vector<16xf32>
      %swap3A_1612 = vector.shape_cast %get3A_2 : vector<16xf32> to vector<1x16xf32>
      tpu.vector_store %arg5[%swap3A, %swap3A_1609], %swap3A_1612 {strides = array<i32>} : memref<512x128xf32, #tpu.memory_space<vmem>>, vector<1x16xf32>,
      %swap3A_1613 = arith.index_cast %scan3A_1608 : i32 to index
      %swap3A_1614 = arith.constant 16 : index
      %swap3A_1615 = tpu.vector_load %arg5[%swap3A_1613, %swap3A_1614] {strides = array<i32>} : memref<512x128xf32, #tpu.memory_space<vmem>>, vector<1x16xf32>,
      %swap3A_1616 = vector.shape_cast %swap3A_1615 : vector<1x16xf32> to vector<16xf32>
      %swap3A_1617 = vector.shape_cast %get3A_2 : vector<16xf32> to vector<1x16xf32>
      tpu.vector_store %arg5[%swap3A_1613, %swap3A_1614], %swap3A_1617 {strides = array<i32>} : memref<512x128xf32, #tpu.memory_space<vmem>>, vector<1x16xf32>,
      %swap3A_1618 = arith.index_cast %scan3A_1608 : i32 to index
      %swap3A_1619 = arith.constant 32 : index
      %swap3A_1620 = tpu.vector_load %arg5[%swap3A_1618, %swap3A_1619] {strides = array<i32>} : memref<512x128xf32, #tpu.memory_space<vmem>>, vector<1x16xf32>,
      %swap3A_1621 = vector.shape_cast %swap3A_1620 : vector<1x16xf32> to vector<16xf32>
      %swap3A_1622 = vector.shape_cast %get3A_2 : vector<16xf32> to vector<1x16xf32>
      tpu.vector_store %arg5[%swap3A_1618, %swap3A_1619], %swap3A_1622 {strides = array<i32>} : memref<512x128xf32, #tpu.memory_space<vmem>>, vector<1x16xf32>,
      %swap3A_1623 = arith.index_cast %scan3A_1608 : i32 to index
      %swap3A_1624 = arith.constant 48 : index
      %swap3A_1625 = tpu.vector_load %arg5[%swap3A_1623, %swap3A_1624] {strides = array<i32>} : memref<512x128xf32, #tpu.memory_space<vmem>>, vector<1x16xf32>,
      %swap3A_1626 = vector.shape_cast %swap3A_1625 : vector<1x16xf32> to vector<16xf32>
      %swap3A_1627 = vector.shape_cast %get3A_2 : vector<16xf32> to vector<1x16xf32>
      tpu.vector_store %arg5[%swap3A_1623, %swap3A_1624], %swap3A_1627 {strides = array<i32>} : memref<512x128xf32, #tpu.memory_space<vmem>>, vector<1x16xf32>,
      %swap3A_1628 = arith.index_cast %scan3A_1608 : i32 to index
      %swap3A_1629 = arith.constant 64 : index
      %swap3A_1630 = tpu.vector_load %arg5[%swap3A_1628, %swap3A_1629] {strides = array<i32>} : memref<512x128xf32, #tpu.memory_space<vmem>>, vector<1x16xf32>,
      %swap3A_1631 = vector.shape_cast %swap3A_1630 : vector<1x16xf32> to vector<16xf32>
      %swap3A_1632 = vector.shape_cast %get3A_2 : vector<16xf32> to vector<1x16xf32>
      tpu.vector_store %arg5[%swap3A_1628, %swap3A_1629], %swap3A_1632 {strides = array<i32>} : memref<512x128xf32, #tpu.memory_space<vmem>>, vector<1x16xf32>,
      %swap3A_1633 = arith.index_cast %scan3A_1608 : i32 to index
      %swap3A_1634 = arith.constant 80 : index
      %swap3A_1635 = tpu.vector_load %arg5[%swap3A_1633, %swap3A_1634] {strides = array<i32>} : memref<512x128xf32, #tpu.memory_space<vmem>>, vector<1x16xf32>,
      %swap3A_1636 = vector.shape_cast %swap3A_1635 : vector<1x16xf32> to vector<16xf32>
      %swap3A_1637 = vector.shape_cast %get3A_2 : vector<16xf32> to vector<1x16xf32>
      tpu.vector_store %arg5[%swap3A_1633, %swap3A_1634], %swap3A_1637 {strides = array<i32>} : memref<512x128xf32, #tpu.memory_space<vmem>>, vector<1x16xf32>,
      %swap3A_1638 = arith.index_cast %scan3A_1608 : i32 to index
      %swap3A_1639 = arith.constant 96 : index
      %swap3A_1640 = tpu.vector_load %arg5[%swap3A_1638, %swap3A_1639] {strides = array<i32>} : memref<512x128xf32, #tpu.memory_space<vmem>>, vector<1x16xf32>,
      %swap3A_1641 = vector.shape_cast %swap3A_1640 : vector<1x16xf32> to vector<16xf32>
      %swap3A_1642 = vector.shape_cast %get3A_2 : vector<16xf32> to vector<1x16xf32>
      tpu.vector_store %arg5[%swap3A_1638, %swap3A_1639], %swap3A_1642 {strides = array<i32>} : memref<512x128xf32, #tpu.memory_space<vmem>>, vector<1x16xf32>,
      %swap3A_1643 = arith.index_cast %scan3A_1608 : i32 to index
      %swap3A_1644 = arith.constant 112 : index
      %swap3A_1645 = tpu.vector_load %arg5[%swap3A_1643, %swap3A_1644] {strides = array<i32>} : memref<512x128xf32, #tpu.memory_space<vmem>>, vector<1x16xf32>,
      %swap3A_1646 = vector.shape_cast %swap3A_1645 : vector<1x16xf32> to vector<16xf32>
      %swap3A_1647 = vector.shape_cast %get3A_2 : vector<16xf32> to vector<1x16xf32>
      tpu.vector_store %arg5[%swap3A_1643, %swap3A_1644], %swap3A_1647 {strides = array<i32>} : memref<512x128xf32, #tpu.memory_space<vmem>>, vector<1x16xf32>,
    }
    %scan3A_7 = arith.constant 512 : i32
    %mul3A_8 = arith.constant 51200 : i32
    %mul3A_9 = arith.muli %add3A, %mul3A_8 : i32
    %add3A_10 = arith.constant 0 : i32
    %add3A_11 = arith.addi %mul3A_9, %add3A_10 : i32
    %dma_start3A = arith.constant 0 : i32
    %dma_start3A_12 = arith.constant 0 : i32
    %dma_start3A_13 = tpu.memref_slice %arg3[%add3A_11, %dma_start3A_12] : memref<1638400x128xf32, #tpu.memory_space<hbm>> -> memref<512x128xf32, #tpu.memory_space<hbm>>
    %dma_start3A_14 = tpu.memref_slice %arg6[%dma_start3A] : memref<4x!tpu.dma_semaphore, #tpu.memory_space<semaphore_mem>> -> memref<1x!tpu.dma_semaphore, #tpu.memory_space<semaphore_mem>>
    %dma_start3A_15 = tpu.memref_squeeze %dma_start3A_14 : memref<1x!tpu.dma_semaphore, #tpu.memory_space<semaphore_mem>> -> memref<!tpu.dma_semaphore, #tpu.memory_space<semaphore_mem>>
    %dma_start3A_16 = arith.constant 0 : i32
    %dma_start3A_17 = tpu.memref_slice %arg3[%add3A_11, %dma_start3A_16] : memref<1638400x128xf32, #tpu.memory_space<hbm>> -> memref<512x128xf32, #tpu.memory_space<hbm>>
    tpu.enqueue_dma source(%arg5 : memref<512x128xf32, #tpu.memory_space<vmem>>) target(%dma_start3A_17 : memref<512x128xf32, #tpu.memory_space<hbm>>) target_semaphore(%dma_start3A_15 : memref<!tpu.dma_semaphore, #tpu.memory_space<semaphore_mem>>)
    %add3A_18 = arith.constant 512 : i32
    %add3A_19 = arith.addi %mul3A_9, %add3A_18 : i32
    %dma_start3A_20 = arith.constant 1 : i32
    %dma_start3A_21 = arith.constant 0 : i32
    %dma_start3A_22 = tpu.memref_slice %arg3[%add3A_19, %dma_start3A_21] : memref<1638400x128xf32, #tpu.memory_space<hbm>> -> memref<512x128xf32, #tpu.memory_space<hbm>>
    %dma_start3A_23 = tpu.memref_slice %arg6[%dma_start3A_20] : memref<4x!tpu.dma_semaphore, #tpu.memory_space<semaphore_mem>> -> memref<1x!tpu.dma_semaphore, #tpu.memory_space<semaphore_mem>>
    %dma_start3A_24 = tpu.memref_squeeze %dma_start3A_23 : memref<1x!tpu.dma_semaphore, #tpu.memory_space<semaphore_mem>> -> memref<!tpu.dma_semaphore, #tpu.memory_space<semaphore_mem>>
    %dma_start3A_25 = arith.constant 0 : i32
    %dma_start3A_26 = tpu.memref_slice %arg3[%add3A_19, %dma_start3A_25] : memref<1638400x128xf32, #tpu.memory_space<hbm>> -> memref<512x128xf32, #tpu.memory_space<hbm>>
    tpu.enqueue_dma source(%arg5 : memref<512x128xf32, #tpu.memory_space<vmem>>) target(%dma_start3A_26 : memref<512x128xf32, #tpu.memory_space<hbm>>) target_semaphore(%dma_start3A_24 : memref<!tpu.dma_semaphore, #tpu.memory_space<semaphore_mem>>)
    %add3A_27 = arith.constant 1024 : i32
    %add3A_28 = arith.addi %mul3A_9, %add3A_27 : i32
    %dma_start3A_29 = arith.constant 2 : i32
    %dma_start3A_30 = arith.constant 0 : i32
    %dma_start3A_31 = tpu.memref_slice %arg3[%add3A_28, %dma_start3A_30] : memref<1638400x128xf32, #tpu.memory_space<hbm>> -> memref<512x128xf32, #tpu.memory_space<hbm>>
    %dma_start3A_32 = tpu.memref_slice %arg6[%dma_start3A_29] : memref<4x!tpu.dma_semaphore, #tpu.memory_space<semaphore_mem>> -> memref<1x!tpu.dma_semaphore, #tpu.memory_space<semaphore_mem>>
    %dma_start3A_33 = tpu.memref_squeeze %dma_start3A_32 : memref<1x!tpu.dma_semaphore, #tpu.memory_space<semaphore_mem>> -> memref<!tpu.dma_semaphore, #tpu.memory_space<semaphore_mem>>
    %dma_start3A_34 = arith.constant 0 : i32
    %dma_start3A_35 = tpu.memref_slice %arg3[%add3A_28, %dma_start3A_34] : memref<1638400x128xf32, #tpu.memory_space<hbm>> -> memref<512x128xf32, #tpu.memory_space<hbm>>
    tpu.enqueue_dma source(%arg5 : memref<512x128xf32, #tpu.memory_space<vmem>>) target(%dma_start3A_35 : memref<512x128xf32, #tpu.memory_space<hbm>>) target_semaphore(%dma_start3A_33 : memref<!tpu.dma_semaphore, #tpu.memory_space<semaphore_mem>>)
    %add3A_36 = arith.constant 1536 : i32
    %add3A_37 = arith.addi %mul3A_9, %add3A_36 : i32
    %dma_start3A_38 = arith.constant 3 : i32
    %dma_start3A_39 = arith.constant 0 : i32
    %dma_start3A_40 = tpu.memref_slice %arg3[%add3A_37, %dma_start3A_39] : memref<1638400x128xf32, #tpu.memory_space<hbm>> -> memref<512x128xf32, #tpu.memory_space<hbm>>
    %dma_start3A_41 = tpu.memref_slice %arg6[%dma_start3A_38] : memref<4x!tpu.dma_semaphore, #tpu.memory_space<semaphore_mem>> -> memref<1x!tpu.dma_semaphore, #tpu.memory_space<semaphore_mem>>
    %dma_start3A_42 = tpu.memref_squeeze %dma_start3A_41 : memref<1x!tpu.dma_semaphore, #tpu.memory_space<semaphore_mem>> -> memref<!tpu.dma_semaphore, #tpu.memory_space<semaphore_mem>>
    %dma_start3A_43 = arith.constant 0 : i32
    %dma_start3A_44 = tpu.memref_slice %arg3[%add3A_37, %dma_start3A_43] : memref<1638400x128xf32, #tpu.memory_space<hbm>> -> memref<512x128xf32, #tpu.memory_space<hbm>>
    tpu.enqueue_dma source(%arg5 : memref<512x128xf32, #tpu.memory_space<vmem>>) target(%dma_start3A_44 : memref<512x128xf32, #tpu.memory_space<hbm>>) target_semaphore(%dma_start3A_42 : memref<!tpu.dma_semaphore, #tpu.memory_space<semaphore_mem>>)
    %add3A_45 = arith.constant 2048 : i32
    %add3A_46 = arith.addi %mul3A_9, %add3A_45 : i32
    %dma_wait3A = arith.constant 0 : i32
    %dma_wait3A_47 = arith.constant 0 : i32
    %dma_wait3A_48 = tpu.memref_slice %arg3[%add3A_11, %dma_wait3A_47] : memref<1638400x128xf32, #tpu.memory_space<hbm>> -> memref<512x128xf32, #tpu.memory_space<hbm>>
    %dma_wait3A_49 = tpu.memref_slice %arg6[%dma_wait3A] : memref<4x!tpu.dma_semaphore, #tpu.memory_space<semaphore_mem>> -> memref<1x!tpu.dma_semaphore, #tpu.memory_space<semaphore_mem>>
    %dma_wait3A_50 = tpu.memref_squeeze %dma_wait3A_49 : memref<1x!tpu.dma_semaphore, #tpu.memory_space<semaphore_mem>> -> memref<!tpu.dma_semaphore, #tpu.memory_space<semaphore_mem>>
    %dma_wait3A_51 = arith.constant 0 : i32
    %dma_wait3A_52 = tpu.memref_slice %arg3[%add3A_11, %dma_wait3A_51] : memref<1638400x128xf32, #tpu.memory_space<hbm>> -> memref<512x128xf32, #tpu.memory_space<hbm>>
    tpu.wait_dma2 semaphore(%dma_wait3A_50 : memref<!tpu.dma_semaphore, #tpu.memory_space<semaphore_mem>>) src(%arg5 : memref<512x128xf32, #tpu.memory_space<vmem>>) dst(%dma_wait3A_52 : memref<512x128xf32, #tpu.memory_space<hbm>>)
    %dma_start3A_53 = arith.constant 0 : i32
    %dma_start3A_54 = arith.constant 0 : i32
    %dma_start3A_55 = tpu.memref_slice %arg3[%add3A_46, %dma_start3A_54] : memref<1638400x128xf32, #tpu.memory_space<hbm>> -> memref<512x128xf32, #tpu.memory_space<hbm>>
    %dma_start3A_56 = tpu.memref_slice %arg6[%dma_start3A_53] : memref<4x!tpu.dma_semaphore, #tpu.memory_space<semaphore_mem>> -> memref<1x!tpu.dma_semaphore, #tpu.memory_space<semaphore_mem>>
    %dma_start3A_57 = tpu.memref_squeeze %dma_start3A_56 : memref<1x!tpu.dma_semaphore, #tpu.memory_space<semaphore_mem>> -> memref<!tpu.dma_semaphore, #tpu.memory_space<semaphore_mem>>
    %dma_start3A_58 = arith.constant 0 : i32
    %dma_start3A_59 = tpu.memref_slice %arg3[%add3A_46, %dma_start3A_58] : memref<1638400x128xf32, #tpu.memory_space<hbm>> -> memref<512x128xf32, #tpu.memory_space<hbm>>
    tpu.enqueue_dma source(%arg5 : memref<512x128xf32, #tpu.memory_space<vmem>>) target(%dma_start3A_59 : memref<512x128xf32, #tpu.memory_space<hbm>>) target_semaphore(%dma_start3A_57 : memref<!tpu.dma_semaphore, #tpu.memory_space<semaphore_mem>>)
    %add3A_60 = arith.constant 2560 : i32
    %add3A_61 = arith.addi %mul3A_9, %add3A_60 : i32
    %dma_wait3A_62 = arith.constant 1 : i32
    %dma_wait3A_63 = arith.constant 0 : i32
    %dma_wait3A_64 = tpu.memref_slice %arg3[%add3A_19, %dma_wait3A_63] : memref<1638400x128xf32, #tpu.memory_space<hbm>> -> memref<512x128xf32, #tpu.memory_space<hbm>>
    %dma_wait3A_65 = tpu.memref_slice %arg6[%dma_wait3A_62] : memref<4x!tpu.dma_semaphore, #tpu.memory_space<semaphore_mem>> -> memref<1x!tpu.dma_semaphore, #tpu.memory_space<semaphore_mem>>
    %dma_wait3A_66 = tpu.memref_squeeze %dma_wait3A_65 : memref<1x!tpu.dma_semaphore, #tpu.memory_space<semaphore_mem>> -> memref<!tpu.dma_semaphore, #tpu.memory_space<semaphore_mem>>
    %dma_wait3A_67 = arith.constant 0 : i32
    %dma_wait3A_68 = tpu.memref_slice %arg3[%add3A_19, %dma_wait3A_67] : memref<1638400x128xf32, #tpu.memory_space<hbm>> -> memref<512x128xf32, #tpu.memory_space<hbm>>
    tpu.wait_dma2 semaphore(%dma_wait3A_66 : memref<!tpu.dma_semaphore, #tpu.memory_space<semaphore_mem>>) src(%arg5 : memref<512x128xf32, #tpu.memory_space<vmem>>) dst(%dma_wait3A_68 : memref<512x128xf32, #tpu.memory_space<hbm>>)
    %dma_start3A_69 = arith.constant 1 : i32
    %dma_start3A_70 = arith.constant 0 : i32
    %dma_start3A_71 = tpu.memref_slice %arg3[%add3A_61, %dma_start3A_70] : memref<1638400x128xf32, #tpu.memory_space<hbm>> -> memref<512x128xf32, #tpu.memory_space<hbm>>
    %dma_start3A_72 = tpu.memref_slice %arg6[%dma_start3A_69] : memref<4x!tpu.dma_semaphore, #tpu.memory_space<semaphore_mem>> -> memref<1x!tpu.dma_semaphore, #tpu.memory_space<semaphore_mem>>
    %dma_start3A_73 = tpu.memref_squeeze %dma_start3A_72 : memref<1x!tpu.dma_semaphore, #tpu.memory_space<semaphore_mem>> -> memref<!tpu.dma_semaphore, #tpu.memory_space<semaphore_mem>>
    %dma_start3A_74 = arith.constant 0 : i32
    %dma_start3A_75 = tpu.memref_slice %arg3[%add3A_61, %dma_start3A_74] : memref<1638400x128xf32, #tpu.memory_space<hbm>> -> memref<512x128xf32, #tpu.memory_space<hbm>>
    tpu.enqueue_dma source(%arg5 : memref<512x128xf32, #tpu.memory_space<vmem>>) target(%dma_start3A_75 : memref<512x128xf32, #tpu.memory_space<hbm>>) target_semaphore(%dma_start3A_73 : memref<!tpu.dma_semaphore, #tpu.memory_space<semaphore_mem>>)
    %add3A_76 = arith.constant 3072 : i32
    %add3A_77 = arith.addi %mul3A_9, %add3A_76 : i32
    %dma_wait3A_78 = arith.constant 2 : i32
    %dma_wait3A_79 = arith.constant 0 : i32
    %dma_wait3A_80 = tpu.memref_slice %arg3[%add3A_28, %dma_wait3A_79] : memref<1638400x128xf32, #tpu.memory_space<hbm>> -> memref<512x128xf32, #tpu.memory_space<hbm>>
    %dma_wait3A_81 = tpu.memref_slice %arg6[%dma_wait3A_78] : memref<4x!tpu.dma_semaphore, #tpu.memory_space<semaphore_mem>> -> memref<1x!tpu.dma_semaphore, #tpu.memory_space<semaphore_mem>>
    %dma_wait3A_82 = tpu.memref_squeeze %dma_wait3A_81 : memref<1x!tpu.dma_semaphore, #tpu.memory_space<semaphore_mem>> -> memref<!tpu.dma_semaphore, #tpu.memory_space<semaphore_mem>>
    %dma_wait3A_83 = arith.constant 0 : i32
    %dma_wait3A_84 = tpu.memref_slice %arg3[%add3A_28, %dma_wait3A_83] : memref<1638400x128xf32, #tpu.memory_space<hbm>> -> memref<512x128xf32, #tpu.memory_space<hbm>>
    tpu.wait_dma2 semaphore(%dma_wait3A_82 : memref<!tpu.dma_semaphore, #tpu.memory_space<semaphore_mem>>) src(%arg5 : memref<512x128xf32, #tpu.memory_space<vmem>>) dst(%dma_wait3A_84 : memref<512x128xf32, #tpu.memory_space<hbm>>)
    %dma_start3A_85 = arith.constant 2 : i32
    %dma_start3A_86 = arith.constant 0 : i32
    %dma_start3A_87 = tpu.memref_slice %arg3[%add3A_77, %dma_start3A_86] : memref<1638400x128xf32, #tpu.memory_space<hbm>> -> memref<512x128xf32, #tpu.memory_space<hbm>>
    %dma_start3A_88 = tpu.memref_slice %arg6[%dma_start3A_85] : memref<4x!tpu.dma_semaphore, #tpu.memory_space<semaphore_mem>> -> memref<1x!tpu.dma_semaphore, #tpu.memory_space<semaphore_mem>>
    %dma_start3A_89 = tpu.memref_squeeze %dma_start3A_88 : memref<1x!tpu.dma_semaphore, #tpu.memory_space<semaphore_mem>> -> memref<!tpu.dma_semaphore, #tpu.memory_space<semaphore_mem>>
    %dma_start3A_90 = arith.constant 0 : i32
    %dma_start3A_91 = tpu.memref_slice %arg3[%add3A_77, %dma_start3A_90] : memref<1638400x128xf32, #tpu.memory_space<hbm>> -> memref<512x128xf32, #tpu.memory_space<hbm>>
    tpu.enqueue_dma source(%arg5 : memref<512x128xf32, #tpu.memory_space<vmem>>) target(%dma_start3A_91 : memref<512x128xf32, #tpu.memory_space<hbm>>) target_semaphore(%dma_start3A_89 : memref<!tpu.dma_semaphore, #tpu.memory_space<semaphore_mem>>)
    %add3A_92 = arith.constant 3584 : i32
    %add3A_93 = arith.addi %mul3A_9, %add3A_92 : i32
    %dma_wait3A_94 = arith.constant 3 : i32
    %dma_wait3A_95 = arith.constant 0 : i32
    %dma_wait3A_96 = tpu.memref_slice %arg3[%add3A_37, %dma_wait3A_95] : memref<1638400x128xf32, #tpu.memory_space<hbm>> -> memref<512x128xf32, #tpu.memory_space<hbm>>
    %dma_wait3A_97 = tpu.memref_slice %arg6[%dma_wait3A_94] : memref<4x!tpu.dma_semaphore, #tpu.memory_space<semaphore_mem>> -> memref<1x!tpu.dma_semaphore, #tpu.memory_space<semaphore_mem>>
    %dma_wait3A_98 = tpu.memref_squeeze %dma_wait3A_97 : memref<1x!tpu.dma_semaphore, #tpu.memory_space<semaphore_mem>> -> memref<!tpu.dma_semaphore, #tpu.memory_space<semaphore_mem>>
    %dma_wait3A_99 = arith.constant 0 : i32
    %dma_wait3A_100 = tpu.memref_slice %arg3[%add3A_37, %dma_wait3A_99] : memref<1638400x128xf32, #tpu.memory_space<hbm>> -> memref<512x128xf32, #tpu.memory_space<hbm>>
    tpu.wait_dma2 semaphore(%dma_wait3A_98 : memref<!tpu.dma_semaphore, #tpu.memory_space<semaphore_mem>>) src(%arg5 : memref<512x128xf32, #tpu.memory_space<vmem>>) dst(%dma_wait3A_100 : memref<512x128xf32, #tpu.memory_space<hbm>>)
    %dma_start3A_101 = arith.constant 3 : i32
    %dma_start3A_102 = arith.constant 0 : i32
    %dma_start3A_103 = tpu.memref_slice %arg3[%add3A_93, %dma_start3A_102] : memref<1638400x128xf32, #tpu.memory_space<hbm>> -> memref<512x128xf32, #tpu.memory_space<hbm>>
    %dma_start3A_104 = tpu.memref_slice %arg6[%dma_start3A_101] : memref<4x!tpu.dma_semaphore, #tpu.memory_space<semaphore_mem>> -> memref<1x!tpu.dma_semaphore, #tpu.memory_space<semaphore_mem>>
    %dma_start3A_105 = tpu.memref_squeeze %dma_start3A_104 : memref<1x!tpu.dma_semaphore, #tpu.memory_space<semaphore_mem>> -> memref<!tpu.dma_semaphore, #tpu.memory_space<semaphore_mem>>
    %dma_start3A_106 = arith.constant 0 : i32
    %dma_start3A_107 = tpu.memref_slice %arg3[%add3A_93, %dma_start3A_106] : memref<1638400x128xf32, #tpu.memory_space<hbm>> -> memref<512x128xf32, #tpu.memory_space<hbm>>
    tpu.enqueue_dma source(%arg5 : memref<512x128xf32, #tpu.memory_space<vmem>>) target(%dma_start3A_107 : memref<512x128xf32, #tpu.memory_space<hbm>>) target_semaphore(%dma_start3A_105 : memref<!tpu.dma_semaphore, #tpu.memory_space<semaphore_mem>>)
    %add3A_108 = arith.constant 4096 : i32
    %add3A_109 = arith.addi %mul3A_9, %add3A_108 : i32
    %dma_wait3A_110 = arith.constant 0 : i32
    %dma_wait3A_111 = arith.constant 0 : i32
    %dma_wait3A_112 = tpu.memref_slice %arg3[%add3A_46, %dma_wait3A_111] : memref<1638400x128xf32, #tpu.memory_space<hbm>> -> memref<512x128xf32, #tpu.memory_space<hbm>>
    %dma_wait3A_113 = tpu.memref_slice %arg6[%dma_wait3A_110] : memref<4x!tpu.dma_semaphore, #tpu.memory_space<semaphore_mem>> -> memref<1x!tpu.dma_semaphore, #tpu.memory_space<semaphore_mem>>
    %dma_wait3A_114 = tpu.memref_squeeze %dma_wait3A_113 : memref<1x!tpu.dma_semaphore, #tpu.memory_space<semaphore_mem>> -> memref<!tpu.dma_semaphore, #tpu.memory_space<semaphore_mem>>
    %dma_wait3A_115 = arith.constant 0 : i32
    %dma_wait3A_116 = tpu.memref_slice %arg3[%add3A_46, %dma_wait3A_115] : memref<1638400x128xf32, #tpu.memory_space<hbm>> -> memref<512x128xf32, #tpu.memory_space<hbm>>
    tpu.wait_dma2 semaphore(%dma_wait3A_114 : memref<!tpu.dma_semaphore, #tpu.memory_space<semaphore_mem>>) src(%arg5 : memref<512x128xf32, #tpu.memory_space<vmem>>) dst(%dma_wait3A_116 : memref<512x128xf32, #tpu.memory_space<hbm>>)
    %dma_start3A_117 = arith.constant 0 : i32
    %dma_start3A_118 = arith.constant 0 : i32
    %dma_start3A_119 = tpu.memref_slice %arg3[%add3A_109, %dma_start3A_118] : memref<1638400x128xf32, #tpu.memory_space<hbm>> -> memref<512x128xf32, #tpu.memory_space<hbm>>
    %dma_start3A_120 = tpu.memref_slice %arg6[%dma_start3A_117] : memref<4x!tpu.dma_semaphore, #tpu.memory_space<semaphore_mem>> -> memref<1x!tpu.dma_semaphore, #tpu.memory_space<semaphore_mem>>
    %dma_start3A_121 = tpu.memref_squeeze %dma_start3A_120 : memref<1x!tpu.dma_semaphore, #tpu.memory_space<semaphore_mem>> -> memref<!tpu.dma_semaphore, #tpu.memory_space<semaphore_mem>>
    %dma_start3A_122 = arith.constant 0 : i32
    %dma_start3A_123 = tpu.memref_slice %arg3[%add3A_109, %dma_start3A_122] : memref<1638400x128xf32, #tpu.memory_space<hbm>> -> memref<512x128xf32, #tpu.memory_space<hbm>>
    tpu.enqueue_dma source(%arg5 : memref<512x128xf32, #tpu.memory_space<vmem>>) target(%dma_start3A_123 : memref<512x128xf32, #tpu.memory_space<hbm>>) target_semaphore(%dma_start3A_121 : memref<!tpu.dma_semaphore, #tpu.memory_space<semaphore_mem>>)
    %add3A_124 = arith.constant 4608 : i32
    %add3A_125 = arith.addi %mul3A_9, %add3A_124 : i32
    %dma_wait3A_126 = arith.constant 1 : i32
    %dma_wait3A_127 = arith.constant 0 : i32
    %dma_wait3A_128 = tpu.memref_slice %arg3[%add3A_61, %dma_wait3A_127] : memref<1638400x128xf32, #tpu.memory_space<hbm>> -> memref<512x128xf32, #tpu.memory_space<hbm>>
    %dma_wait3A_129 = tpu.memref_slice %arg6[%dma_wait3A_126] : memref<4x!tpu.dma_semaphore, #tpu.memory_space<semaphore_mem>> -> memref<1x!tpu.dma_semaphore, #tpu.memory_space<semaphore_mem>>
    %dma_wait3A_130 = tpu.memref_squeeze %dma_wait3A_129 : memref<1x!tpu.dma_semaphore, #tpu.memory_space<semaphore_mem>> -> memref<!tpu.dma_semaphore, #tpu.memory_space<semaphore_mem>>
    %dma_wait3A_131 = arith.constant 0 : i32
    %dma_wait3A_132 = tpu.memref_slice %arg3[%add3A_61, %dma_wait3A_131] : memref<1638400x128xf32, #tpu.memory_space<hbm>> -> memref<512x128xf32, #tpu.memory_space<hbm>>
    tpu.wait_dma2 semaphore(%dma_wait3A_130 : memref<!tpu.dma_semaphore, #tpu.memory_space<semaphore_mem>>) src(%arg5 : memref<512x128xf32, #tpu.memory_space<vmem>>) dst(%dma_wait3A_132 : memref<512x128xf32, #tpu.memory_space<hbm>>)
    %dma_start3A_133 = arith.constant 1 : i32
    %dma_start3A_134 = arith.constant 0 : i32
    %dma_start3A_135 = tpu.memref_slice %arg3[%add3A_125, %dma_start3A_134] : memref<1638400x128xf32, #tpu.memory_space<hbm>> -> memref<512x128xf32, #tpu.memory_space<hbm>>
    %dma_start3A_136 = tpu.memref_slice %arg6[%dma_start3A_133] : memref<4x!tpu.dma_semaphore, #tpu.memory_space<semaphore_mem>> -> memref<1x!tpu.dma_semaphore, #tpu.memory_space<semaphore_mem>>
    %dma_start3A_137 = tpu.memref_squeeze %dma_start3A_136 : memref<1x!tpu.dma_semaphore, #tpu.memory_space<semaphore_mem>> -> memref<!tpu.dma_semaphore, #tpu.memory_space<semaphore_mem>>
    %dma_start3A_138 = arith.constant 0 : i32
    %dma_start3A_139 = tpu.memref_slice %arg3[%add3A_125, %dma_start3A_138] : memref<1638400x128xf32, #tpu.memory_space<hbm>> -> memref<512x128xf32, #tpu.memory_space<hbm>>
    tpu.enqueue_dma source(%arg5 : memref<512x128xf32, #tpu.memory_space<vmem>>) target(%dma_start3A_139 : memref<512x128xf32, #tpu.memory_space<hbm>>) target_semaphore(%dma_start3A_137 : memref<!tpu.dma_semaphore, #tpu.memory_space<semaphore_mem>>)
    %add3A_140 = arith.constant 5120 : i32
    %add3A_141 = arith.addi %mul3A_9, %add3A_140 : i32
    %dma_wait3A_142 = arith.constant 2 : i32
    %dma_wait3A_143 = arith.constant 0 : i32
    %dma_wait3A_144 = tpu.memref_slice %arg3[%add3A_77, %dma_wait3A_143] : memref<1638400x128xf32, #tpu.memory_space<hbm>> -> memref<512x128xf32, #tpu.memory_space<hbm>>
    %dma_wait3A_145 = tpu.memref_slice %arg6[%dma_wait3A_142] : memref<4x!tpu.dma_semaphore, #tpu.memory_space<semaphore_mem>> -> memref<1x!tpu.dma_semaphore, #tpu.memory_space<semaphore_mem>>
    %dma_wait3A_146 = tpu.memref_squeeze %dma_wait3A_145 : memref<1x!tpu.dma_semaphore, #tpu.memory_space<semaphore_mem>> -> memref<!tpu.dma_semaphore, #tpu.memory_space<semaphore_mem>>
    %dma_wait3A_147 = arith.constant 0 : i32
    %dma_wait3A_148 = tpu.memref_slice %arg3[%add3A_77, %dma_wait3A_147] : memref<1638400x128xf32, #tpu.memory_space<hbm>> -> memref<512x128xf32, #tpu.memory_space<hbm>>
    tpu.wait_dma2 semaphore(%dma_wait3A_146 : memref<!tpu.dma_semaphore, #tpu.memory_space<semaphore_mem>>) src(%arg5 : memref<512x128xf32, #tpu.memory_space<vmem>>) dst(%dma_wait3A_148 : memref<512x128xf32, #tpu.memory_space<hbm>>)
    %dma_start3A_149 = arith.constant 2 : i32
    %dma_start3A_150 = arith.constant 0 : i32
    %dma_start3A_151 = tpu.memref_slice %arg3[%add3A_141, %dma_start3A_150] : memref<1638400x128xf32, #tpu.memory_space<hbm>> -> memref<512x128xf32, #tpu.memory_space<hbm>>
    %dma_start3A_152 = tpu.memref_slice %arg6[%dma_start3A_149] : memref<4x!tpu.dma_semaphore, #tpu.memory_space<semaphore_mem>> -> memref<1x!tpu.dma_semaphore, #tpu.memory_space<semaphore_mem>>
    %dma_start3A_153 = tpu.memref_squeeze %dma_start3A_152 : memref<1x!tpu.dma_semaphore, #tpu.memory_space<semaphore_mem>> -> memref<!tpu.dma_semaphore, #tpu.memory_space<semaphore_mem>>
    %dma_start3A_154 = arith.constant 0 : i32
    %dma_start3A_155 = tpu.memref_slice %arg3[%add3A_141, %dma_start3A_154] : memref<1638400x128xf32, #tpu.memory_space<hbm>> -> memref<512x128xf32, #tpu.memory_space<hbm>>
    tpu.enqueue_dma source(%arg5 : memref<512x128xf32, #tpu.memory_space<vmem>>) target(%dma_start3A_155 : memref<512x128xf32, #tpu.memory_space<hbm>>) target_semaphore(%dma_start3A_153 : memref<!tpu.dma_semaphore, #tpu.memory_space<semaphore_mem>>)
    %add3A_156 = arith.constant 5632 : i32
    %add3A_157 = arith.addi %mul3A_9, %add3A_156 : i32
    %dma_wait3A_158 = arith.constant 3 : i32
    %dma_wait3A_159 = arith.constant 0 : i32
    %dma_wait3A_160 = tpu.memref_slice %arg3[%add3A_93, %dma_wait3A_159] : memref<1638400x128xf32, #tpu.memory_space<hbm>> -> memref<512x128xf32, #tpu.memory_space<hbm>>
    %dma_wait3A_161 = tpu.memref_slice %arg6[%dma_wait3A_158] : memref<4x!tpu.dma_semaphore, #tpu.memory_space<semaphore_mem>> -> memref<1x!tpu.dma_semaphore, #tpu.memory_space<semaphore_mem>>
    %dma_wait3A_162 = tpu.memref_squeeze %dma_wait3A_161 : memref<1x!tpu.dma_semaphore, #tpu.memory_space<semaphore_mem>> -> memref<!tpu.dma_semaphore, #tpu.memory_space<semaphore_mem>>
    %dma_wait3A_163 = arith.constant 0 : i32
    %dma_wait3A_164 = tpu.memref_slice %arg3[%add3A_93, %dma_wait3A_163] : memref<1638400x128xf32, #tpu.memory_space<hbm>> -> memref<512x128xf32, #tpu.memory_space<hbm>>
    tpu.wait_dma2 semaphore(%dma_wait3A_162 : memref<!tpu.dma_semaphore, #tpu.memory_space<semaphore_mem>>) src(%arg5 : memref<512x128xf32, #tpu.memory_space<vmem>>) dst(%dma_wait3A_164 : memref<512x128xf32, #tpu.memory_space<hbm>>)
    %dma_start3A_165 = arith.constant 3 : i32
    %dma_start3A_166 = arith.constant 0 : i32
    %dma_start3A_167 = tpu.memref_slice %arg3[%add3A_157, %dma_start3A_166] : memref<1638400x128xf32, #tpu.memory_space<hbm>> -> memref<512x128xf32, #tpu.memory_space<hbm>>
    %dma_start3A_168 = tpu.memref_slice %arg6[%dma_start3A_165] : memref<4x!tpu.dma_semaphore, #tpu.memory_space<semaphore_mem>> -> memref<1x!tpu.dma_semaphore, #tpu.memory_space<semaphore_mem>>
    %dma_start3A_169 = tpu.memref_squeeze %dma_start3A_168 : memref<1x!tpu.dma_semaphore, #tpu.memory_space<semaphore_mem>> -> memref<!tpu.dma_semaphore, #tpu.memory_space<semaphore_mem>>
    %dma_start3A_170 = arith.constant 0 : i32
    %dma_start3A_171 = tpu.memref_slice %arg3[%add3A_157, %dma_start3A_170] : memref<1638400x128xf32, #tpu.memory_space<hbm>> -> memref<512x128xf32, #tpu.memory_space<hbm>>
    tpu.enqueue_dma source(%arg5 : memref<512x128xf32, #tpu.memory_space<vmem>>) target(%dma_start3A_171 : memref<512x128xf32, #tpu.memory_space<hbm>>) target_semaphore(%dma_start3A_169 : memref<!tpu.dma_semaphore, #tpu.memory_space<semaphore_mem>>)
    %add3A_172 = arith.constant 6144 : i32
    %add3A_173 = arith.addi %mul3A_9, %add3A_172 : i32
    %dma_wait3A_174 = arith.constant 0 : i32
    %dma_wait3A_175 = arith.constant 0 : i32
    %dma_wait3A_176 = tpu.memref_slice %arg3[%add3A_109, %dma_wait3A_175] : memref<1638400x128xf32, #tpu.memory_space<hbm>> -> memref<512x128xf32, #tpu.memory_space<hbm>>
    %dma_wait3A_177 = tpu.memref_slice %arg6[%dma_wait3A_174] : memref<4x!tpu.dma_semaphore, #tpu.memory_space<semaphore_mem>> -> memref<1x!tpu.dma_semaphore, #tpu.memory_space<semaphore_mem>>
    %dma_wait3A_178 = tpu.memref_squeeze %dma_wait3A_177 : memref<1x!tpu.dma_semaphore, #tpu.memory_space<semaphore_mem>> -> memref<!tpu.dma_semaphore, #tpu.memory_space<semaphore_mem>>
    %dma_wait3A_179 = arith.constant 0 : i32
    %dma_wait3A_180 = tpu.memref_slice %arg3[%add3A_109, %dma_wait3A_179] : memref<1638400x128xf32, #tpu.memory_space<hbm>> -> memref<512x128xf32, #tpu.memory_space<hbm>>
    tpu.wait_dma2 semaphore(%dma_wait3A_178 : memref<!tpu.dma_semaphore, #tpu.memory_space<semaphore_mem>>) src(%arg5 : memref<512x128xf32, #tpu.memory_space<vmem>>) dst(%dma_wait3A_180 : memref<512x128xf32, #tpu.memory_space<hbm>>)
    %dma_start3A_181 = arith.constant 0 : i32
    %dma_start3A_182 = arith.constant 0 : i32
    %dma_start3A_183 = tpu.memref_slice %arg3[%add3A_173, %dma_start3A_182] : memref<1638400x128xf32, #tpu.memory_space<hbm>> -> memref<512x128xf32, #tpu.memory_space<hbm>>
    %dma_start3A_184 = tpu.memref_slice %arg6[%dma_start3A_181] : memref<4x!tpu.dma_semaphore, #tpu.memory_space<semaphore_mem>> -> memref<1x!tpu.dma_semaphore, #tpu.memory_space<semaphore_mem>>
    %dma_start3A_185 = tpu.memref_squeeze %dma_start3A_184 : memref<1x!tpu.dma_semaphore, #tpu.memory_space<semaphore_mem>> -> memref<!tpu.dma_semaphore, #tpu.memory_space<semaphore_mem>>
    %dma_start3A_186 = arith.constant 0 : i32
    %dma_start3A_187 = tpu.memref_slice %arg3[%add3A_173, %dma_start3A_186] : memref<1638400x128xf32, #tpu.memory_space<hbm>> -> memref<512x128xf32, #tpu.memory_space<hbm>>
    tpu.enqueue_dma source(%arg5 : memref<512x128xf32, #tpu.memory_space<vmem>>) target(%dma_start3A_187 : memref<512x128xf32, #tpu.memory_space<hbm>>) target_semaphore(%dma_start3A_185 : memref<!tpu.dma_semaphore, #tpu.memory_space<semaphore_mem>>)
    %add3A_188 = arith.constant 6656 : i32
    %add3A_189 = arith.addi %mul3A_9, %add3A_188 : i32
    %dma_wait3A_190 = arith.constant 1 : i32
    %dma_wait3A_191 = arith.constant 0 : i32
    %dma_wait3A_192 = tpu.memref_slice %arg3[%add3A_125, %dma_wait3A_191] : memref<1638400x128xf32, #tpu.memory_space<hbm>> -> memref<512x128xf32, #tpu.memory_space<hbm>>
    %dma_wait3A_193 = tpu.memref_slice %arg6[%dma_wait3A_190] : memref<4x!tpu.dma_semaphore, #tpu.memory_space<semaphore_mem>> -> memref<1x!tpu.dma_semaphore, #tpu.memory_space<semaphore_mem>>
    %dma_wait3A_194 = tpu.memref_squeeze %dma_wait3A_193 : memref<1x!tpu.dma_semaphore, #tpu.memory_space<semaphore_mem>> -> memref<!tpu.dma_semaphore, #tpu.memory_space<semaphore_mem>>
    %dma_wait3A_195 = arith.constant 0 : i32
    %dma_wait3A_196 = tpu.memref_slice %arg3[%add3A_125, %dma_wait3A_195] : memref<1638400x128xf32, #tpu.memory_space<hbm>> -> memref<512x128xf32, #tpu.memory_space<hbm>>
    tpu.wait_dma2 semaphore(%dma_wait3A_194 : memref<!tpu.dma_semaphore, #tpu.memory_space<semaphore_mem>>) src(%arg5 : memref<512x128xf32, #tpu.memory_space<vmem>>) dst(%dma_wait3A_196 : memref<512x128xf32, #tpu.memory_space<hbm>>)
    %dma_start3A_197 = arith.constant 1 : i32
    %dma_start3A_198 = arith.constant 0 : i32
    %dma_start3A_199 = tpu.memref_slice %arg3[%add3A_189, %dma_start3A_198] : memref<1638400x128xf32, #tpu.memory_space<hbm>> -> memref<512x128xf32, #tpu.memory_space<hbm>>
    %dma_start3A_200 = tpu.memref_slice %arg6[%dma_start3A_197] : memref<4x!tpu.dma_semaphore, #tpu.memory_space<semaphore_mem>> -> memref<1x!tpu.dma_semaphore, #tpu.memory_space<semaphore_mem>>
    %dma_start3A_201 = tpu.memref_squeeze %dma_start3A_200 : memref<1x!tpu.dma_semaphore, #tpu.memory_space<semaphore_mem>> -> memref<!tpu.dma_semaphore, #tpu.memory_space<semaphore_mem>>
    %dma_start3A_202 = arith.constant 0 : i32
    %dma_start3A_203 = tpu.memref_slice %arg3[%add3A_189, %dma_start3A_202] : memref<1638400x128xf32, #tpu.memory_space<hbm>> -> memref<512x128xf32, #tpu.memory_space<hbm>>
    tpu.enqueue_dma source(%arg5 : memref<512x128xf32, #tpu.memory_space<vmem>>) target(%dma_start3A_203 : memref<512x128xf32, #tpu.memory_space<hbm>>) target_semaphore(%dma_start3A_201 : memref<!tpu.dma_semaphore, #tpu.memory_space<semaphore_mem>>)
    %add3A_204 = arith.constant 7168 : i32
    %add3A_205 = arith.addi %mul3A_9, %add3A_204 : i32
    %dma_wait3A_206 = arith.constant 2 : i32
    %dma_wait3A_207 = arith.constant 0 : i32
    %dma_wait3A_208 = tpu.memref_slice %arg3[%add3A_141, %dma_wait3A_207] : memref<1638400x128xf32, #tpu.memory_space<hbm>> -> memref<512x128xf32, #tpu.memory_space<hbm>>
    %dma_wait3A_209 = tpu.memref_slice %arg6[%dma_wait3A_206] : memref<4x!tpu.dma_semaphore, #tpu.memory_space<semaphore_mem>> -> memref<1x!tpu.dma_semaphore, #tpu.memory_space<semaphore_mem>>
    %dma_wait3A_210 = tpu.memref_squeeze %dma_wait3A_209 : memref<1x!tpu.dma_semaphore, #tpu.memory_space<semaphore_mem>> -> memref<!tpu.dma_semaphore, #tpu.memory_space<semaphore_mem>>
    %dma_wait3A_211 = arith.constant 0 : i32
    %dma_wait3A_212 = tpu.memref_slice %arg3[%add3A_141, %dma_wait3A_211] : memref<1638400x128xf32, #tpu.memory_space<hbm>> -> memref<512x128xf32, #tpu.memory_space<hbm>>
    tpu.wait_dma2 semaphore(%dma_wait3A_210 : memref<!tpu.dma_semaphore, #tpu.memory_space<semaphore_mem>>) src(%arg5 : memref<512x128xf32, #tpu.memory_space<vmem>>) dst(%dma_wait3A_212 : memref<512x128xf32, #tpu.memory_space<hbm>>)
    %dma_start3A_213 = arith.constant 2 : i32
    %dma_start3A_214 = arith.constant 0 : i32
    %dma_start3A_215 = tpu.memref_slice %arg3[%add3A_205, %dma_start3A_214] : memref<1638400x128xf32, #tpu.memory_space<hbm>> -> memref<512x128xf32, #tpu.memory_space<hbm>>
    %dma_start3A_216 = tpu.memref_slice %arg6[%dma_start3A_213] : memref<4x!tpu.dma_semaphore, #tpu.memory_space<semaphore_mem>> -> memref<1x!tpu.dma_semaphore, #tpu.memory_space<semaphore_mem>>
    %dma_start3A_217 = tpu.memref_squeeze %dma_start3A_216 : memref<1x!tpu.dma_semaphore, #tpu.memory_space<semaphore_mem>> -> memref<!tpu.dma_semaphore, #tpu.memory_space<semaphore_mem>>
    %dma_start3A_218 = arith.constant 0 : i32
    %dma_start3A_219 = tpu.memref_slice %arg3[%add3A_205, %dma_start3A_218] : memref<1638400x128xf32, #tpu.memory_space<hbm>> -> memref<512x128xf32, #tpu.memory_space<hbm>>
    tpu.enqueue_dma source(%arg5 : memref<512x128xf32, #tpu.memory_space<vmem>>) target(%dma_start3A_219 : memref<512x128xf32, #tpu.memory_space<hbm>>) target_semaphore(%dma_start3A_217 : memref<!tpu.dma_semaphore, #tpu.memory_space<semaphore_mem>>)
    %add3A_220 = arith.constant 7680 : i32
    %add3A_221 = arith.addi %mul3A_9, %add3A_220 : i32
    %dma_wait3A_222 = arith.constant 3 : i32
    %dma_wait3A_223 = arith.constant 0 : i32
    %dma_wait3A_224 = tpu.memref_slice %arg3[%add3A_157, %dma_wait3A_223] : memref<1638400x128xf32, #tpu.memory_space<hbm>> -> memref<512x128xf32, #tpu.memory_space<hbm>>
    %dma_wait3A_225 = tpu.memref_slice %arg6[%dma_wait3A_222] : memref<4x!tpu.dma_semaphore, #tpu.memory_space<semaphore_mem>> -> memref<1x!tpu.dma_semaphore, #tpu.memory_space<semaphore_mem>>
    %dma_wait3A_226 = tpu.memref_squeeze %dma_wait3A_225 : memref<1x!tpu.dma_semaphore, #tpu.memory_space<semaphore_mem>> -> memref<!tpu.dma_semaphore, #tpu.memory_space<semaphore_mem>>
    %dma_wait3A_227 = arith.constant 0 : i32
    %dma_wait3A_228 = tpu.memref_slice %arg3[%add3A_157, %dma_wait3A_227] : memref<1638400x128xf32, #tpu.memory_space<hbm>> -> memref<512x128xf32, #tpu.memory_space<hbm>>
    tpu.wait_dma2 semaphore(%dma_wait3A_226 : memref<!tpu.dma_semaphore, #tpu.memory_space<semaphore_mem>>) src(%arg5 : memref<512x128xf32, #tpu.memory_space<vmem>>) dst(%dma_wait3A_228 : memref<512x128xf32, #tpu.memory_space<hbm>>)
    %dma_start3A_229 = arith.constant 3 : i32
    %dma_start3A_230 = arith.constant 0 : i32
    %dma_start3A_231 = tpu.memref_slice %arg3[%add3A_221, %dma_start3A_230] : memref<1638400x128xf32, #tpu.memory_space<hbm>> -> memref<512x128xf32, #tpu.memory_space<hbm>>
    %dma_start3A_232 = tpu.memref_slice %arg6[%dma_start3A_229] : memref<4x!tpu.dma_semaphore, #tpu.memory_space<semaphore_mem>> -> memref<1x!tpu.dma_semaphore, #tpu.memory_space<semaphore_mem>>
    %dma_start3A_233 = tpu.memref_squeeze %dma_start3A_232 : memref<1x!tpu.dma_semaphore, #tpu.memory_space<semaphore_mem>> -> memref<!tpu.dma_semaphore, #tpu.memory_space<semaphore_mem>>
    %dma_start3A_234 = arith.constant 0 : i32
    %dma_start3A_235 = tpu.memref_slice %arg3[%add3A_221, %dma_start3A_234] : memref<1638400x128xf32, #tpu.memory_space<hbm>> -> memref<512x128xf32, #tpu.memory_space<hbm>>
    tpu.enqueue_dma source(%arg5 : memref<512x128xf32, #tpu.memory_space<vmem>>) target(%dma_start3A_235 : memref<512x128xf32, #tpu.memory_space<hbm>>) target_semaphore(%dma_start3A_233 : memref<!tpu.dma_semaphore, #tpu.memory_space<semaphore_mem>>)
    %add3A_236 = arith.constant 8192 : i32
    %add3A_237 = arith.addi %mul3A_9, %add3A_236 : i32
    %dma_wait3A_238 = arith.constant 0 : i32
    %dma_wait3A_239 = arith.constant 0 : i32
    %dma_wait3A_240 = tpu.memref_slice %arg3[%add3A_173, %dma_wait3A_239] : memref<1638400x128xf32, #tpu.memory_space<hbm>> -> memref<512x128xf32, #tpu.memory_space<hbm>>
    %dma_wait3A_241 = tpu.memref_slice %arg6[%dma_wait3A_238] : memref<4x!tpu.dma_semaphore, #tpu.memory_space<semaphore_mem>> -> memref<1x!tpu.dma_semaphore, #tpu.memory_space<semaphore_mem>>
    %dma_wait3A_242 = tpu.memref_squeeze %dma_wait3A_241 : memref<1x!tpu.dma_semaphore, #tpu.memory_space<semaphore_mem>> -> memref<!tpu.dma_semaphore, #tpu.memory_space<semaphore_mem>>
    %dma_wait3A_243 = arith.constant 0 : i32
    %dma_wait3A_244 = tpu.memref_slice %arg3[%add3A_173, %dma_wait3A_243] : memref<1638400x128xf32, #tpu.memory_space<hbm>> -> memref<512x128xf32, #tpu.memory_space<hbm>>
    tpu.wait_dma2 semaphore(%dma_wait3A_242 : memref<!tpu.dma_semaphore, #tpu.memory_space<semaphore_mem>>) src(%arg5 : memref<512x128xf32, #tpu.memory_space<vmem>>) dst(%dma_wait3A_244 : memref<512x128xf32, #tpu.memory_space<hbm>>)
    %dma_start3A_245 = arith.constant 0 : i32
    %dma_start3A_246 = arith.constant 0 : i32
    %dma_start3A_247 = tpu.memref_slice %arg3[%add3A_237, %dma_start3A_246] : memref<1638400x128xf32, #tpu.memory_space<hbm>> -> memref<512x128xf32, #tpu.memory_space<hbm>>
    %dma_start3A_248 = tpu.memref_slice %arg6[%dma_start3A_245] : memref<4x!tpu.dma_semaphore, #tpu.memory_space<semaphore_mem>> -> memref<1x!tpu.dma_semaphore, #tpu.memory_space<semaphore_mem>>
    %dma_start3A_249 = tpu.memref_squeeze %dma_start3A_248 : memref<1x!tpu.dma_semaphore, #tpu.memory_space<semaphore_mem>> -> memref<!tpu.dma_semaphore, #tpu.memory_space<semaphore_mem>>
    %dma_start3A_250 = arith.constant 0 : i32
    %dma_start3A_251 = tpu.memref_slice %arg3[%add3A_237, %dma_start3A_250] : memref<1638400x128xf32, #tpu.memory_space<hbm>> -> memref<512x128xf32, #tpu.memory_space<hbm>>
    tpu.enqueue_dma source(%arg5 : memref<512x128xf32, #tpu.memory_space<vmem>>) target(%dma_start3A_251 : memref<512x128xf32, #tpu.memory_space<hbm>>) target_semaphore(%dma_start3A_249 : memref<!tpu.dma_semaphore, #tpu.memory_space<semaphore_mem>>)
    %add3A_252 = arith.constant 8704 : i32
    %add3A_253 = arith.addi %mul3A_9, %add3A_252 : i32
    %dma_wait3A_254 = arith.constant 1 : i32
    %dma_wait3A_255 = arith.constant 0 : i32
    %dma_wait3A_256 = tpu.memref_slice %arg3[%add3A_189, %dma_wait3A_255] : memref<1638400x128xf32, #tpu.memory_space<hbm>> -> memref<512x128xf32, #tpu.memory_space<hbm>>
    %dma_wait3A_257 = tpu.memref_slice %arg6[%dma_wait3A_254] : memref<4x!tpu.dma_semaphore, #tpu.memory_space<semaphore_mem>> -> memref<1x!tpu.dma_semaphore, #tpu.memory_space<semaphore_mem>>
    %dma_wait3A_258 = tpu.memref_squeeze %dma_wait3A_257 : memref<1x!tpu.dma_semaphore, #tpu.memory_space<semaphore_mem>> -> memref<!tpu.dma_semaphore, #tpu.memory_space<semaphore_mem>>
    %dma_wait3A_259 = arith.constant 0 : i32
    %dma_wait3A_260 = tpu.memref_slice %arg3[%add3A_189, %dma_wait3A_259] : memref<1638400x128xf32, #tpu.memory_space<hbm>> -> memref<512x128xf32, #tpu.memory_space<hbm>>
    tpu.wait_dma2 semaphore(%dma_wait3A_258 : memref<!tpu.dma_semaphore, #tpu.memory_space<semaphore_mem>>) src(%arg5 : memref<512x128xf32, #tpu.memory_space<vmem>>) dst(%dma_wait3A_260 : memref<512x128xf32, #tpu.memory_space<hbm>>)
    %dma_start3A_261 = arith.constant 1 : i32
    %dma_start3A_262 = arith.constant 0 : i32
    %dma_start3A_263 = tpu.memref_slice %arg3[%add3A_253, %dma_start3A_262] : memref<1638400x128xf32, #tpu.memory_space<hbm>> -> memref<512x128xf32, #tpu.memory_space<hbm>>
    %dma_start3A_264 = tpu.memref_slice %arg6[%dma_start3A_261] : memref<4x!tpu.dma_semaphore, #tpu.memory_space<semaphore_mem>> -> memref<1x!tpu.dma_semaphore, #tpu.memory_space<semaphore_mem>>
    %dma_start3A_265 = tpu.memref_squeeze %dma_start3A_264 : memref<1x!tpu.dma_semaphore, #tpu.memory_space<semaphore_mem>> -> memref<!tpu.dma_semaphore, #tpu.memory_space<semaphore_mem>>
    %dma_start3A_266 = arith.constant 0 : i32
    %dma_start3A_267 = tpu.memref_slice %arg3[%add3A_253, %dma_start3A_266] : memref<1638400x128xf32, #tpu.memory_space<hbm>> -> memref<512x128xf32, #tpu.memory_space<hbm>>
    tpu.enqueue_dma source(%arg5 : memref<512x128xf32, #tpu.memory_space<vmem>>) target(%dma_start3A_267 : memref<512x128xf32, #tpu.memory_space<hbm>>) target_semaphore(%dma_start3A_265 : memref<!tpu.dma_semaphore, #tpu.memory_space<semaphore_mem>>)
    %add3A_268 = arith.constant 9216 : i32
    %add3A_269 = arith.addi %mul3A_9, %add3A_268 : i32
    %dma_wait3A_270 = arith.constant 2 : i32
    %dma_wait3A_271 = arith.constant 0 : i32
    %dma_wait3A_272 = tpu.memref_slice %arg3[%add3A_205, %dma_wait3A_271] : memref<1638400x128xf32, #tpu.memory_space<hbm>> -> memref<512x128xf32, #tpu.memory_space<hbm>>
    %dma_wait3A_273 = tpu.memref_slice %arg6[%dma_wait3A_270] : memref<4x!tpu.dma_semaphore, #tpu.memory_space<semaphore_mem>> -> memref<1x!tpu.dma_semaphore, #tpu.memory_space<semaphore_mem>>
    %dma_wait3A_274 = tpu.memref_squeeze %dma_wait3A_273 : memref<1x!tpu.dma_semaphore, #tpu.memory_space<semaphore_mem>> -> memref<!tpu.dma_semaphore, #tpu.memory_space<semaphore_mem>>
    %dma_wait3A_275 = arith.constant 0 : i32
    %dma_wait3A_276 = tpu.memref_slice %arg3[%add3A_205, %dma_wait3A_275] : memref<1638400x128xf32, #tpu.memory_space<hbm>> -> memref<512x128xf32, #tpu.memory_space<hbm>>
    tpu.wait_dma2 semaphore(%dma_wait3A_274 : memref<!tpu.dma_semaphore, #tpu.memory_space<semaphore_mem>>) src(%arg5 : memref<512x128xf32, #tpu.memory_space<vmem>>) dst(%dma_wait3A_276 : memref<512x128xf32, #tpu.memory_space<hbm>>)
    %dma_start3A_277 = arith.constant 2 : i32
    %dma_start3A_278 = arith.constant 0 : i32
    %dma_start3A_279 = tpu.memref_slice %arg3[%add3A_269, %dma_start3A_278] : memref<1638400x128xf32, #tpu.memory_space<hbm>> -> memref<512x128xf32, #tpu.memory_space<hbm>>
    %dma_start3A_280 = tpu.memref_slice %arg6[%dma_start3A_277] : memref<4x!tpu.dma_semaphore, #tpu.memory_space<semaphore_mem>> -> memref<1x!tpu.dma_semaphore, #tpu.memory_space<semaphore_mem>>
    %dma_start3A_281 = tpu.memref_squeeze %dma_start3A_280 : memref<1x!tpu.dma_semaphore, #tpu.memory_space<semaphore_mem>> -> memref<!tpu.dma_semaphore, #tpu.memory_space<semaphore_mem>>
    %dma_start3A_282 = arith.constant 0 : i32
    %dma_start3A_283 = tpu.memref_slice %arg3[%add3A_269, %dma_start3A_282] : memref<1638400x128xf32, #tpu.memory_space<hbm>> -> memref<512x128xf32, #tpu.memory_space<hbm>>
    tpu.enqueue_dma source(%arg5 : memref<512x128xf32, #tpu.memory_space<vmem>>) target(%dma_start3A_283 : memref<512x128xf32, #tpu.memory_space<hbm>>) target_semaphore(%dma_start3A_281 : memref<!tpu.dma_semaphore, #tpu.memory_space<semaphore_mem>>)
    %add3A_284 = arith.constant 9728 : i32
    %add3A_285 = arith.addi %mul3A_9, %add3A_284 : i32
    %dma_wait3A_286 = arith.constant 3 : i32
    %dma_wait3A_287 = arith.constant 0 : i32
    %dma_wait3A_288 = tpu.memref_slice %arg3[%add3A_221, %dma_wait3A_287] : memref<1638400x128xf32, #tpu.memory_space<hbm>> -> memref<512x128xf32, #tpu.memory_space<hbm>>
    %dma_wait3A_289 = tpu.memref_slice %arg6[%dma_wait3A_286] : memref<4x!tpu.dma_semaphore, #tpu.memory_space<semaphore_mem>> -> memref<1x!tpu.dma_semaphore, #tpu.memory_space<semaphore_mem>>
    %dma_wait3A_290 = tpu.memref_squeeze %dma_wait3A_289 : memref<1x!tpu.dma_semaphore, #tpu.memory_space<semaphore_mem>> -> memref<!tpu.dma_semaphore, #tpu.memory_space<semaphore_mem>>
    %dma_wait3A_291 = arith.constant 0 : i32
    %dma_wait3A_292 = tpu.memref_slice %arg3[%add3A_221, %dma_wait3A_291] : memref<1638400x128xf32, #tpu.memory_space<hbm>> -> memref<512x128xf32, #tpu.memory_space<hbm>>
    tpu.wait_dma2 semaphore(%dma_wait3A_290 : memref<!tpu.dma_semaphore, #tpu.memory_space<semaphore_mem>>) src(%arg5 : memref<512x128xf32, #tpu.memory_space<vmem>>) dst(%dma_wait3A_292 : memref<512x128xf32, #tpu.memory_space<hbm>>)
    %dma_start3A_293 = arith.constant 3 : i32
    %dma_start3A_294 = arith.constant 0 : i32
    %dma_start3A_295 = tpu.memref_slice %arg3[%add3A_285, %dma_start3A_294] : memref<1638400x128xf32, #tpu.memory_space<hbm>> -> memref<512x128xf32, #tpu.memory_space<hbm>>
    %dma_start3A_296 = tpu.memref_slice %arg6[%dma_start3A_293] : memref<4x!tpu.dma_semaphore, #tpu.memory_space<semaphore_mem>> -> memref<1x!tpu.dma_semaphore, #tpu.memory_space<semaphore_mem>>
    %dma_start3A_297 = tpu.memref_squeeze %dma_start3A_296 : memref<1x!tpu.dma_semaphore, #tpu.memory_space<semaphore_mem>> -> memref<!tpu.dma_semaphore, #tpu.memory_space<semaphore_mem>>
    %dma_start3A_298 = arith.constant 0 : i32
    %dma_start3A_299 = tpu.memref_slice %arg3[%add3A_285, %dma_start3A_298] : memref<1638400x128xf32, #tpu.memory_space<hbm>> -> memref<512x128xf32, #tpu.memory_space<hbm>>
    tpu.enqueue_dma source(%arg5 : memref<512x128xf32, #tpu.memory_space<vmem>>) target(%dma_start3A_299 : memref<512x128xf32, #tpu.memory_space<hbm>>) target_semaphore(%dma_start3A_297 : memref<!tpu.dma_semaphore, #tpu.memory_space<semaphore_mem>>)
    %add3A_300 = arith.constant 10240 : i32
    %add3A_301 = arith.addi %mul3A_9, %add3A_300 : i32
    %dma_wait3A_302 = arith.constant 0 : i32
    %dma_wait3A_303 = arith.constant 0 : i32
    %dma_wait3A_304 = tpu.memref_slice %arg3[%add3A_237, %dma_wait3A_303] : memref<1638400x128xf32, #tpu.memory_space<hbm>> -> memref<512x128xf32, #tpu.memory_space<hbm>>
    %dma_wait3A_305 = tpu.memref_slice %arg6[%dma_wait3A_302] : memref<4x!tpu.dma_semaphore, #tpu.memory_space<semaphore_mem>> -> memref<1x!tpu.dma_semaphore, #tpu.memory_space<semaphore_mem>>
    %dma_wait3A_306 = tpu.memref_squeeze %dma_wait3A_305 : memref<1x!tpu.dma_semaphore, #tpu.memory_space<semaphore_mem>> -> memref<!tpu.dma_semaphore, #tpu.memory_space<semaphore_mem>>
    %dma_wait3A_307 = arith.constant 0 : i32
    %dma_wait3A_308 = tpu.memref_slice %arg3[%add3A_237, %dma_wait3A_307] : memref<1638400x128xf32, #tpu.memory_space<hbm>> -> memref<512x128xf32, #tpu.memory_space<hbm>>
    tpu.wait_dma2 semaphore(%dma_wait3A_306 : memref<!tpu.dma_semaphore, #tpu.memory_space<semaphore_mem>>) src(%arg5 : memref<512x128xf32, #tpu.memory_space<vmem>>) dst(%dma_wait3A_308 : memref<512x128xf32, #tpu.memory_space<hbm>>)
    %dma_start3A_309 = arith.constant 0 : i32
    %dma_start3A_310 = arith.constant 0 : i32
    %dma_start3A_311 = tpu.memref_slice %arg3[%add3A_301, %dma_start3A_310] : memref<1638400x128xf32, #tpu.memory_space<hbm>> -> memref<512x128xf32, #tpu.memory_space<hbm>>
    %dma_start3A_312 = tpu.memref_slice %arg6[%dma_start3A_309] : memref<4x!tpu.dma_semaphore, #tpu.memory_space<semaphore_mem>> -> memref<1x!tpu.dma_semaphore, #tpu.memory_space<semaphore_mem>>
    %dma_start3A_313 = tpu.memref_squeeze %dma_start3A_312 : memref<1x!tpu.dma_semaphore, #tpu.memory_space<semaphore_mem>> -> memref<!tpu.dma_semaphore, #tpu.memory_space<semaphore_mem>>
    %dma_start3A_314 = arith.constant 0 : i32
    %dma_start3A_315 = tpu.memref_slice %arg3[%add3A_301, %dma_start3A_314] : memref<1638400x128xf32, #tpu.memory_space<hbm>> -> memref<512x128xf32, #tpu.memory_space<hbm>>
    tpu.enqueue_dma source(%arg5 : memref<512x128xf32, #tpu.memory_space<vmem>>) target(%dma_start3A_315 : memref<512x128xf32, #tpu.memory_space<hbm>>) target_semaphore(%dma_start3A_313 : memref<!tpu.dma_semaphore, #tpu.memory_space<semaphore_mem>>)
    %add3A_316 = arith.constant 10752 : i32
    %add3A_317 = arith.addi %mul3A_9, %add3A_316 : i32
    %dma_wait3A_318 = arith.constant 1 : i32
    %dma_wait3A_319 = arith.constant 0 : i32
    %dma_wait3A_320 = tpu.memref_slice %arg3[%add3A_253, %dma_wait3A_319] : memref<1638400x128xf32, #tpu.memory_space<hbm>> -> memref<512x128xf32, #tpu.memory_space<hbm>>
    %dma_wait3A_321 = tpu.memref_slice %arg6[%dma_wait3A_318] : memref<4x!tpu.dma_semaphore, #tpu.memory_space<semaphore_mem>> -> memref<1x!tpu.dma_semaphore, #tpu.memory_space<semaphore_mem>>
    %dma_wait3A_322 = tpu.memref_squeeze %dma_wait3A_321 : memref<1x!tpu.dma_semaphore, #tpu.memory_space<semaphore_mem>> -> memref<!tpu.dma_semaphore, #tpu.memory_space<semaphore_mem>>
    %dma_wait3A_323 = arith.constant 0 : i32
    %dma_wait3A_324 = tpu.memref_slice %arg3[%add3A_253, %dma_wait3A_323] : memref<1638400x128xf32, #tpu.memory_space<hbm>> -> memref<512x128xf32, #tpu.memory_space<hbm>>
    tpu.wait_dma2 semaphore(%dma_wait3A_322 : memref<!tpu.dma_semaphore, #tpu.memory_space<semaphore_mem>>) src(%arg5 : memref<512x128xf32, #tpu.memory_space<vmem>>) dst(%dma_wait3A_324 : memref<512x128xf32, #tpu.memory_space<hbm>>)
    %dma_start3A_325 = arith.constant 1 : i32
    %dma_start3A_326 = arith.constant 0 : i32
    %dma_start3A_327 = tpu.memref_slice %arg3[%add3A_317, %dma_start3A_326] : memref<1638400x128xf32, #tpu.memory_space<hbm>> -> memref<512x128xf32, #tpu.memory_space<hbm>>
    %dma_start3A_328 = tpu.memref_slice %arg6[%dma_start3A_325] : memref<4x!tpu.dma_semaphore, #tpu.memory_space<semaphore_mem>> -> memref<1x!tpu.dma_semaphore, #tpu.memory_space<semaphore_mem>>
    %dma_start3A_329 = tpu.memref_squeeze %dma_start3A_328 : memref<1x!tpu.dma_semaphore, #tpu.memory_space<semaphore_mem>> -> memref<!tpu.dma_semaphore, #tpu.memory_space<semaphore_mem>>
    %dma_start3A_330 = arith.constant 0 : i32
    %dma_start3A_331 = tpu.memref_slice %arg3[%add3A_317, %dma_start3A_330] : memref<1638400x128xf32, #tpu.memory_space<hbm>> -> memref<512x128xf32, #tpu.memory_space<hbm>>
    tpu.enqueue_dma source(%arg5 : memref<512x128xf32, #tpu.memory_space<vmem>>) target(%dma_start3A_331 : memref<512x128xf32, #tpu.memory_space<hbm>>) target_semaphore(%dma_start3A_329 : memref<!tpu.dma_semaphore, #tpu.memory_space<semaphore_mem>>)
    %add3A_332 = arith.constant 11264 : i32
    %add3A_333 = arith.addi %mul3A_9, %add3A_332 : i32
    %dma_wait3A_334 = arith.constant 2 : i32
    %dma_wait3A_335 = arith.constant 0 : i32
    %dma_wait3A_336 = tpu.memref_slice %arg3[%add3A_269, %dma_wait3A_335] : memref<1638400x128xf32, #tpu.memory_space<hbm>> -> memref<512x128xf32, #tpu.memory_space<hbm>>
    %dma_wait3A_337 = tpu.memref_slice %arg6[%dma_wait3A_334] : memref<4x!tpu.dma_semaphore, #tpu.memory_space<semaphore_mem>> -> memref<1x!tpu.dma_semaphore, #tpu.memory_space<semaphore_mem>>
    %dma_wait3A_338 = tpu.memref_squeeze %dma_wait3A_337 : memref<1x!tpu.dma_semaphore, #tpu.memory_space<semaphore_mem>> -> memref<!tpu.dma_semaphore, #tpu.memory_space<semaphore_mem>>
    %dma_wait3A_339 = arith.constant 0 : i32
    %dma_wait3A_340 = tpu.memref_slice %arg3[%add3A_269, %dma_wait3A_339] : memref<1638400x128xf32, #tpu.memory_space<hbm>> -> memref<512x128xf32, #tpu.memory_space<hbm>>
    tpu.wait_dma2 semaphore(%dma_wait3A_338 : memref<!tpu.dma_semaphore, #tpu.memory_space<semaphore_mem>>) src(%arg5 : memref<512x128xf32, #tpu.memory_space<vmem>>) dst(%dma_wait3A_340 : memref<512x128xf32, #tpu.memory_space<hbm>>)
    %dma_start3A_341 = arith.constant 2 : i32
    %dma_start3A_342 = arith.constant 0 : i32
    %dma_start3A_343 = tpu.memref_slice %arg3[%add3A_333, %dma_start3A_342] : memref<1638400x128xf32, #tpu.memory_space<hbm>> -> memref<512x128xf32, #tpu.memory_space<hbm>>
    %dma_start3A_344 = tpu.memref_slice %arg6[%dma_start3A_341] : memref<4x!tpu.dma_semaphore, #tpu.memory_space<semaphore_mem>> -> memref<1x!tpu.dma_semaphore, #tpu.memory_space<semaphore_mem>>
    %dma_start3A_345 = tpu.memref_squeeze %dma_start3A_344 : memref<1x!tpu.dma_semaphore, #tpu.memory_space<semaphore_mem>> -> memref<!tpu.dma_semaphore, #tpu.memory_space<semaphore_mem>>
    %dma_start3A_346 = arith.constant 0 : i32
    %dma_start3A_347 = tpu.memref_slice %arg3[%add3A_333, %dma_start3A_346] : memref<1638400x128xf32, #tpu.memory_space<hbm>> -> memref<512x128xf32, #tpu.memory_space<hbm>>
    tpu.enqueue_dma source(%arg5 : memref<512x128xf32, #tpu.memory_space<vmem>>) target(%dma_start3A_347 : memref<512x128xf32, #tpu.memory_space<hbm>>) target_semaphore(%dma_start3A_345 : memref<!tpu.dma_semaphore, #tpu.memory_space<semaphore_mem>>)
    %add3A_348 = arith.constant 11776 : i32
    %add3A_349 = arith.addi %mul3A_9, %add3A_348 : i32
    %dma_wait3A_350 = arith.constant 3 : i32
    %dma_wait3A_351 = arith.constant 0 : i32
    %dma_wait3A_352 = tpu.memref_slice %arg3[%add3A_285, %dma_wait3A_351] : memref<1638400x128xf32, #tpu.memory_space<hbm>> -> memref<512x128xf32, #tpu.memory_space<hbm>>
    %dma_wait3A_353 = tpu.memref_slice %arg6[%dma_wait3A_350] : memref<4x!tpu.dma_semaphore, #tpu.memory_space<semaphore_mem>> -> memref<1x!tpu.dma_semaphore, #tpu.memory_space<semaphore_mem>>
    %dma_wait3A_354 = tpu.memref_squeeze %dma_wait3A_353 : memref<1x!tpu.dma_semaphore, #tpu.memory_space<semaphore_mem>> -> memref<!tpu.dma_semaphore, #tpu.memory_space<semaphore_mem>>
    %dma_wait3A_355 = arith.constant 0 : i32
    %dma_wait3A_356 = tpu.memref_slice %arg3[%add3A_285, %dma_wait3A_355] : memref<1638400x128xf32, #tpu.memory_space<hbm>> -> memref<512x128xf32, #tpu.memory_space<hbm>>
    tpu.wait_dma2 semaphore(%dma_wait3A_354 : memref<!tpu.dma_semaphore, #tpu.memory_space<semaphore_mem>>) src(%arg5 : memref<512x128xf32, #tpu.memory_space<vmem>>) dst(%dma_wait3A_356 : memref<512x128xf32, #tpu.memory_space<hbm>>)
    %dma_start3A_357 = arith.constant 3 : i32
    %dma_start3A_358 = arith.constant 0 : i32
    %dma_start3A_359 = tpu.memref_slice %arg3[%add3A_349, %dma_start3A_358] : memref<1638400x128xf32, #tpu.memory_space<hbm>> -> memref<512x128xf32, #tpu.memory_space<hbm>>
    %dma_start3A_360 = tpu.memref_slice %arg6[%dma_start3A_357] : memref<4x!tpu.dma_semaphore, #tpu.memory_space<semaphore_mem>> -> memref<1x!tpu.dma_semaphore, #tpu.memory_space<semaphore_mem>>
    %dma_start3A_361 = tpu.memref_squeeze %dma_start3A_360 : memref<1x!tpu.dma_semaphore, #tpu.memory_space<semaphore_mem>> -> memref<!tpu.dma_semaphore, #tpu.memory_space<semaphore_mem>>
    %dma_start3A_362 = arith.constant 0 : i32
    %dma_start3A_363 = tpu.memref_slice %arg3[%add3A_349, %dma_start3A_362] : memref<1638400x128xf32, #tpu.memory_space<hbm>> -> memref<512x128xf32, #tpu.memory_space<hbm>>
    tpu.enqueue_dma source(%arg5 : memref<512x128xf32, #tpu.memory_space<vmem>>) target(%dma_start3A_363 : memref<512x128xf32, #tpu.memory_space<hbm>>) target_semaphore(%dma_start3A_361 : memref<!tpu.dma_semaphore, #tpu.memory_space<semaphore_mem>>)
    %add3A_364 = arith.constant 12288 : i32
    %add3A_365 = arith.addi %mul3A_9, %add3A_364 : i32
    %dma_wait3A_366 = arith.constant 0 : i32
    %dma_wait3A_367 = arith.constant 0 : i32
    %dma_wait3A_368 = tpu.memref_slice %arg3[%add3A_301, %dma_wait3A_367] : memref<1638400x128xf32, #tpu.memory_space<hbm>> -> memref<512x128xf32, #tpu.memory_space<hbm>>
    %dma_wait3A_369 = tpu.memref_slice %arg6[%dma_wait3A_366] : memref<4x!tpu.dma_semaphore, #tpu.memory_space<semaphore_mem>> -> memref<1x!tpu.dma_semaphore, #tpu.memory_space<semaphore_mem>>
    %dma_wait3A_370 = tpu.memref_squeeze %dma_wait3A_369 : memref<1x!tpu.dma_semaphore, #tpu.memory_space<semaphore_mem>> -> memref<!tpu.dma_semaphore, #tpu.memory_space<semaphore_mem>>
    %dma_wait3A_371 = arith.constant 0 : i32
    %dma_wait3A_372 = tpu.memref_slice %arg3[%add3A_301, %dma_wait3A_371] : memref<1638400x128xf32, #tpu.memory_space<hbm>> -> memref<512x128xf32, #tpu.memory_space<hbm>>
    tpu.wait_dma2 semaphore(%dma_wait3A_370 : memref<!tpu.dma_semaphore, #tpu.memory_space<semaphore_mem>>) src(%arg5 : memref<512x128xf32, #tpu.memory_space<vmem>>) dst(%dma_wait3A_372 : memref<512x128xf32, #tpu.memory_space<hbm>>)
    %dma_start3A_373 = arith.constant 0 : i32
    %dma_start3A_374 = arith.constant 0 : i32
    %dma_start3A_375 = tpu.memref_slice %arg3[%add3A_365, %dma_start3A_374] : memref<1638400x128xf32, #tpu.memory_space<hbm>> -> memref<512x128xf32, #tpu.memory_space<hbm>>
    %dma_start3A_376 = tpu.memref_slice %arg6[%dma_start3A_373] : memref<4x!tpu.dma_semaphore, #tpu.memory_space<semaphore_mem>> -> memref<1x!tpu.dma_semaphore, #tpu.memory_space<semaphore_mem>>
    %dma_start3A_377 = tpu.memref_squeeze %dma_start3A_376 : memref<1x!tpu.dma_semaphore, #tpu.memory_space<semaphore_mem>> -> memref<!tpu.dma_semaphore, #tpu.memory_space<semaphore_mem>>
    %dma_start3A_378 = arith.constant 0 : i32
    %dma_start3A_379 = tpu.memref_slice %arg3[%add3A_365, %dma_start3A_378] : memref<1638400x128xf32, #tpu.memory_space<hbm>> -> memref<512x128xf32, #tpu.memory_space<hbm>>
    tpu.enqueue_dma source(%arg5 : memref<512x128xf32, #tpu.memory_space<vmem>>) target(%dma_start3A_379 : memref<512x128xf32, #tpu.memory_space<hbm>>) target_semaphore(%dma_start3A_377 : memref<!tpu.dma_semaphore, #tpu.memory_space<semaphore_mem>>)
    %add3A_380 = arith.constant 12800 : i32
    %add3A_381 = arith.addi %mul3A_9, %add3A_380 : i32
    %dma_wait3A_382 = arith.constant 1 : i32
    %dma_wait3A_383 = arith.constant 0 : i32
    %dma_wait3A_384 = tpu.memref_slice %arg3[%add3A_317, %dma_wait3A_383] : memref<1638400x128xf32, #tpu.memory_space<hbm>> -> memref<512x128xf32, #tpu.memory_space<hbm>>
    %dma_wait3A_385 = tpu.memref_slice %arg6[%dma_wait3A_382] : memref<4x!tpu.dma_semaphore, #tpu.memory_space<semaphore_mem>> -> memref<1x!tpu.dma_semaphore, #tpu.memory_space<semaphore_mem>>
    %dma_wait3A_386 = tpu.memref_squeeze %dma_wait3A_385 : memref<1x!tpu.dma_semaphore, #tpu.memory_space<semaphore_mem>> -> memref<!tpu.dma_semaphore, #tpu.memory_space<semaphore_mem>>
    %dma_wait3A_387 = arith.constant 0 : i32
    %dma_wait3A_388 = tpu.memref_slice %arg3[%add3A_317, %dma_wait3A_387] : memref<1638400x128xf32, #tpu.memory_space<hbm>> -> memref<512x128xf32, #tpu.memory_space<hbm>>
    tpu.wait_dma2 semaphore(%dma_wait3A_386 : memref<!tpu.dma_semaphore, #tpu.memory_space<semaphore_mem>>) src(%arg5 : memref<512x128xf32, #tpu.memory_space<vmem>>) dst(%dma_wait3A_388 : memref<512x128xf32, #tpu.memory_space<hbm>>)
    %dma_start3A_389 = arith.constant 1 : i32
    %dma_start3A_390 = arith.constant 0 : i32
    %dma_start3A_391 = tpu.memref_slice %arg3[%add3A_381, %dma_start3A_390] : memref<1638400x128xf32, #tpu.memory_space<hbm>> -> memref<512x128xf32, #tpu.memory_space<hbm>>
    %dma_start3A_392 = tpu.memref_slice %arg6[%dma_start3A_389] : memref<4x!tpu.dma_semaphore, #tpu.memory_space<semaphore_mem>> -> memref<1x!tpu.dma_semaphore, #tpu.memory_space<semaphore_mem>>
    %dma_start3A_393 = tpu.memref_squeeze %dma_start3A_392 : memref<1x!tpu.dma_semaphore, #tpu.memory_space<semaphore_mem>> -> memref<!tpu.dma_semaphore, #tpu.memory_space<semaphore_mem>>
    %dma_start3A_394 = arith.constant 0 : i32
    %dma_start3A_395 = tpu.memref_slice %arg3[%add3A_381, %dma_start3A_394] : memref<1638400x128xf32, #tpu.memory_space<hbm>> -> memref<512x128xf32, #tpu.memory_space<hbm>>
    tpu.enqueue_dma source(%arg5 : memref<512x128xf32, #tpu.memory_space<vmem>>) target(%dma_start3A_395 : memref<512x128xf32, #tpu.memory_space<hbm>>) target_semaphore(%dma_start3A_393 : memref<!tpu.dma_semaphore, #tpu.memory_space<semaphore_mem>>)
    %add3A_396 = arith.constant 13312 : i32
    %add3A_397 = arith.addi %mul3A_9, %add3A_396 : i32
    %dma_wait3A_398 = arith.constant 2 : i32
    %dma_wait3A_399 = arith.constant 0 : i32
    %dma_wait3A_400 = tpu.memref_slice %arg3[%add3A_333, %dma_wait3A_399] : memref<1638400x128xf32, #tpu.memory_space<hbm>> -> memref<512x128xf32, #tpu.memory_space<hbm>>
    %dma_wait3A_401 = tpu.memref_slice %arg6[%dma_wait3A_398] : memref<4x!tpu.dma_semaphore, #tpu.memory_space<semaphore_mem>> -> memref<1x!tpu.dma_semaphore, #tpu.memory_space<semaphore_mem>>
    %dma_wait3A_402 = tpu.memref_squeeze %dma_wait3A_401 : memref<1x!tpu.dma_semaphore, #tpu.memory_space<semaphore_mem>> -> memref<!tpu.dma_semaphore, #tpu.memory_space<semaphore_mem>>
    %dma_wait3A_403 = arith.constant 0 : i32
    %dma_wait3A_404 = tpu.memref_slice %arg3[%add3A_333, %dma_wait3A_403] : memref<1638400x128xf32, #tpu.memory_space<hbm>> -> memref<512x128xf32, #tpu.memory_space<hbm>>
    tpu.wait_dma2 semaphore(%dma_wait3A_402 : memref<!tpu.dma_semaphore, #tpu.memory_space<semaphore_mem>>) src(%arg5 : memref<512x128xf32, #tpu.memory_space<vmem>>) dst(%dma_wait3A_404 : memref<512x128xf32, #tpu.memory_space<hbm>>)
    %dma_start3A_405 = arith.constant 2 : i32
    %dma_start3A_406 = arith.constant 0 : i32
    %dma_start3A_407 = tpu.memref_slice %arg3[%add3A_397, %dma_start3A_406] : memref<1638400x128xf32, #tpu.memory_space<hbm>> -> memref<512x128xf32, #tpu.memory_space<hbm>>
    %dma_start3A_408 = tpu.memref_slice %arg6[%dma_start3A_405] : memref<4x!tpu.dma_semaphore, #tpu.memory_space<semaphore_mem>> -> memref<1x!tpu.dma_semaphore, #tpu.memory_space<semaphore_mem>>
    %dma_start3A_409 = tpu.memref_squeeze %dma_start3A_408 : memref<1x!tpu.dma_semaphore, #tpu.memory_space<semaphore_mem>> -> memref<!tpu.dma_semaphore, #tpu.memory_space<semaphore_mem>>
    %dma_start3A_410 = arith.constant 0 : i32
    %dma_start3A_411 = tpu.memref_slice %arg3[%add3A_397, %dma_start3A_410] : memref<1638400x128xf32, #tpu.memory_space<hbm>> -> memref<512x128xf32, #tpu.memory_space<hbm>>
    tpu.enqueue_dma source(%arg5 : memref<512x128xf32, #tpu.memory_space<vmem>>) target(%dma_start3A_411 : memref<512x128xf32, #tpu.memory_space<hbm>>) target_semaphore(%dma_start3A_409 : memref<!tpu.dma_semaphore, #tpu.memory_space<semaphore_mem>>)
    %add3A_412 = arith.constant 13824 : i32
    %add3A_413 = arith.addi %mul3A_9, %add3A_412 : i32
    %dma_wait3A_414 = arith.constant 3 : i32
    %dma_wait3A_415 = arith.constant 0 : i32
    %dma_wait3A_416 = tpu.memref_slice %arg3[%add3A_349, %dma_wait3A_415] : memref<1638400x128xf32, #tpu.memory_space<hbm>> -> memref<512x128xf32, #tpu.memory_space<hbm>>
    %dma_wait3A_417 = tpu.memref_slice %arg6[%dma_wait3A_414] : memref<4x!tpu.dma_semaphore, #tpu.memory_space<semaphore_mem>> -> memref<1x!tpu.dma_semaphore, #tpu.memory_space<semaphore_mem>>
    %dma_wait3A_418 = tpu.memref_squeeze %dma_wait3A_417 : memref<1x!tpu.dma_semaphore, #tpu.memory_space<semaphore_mem>> -> memref<!tpu.dma_semaphore, #tpu.memory_space<semaphore_mem>>
    %dma_wait3A_419 = arith.constant 0 : i32
    %dma_wait3A_420 = tpu.memref_slice %arg3[%add3A_349, %dma_wait3A_419] : memref<1638400x128xf32, #tpu.memory_space<hbm>> -> memref<512x128xf32, #tpu.memory_space<hbm>>
    tpu.wait_dma2 semaphore(%dma_wait3A_418 : memref<!tpu.dma_semaphore, #tpu.memory_space<semaphore_mem>>) src(%arg5 : memref<512x128xf32, #tpu.memory_space<vmem>>) dst(%dma_wait3A_420 : memref<512x128xf32, #tpu.memory_space<hbm>>)
    %dma_start3A_421 = arith.constant 3 : i32
    %dma_start3A_422 = arith.constant 0 : i32
    %dma_start3A_423 = tpu.memref_slice %arg3[%add3A_413, %dma_start3A_422] : memref<1638400x128xf32, #tpu.memory_space<hbm>> -> memref<512x128xf32, #tpu.memory_space<hbm>>
    %dma_start3A_424 = tpu.memref_slice %arg6[%dma_start3A_421] : memref<4x!tpu.dma_semaphore, #tpu.memory_space<semaphore_mem>> -> memref<1x!tpu.dma_semaphore, #tpu.memory_space<semaphore_mem>>
    %dma_start3A_425 = tpu.memref_squeeze %dma_start3A_424 : memref<1x!tpu.dma_semaphore, #tpu.memory_space<semaphore_mem>> -> memref<!tpu.dma_semaphore, #tpu.memory_space<semaphore_mem>>
    %dma_start3A_426 = arith.constant 0 : i32
    %dma_start3A_427 = tpu.memref_slice %arg3[%add3A_413, %dma_start3A_426] : memref<1638400x128xf32, #tpu.memory_space<hbm>> -> memref<512x128xf32, #tpu.memory_space<hbm>>
    tpu.enqueue_dma source(%arg5 : memref<512x128xf32, #tpu.memory_space<vmem>>) target(%dma_start3A_427 : memref<512x128xf32, #tpu.memory_space<hbm>>) target_semaphore(%dma_start3A_425 : memref<!tpu.dma_semaphore, #tpu.memory_space<semaphore_mem>>)
    %add3A_428 = arith.constant 14336 : i32
    %add3A_429 = arith.addi %mul3A_9, %add3A_428 : i32
    %dma_wait3A_430 = arith.constant 0 : i32
    %dma_wait3A_431 = arith.constant 0 : i32
    %dma_wait3A_432 = tpu.memref_slice %arg3[%add3A_365, %dma_wait3A_431] : memref<1638400x128xf32, #tpu.memory_space<hbm>> -> memref<512x128xf32, #tpu.memory_space<hbm>>
    %dma_wait3A_433 = tpu.memref_slice %arg6[%dma_wait3A_430] : memref<4x!tpu.dma_semaphore, #tpu.memory_space<semaphore_mem>> -> memref<1x!tpu.dma_semaphore, #tpu.memory_space<semaphore_mem>>
    %dma_wait3A_434 = tpu.memref_squeeze %dma_wait3A_433 : memref<1x!tpu.dma_semaphore, #tpu.memory_space<semaphore_mem>> -> memref<!tpu.dma_semaphore, #tpu.memory_space<semaphore_mem>>
    %dma_wait3A_435 = arith.constant 0 : i32
    %dma_wait3A_436 = tpu.memref_slice %arg3[%add3A_365, %dma_wait3A_435] : memref<1638400x128xf32, #tpu.memory_space<hbm>> -> memref<512x128xf32, #tpu.memory_space<hbm>>
    tpu.wait_dma2 semaphore(%dma_wait3A_434 : memref<!tpu.dma_semaphore, #tpu.memory_space<semaphore_mem>>) src(%arg5 : memref<512x128xf32, #tpu.memory_space<vmem>>) dst(%dma_wait3A_436 : memref<512x128xf32, #tpu.memory_space<hbm>>)
    %dma_start3A_437 = arith.constant 0 : i32
    %dma_start3A_438 = arith.constant 0 : i32
    %dma_start3A_439 = tpu.memref_slice %arg3[%add3A_429, %dma_start3A_438] : memref<1638400x128xf32, #tpu.memory_space<hbm>> -> memref<512x128xf32, #tpu.memory_space<hbm>>
    %dma_start3A_440 = tpu.memref_slice %arg6[%dma_start3A_437] : memref<4x!tpu.dma_semaphore, #tpu.memory_space<semaphore_mem>> -> memref<1x!tpu.dma_semaphore, #tpu.memory_space<semaphore_mem>>
    %dma_start3A_441 = tpu.memref_squeeze %dma_start3A_440 : memref<1x!tpu.dma_semaphore, #tpu.memory_space<semaphore_mem>> -> memref<!tpu.dma_semaphore, #tpu.memory_space<semaphore_mem>>
    %dma_start3A_442 = arith.constant 0 : i32
    %dma_start3A_443 = tpu.memref_slice %arg3[%add3A_429, %dma_start3A_442] : memref<1638400x128xf32, #tpu.memory_space<hbm>> -> memref<512x128xf32, #tpu.memory_space<hbm>>
    tpu.enqueue_dma source(%arg5 : memref<512x128xf32, #tpu.memory_space<vmem>>) target(%dma_start3A_443 : memref<512x128xf32, #tpu.memory_space<hbm>>) target_semaphore(%dma_start3A_441 : memref<!tpu.dma_semaphore, #tpu.memory_space<semaphore_mem>>)
    %add3A_444 = arith.constant 14848 : i32
    %add3A_445 = arith.addi %mul3A_9, %add3A_444 : i32
    %dma_wait3A_446 = arith.constant 1 : i32
    %dma_wait3A_447 = arith.constant 0 : i32
    %dma_wait3A_448 = tpu.memref_slice %arg3[%add3A_381, %dma_wait3A_447] : memref<1638400x128xf32, #tpu.memory_space<hbm>> -> memref<512x128xf32, #tpu.memory_space<hbm>>
    %dma_wait3A_449 = tpu.memref_slice %arg6[%dma_wait3A_446] : memref<4x!tpu.dma_semaphore, #tpu.memory_space<semaphore_mem>> -> memref<1x!tpu.dma_semaphore, #tpu.memory_space<semaphore_mem>>
    %dma_wait3A_450 = tpu.memref_squeeze %dma_wait3A_449 : memref<1x!tpu.dma_semaphore, #tpu.memory_space<semaphore_mem>> -> memref<!tpu.dma_semaphore, #tpu.memory_space<semaphore_mem>>
    %dma_wait3A_451 = arith.constant 0 : i32
    %dma_wait3A_452 = tpu.memref_slice %arg3[%add3A_381, %dma_wait3A_451] : memref<1638400x128xf32, #tpu.memory_space<hbm>> -> memref<512x128xf32, #tpu.memory_space<hbm>>
    tpu.wait_dma2 semaphore(%dma_wait3A_450 : memref<!tpu.dma_semaphore, #tpu.memory_space<semaphore_mem>>) src(%arg5 : memref<512x128xf32, #tpu.memory_space<vmem>>) dst(%dma_wait3A_452 : memref<512x128xf32, #tpu.memory_space<hbm>>)
    %dma_start3A_453 = arith.constant 1 : i32
    %dma_start3A_454 = arith.constant 0 : i32
    %dma_start3A_455 = tpu.memref_slice %arg3[%add3A_445, %dma_start3A_454] : memref<1638400x128xf32, #tpu.memory_space<hbm>> -> memref<512x128xf32, #tpu.memory_space<hbm>>
    %dma_start3A_456 = tpu.memref_slice %arg6[%dma_start3A_453] : memref<4x!tpu.dma_semaphore, #tpu.memory_space<semaphore_mem>> -> memref<1x!tpu.dma_semaphore, #tpu.memory_space<semaphore_mem>>
    %dma_start3A_457 = tpu.memref_squeeze %dma_start3A_456 : memref<1x!tpu.dma_semaphore, #tpu.memory_space<semaphore_mem>> -> memref<!tpu.dma_semaphore, #tpu.memory_space<semaphore_mem>>
    %dma_start3A_458 = arith.constant 0 : i32
    %dma_start3A_459 = tpu.memref_slice %arg3[%add3A_445, %dma_start3A_458] : memref<1638400x128xf32, #tpu.memory_space<hbm>> -> memref<512x128xf32, #tpu.memory_space<hbm>>
    tpu.enqueue_dma source(%arg5 : memref<512x128xf32, #tpu.memory_space<vmem>>) target(%dma_start3A_459 : memref<512x128xf32, #tpu.memory_space<hbm>>) target_semaphore(%dma_start3A_457 : memref<!tpu.dma_semaphore, #tpu.memory_space<semaphore_mem>>)
    %add3A_460 = arith.constant 15360 : i32
    %add3A_461 = arith.addi %mul3A_9, %add3A_460 : i32
    %dma_wait3A_462 = arith.constant 2 : i32
    %dma_wait3A_463 = arith.constant 0 : i32
    %dma_wait3A_464 = tpu.memref_slice %arg3[%add3A_397, %dma_wait3A_463] : memref<1638400x128xf32, #tpu.memory_space<hbm>> -> memref<512x128xf32, #tpu.memory_space<hbm>>
    %dma_wait3A_465 = tpu.memref_slice %arg6[%dma_wait3A_462] : memref<4x!tpu.dma_semaphore, #tpu.memory_space<semaphore_mem>> -> memref<1x!tpu.dma_semaphore, #tpu.memory_space<semaphore_mem>>
    %dma_wait3A_466 = tpu.memref_squeeze %dma_wait3A_465 : memref<1x!tpu.dma_semaphore, #tpu.memory_space<semaphore_mem>> -> memref<!tpu.dma_semaphore, #tpu.memory_space<semaphore_mem>>
    %dma_wait3A_467 = arith.constant 0 : i32
    %dma_wait3A_468 = tpu.memref_slice %arg3[%add3A_397, %dma_wait3A_467] : memref<1638400x128xf32, #tpu.memory_space<hbm>> -> memref<512x128xf32, #tpu.memory_space<hbm>>
    tpu.wait_dma2 semaphore(%dma_wait3A_466 : memref<!tpu.dma_semaphore, #tpu.memory_space<semaphore_mem>>) src(%arg5 : memref<512x128xf32, #tpu.memory_space<vmem>>) dst(%dma_wait3A_468 : memref<512x128xf32, #tpu.memory_space<hbm>>)
    %dma_start3A_469 = arith.constant 2 : i32
    %dma_start3A_470 = arith.constant 0 : i32
    %dma_start3A_471 = tpu.memref_slice %arg3[%add3A_461, %dma_start3A_470] : memref<1638400x128xf32, #tpu.memory_space<hbm>> -> memref<512x128xf32, #tpu.memory_space<hbm>>
    %dma_start3A_472 = tpu.memref_slice %arg6[%dma_start3A_469] : memref<4x!tpu.dma_semaphore, #tpu.memory_space<semaphore_mem>> -> memref<1x!tpu.dma_semaphore, #tpu.memory_space<semaphore_mem>>
    %dma_start3A_473 = tpu.memref_squeeze %dma_start3A_472 : memref<1x!tpu.dma_semaphore, #tpu.memory_space<semaphore_mem>> -> memref<!tpu.dma_semaphore, #tpu.memory_space<semaphore_mem>>
    %dma_start3A_474 = arith.constant 0 : i32
    %dma_start3A_475 = tpu.memref_slice %arg3[%add3A_461, %dma_start3A_474] : memref<1638400x128xf32, #tpu.memory_space<hbm>> -> memref<512x128xf32, #tpu.memory_space<hbm>>
    tpu.enqueue_dma source(%arg5 : memref<512x128xf32, #tpu.memory_space<vmem>>) target(%dma_start3A_475 : memref<512x128xf32, #tpu.memory_space<hbm>>) target_semaphore(%dma_start3A_473 : memref<!tpu.dma_semaphore, #tpu.memory_space<semaphore_mem>>)
    %add3A_476 = arith.constant 15872 : i32
    %add3A_477 = arith.addi %mul3A_9, %add3A_476 : i32
    %dma_wait3A_478 = arith.constant 3 : i32
    %dma_wait3A_479 = arith.constant 0 : i32
    %dma_wait3A_480 = tpu.memref_slice %arg3[%add3A_413, %dma_wait3A_479] : memref<1638400x128xf32, #tpu.memory_space<hbm>> -> memref<512x128xf32, #tpu.memory_space<hbm>>
    %dma_wait3A_481 = tpu.memref_slice %arg6[%dma_wait3A_478] : memref<4x!tpu.dma_semaphore, #tpu.memory_space<semaphore_mem>> -> memref<1x!tpu.dma_semaphore, #tpu.memory_space<semaphore_mem>>
    %dma_wait3A_482 = tpu.memref_squeeze %dma_wait3A_481 : memref<1x!tpu.dma_semaphore, #tpu.memory_space<semaphore_mem>> -> memref<!tpu.dma_semaphore, #tpu.memory_space<semaphore_mem>>
    %dma_wait3A_483 = arith.constant 0 : i32
    %dma_wait3A_484 = tpu.memref_slice %arg3[%add3A_413, %dma_wait3A_483] : memref<1638400x128xf32, #tpu.memory_space<hbm>> -> memref<512x128xf32, #tpu.memory_space<hbm>>
    tpu.wait_dma2 semaphore(%dma_wait3A_482 : memref<!tpu.dma_semaphore, #tpu.memory_space<semaphore_mem>>) src(%arg5 : memref<512x128xf32, #tpu.memory_space<vmem>>) dst(%dma_wait3A_484 : memref<512x128xf32, #tpu.memory_space<hbm>>)
    %dma_start3A_485 = arith.constant 3 : i32
    %dma_start3A_486 = arith.constant 0 : i32
    %dma_start3A_487 = tpu.memref_slice %arg3[%add3A_477, %dma_start3A_486] : memref<1638400x128xf32, #tpu.memory_space<hbm>> -> memref<512x128xf32, #tpu.memory_space<hbm>>
    %dma_start3A_488 = tpu.memref_slice %arg6[%dma_start3A_485] : memref<4x!tpu.dma_semaphore, #tpu.memory_space<semaphore_mem>> -> memref<1x!tpu.dma_semaphore, #tpu.memory_space<semaphore_mem>>
    %dma_start3A_489 = tpu.memref_squeeze %dma_start3A_488 : memref<1x!tpu.dma_semaphore, #tpu.memory_space<semaphore_mem>> -> memref<!tpu.dma_semaphore, #tpu.memory_space<semaphore_mem>>
    %dma_start3A_490 = arith.constant 0 : i32
    %dma_start3A_491 = tpu.memref_slice %arg3[%add3A_477, %dma_start3A_490] : memref<1638400x128xf32, #tpu.memory_space<hbm>> -> memref<512x128xf32, #tpu.memory_space<hbm>>
    tpu.enqueue_dma source(%arg5 : memref<512x128xf32, #tpu.memory_space<vmem>>) target(%dma_start3A_491 : memref<512x128xf32, #tpu.memory_space<hbm>>) target_semaphore(%dma_start3A_489 : memref<!tpu.dma_semaphore, #tpu.memory_space<semaphore_mem>>)
    %add3A_492 = arith.constant 16384 : i32
    %add3A_493 = arith.addi %mul3A_9, %add3A_492 : i32
    %dma_wait3A_494 = arith.constant 0 : i32
    %dma_wait3A_495 = arith.constant 0 : i32
    %dma_wait3A_496 = tpu.memref_slice %arg3[%add3A_429, %dma_wait3A_495] : memref<1638400x128xf32, #tpu.memory_space<hbm>> -> memref<512x128xf32, #tpu.memory_space<hbm>>
    %dma_wait3A_497 = tpu.memref_slice %arg6[%dma_wait3A_494] : memref<4x!tpu.dma_semaphore, #tpu.memory_space<semaphore_mem>> -> memref<1x!tpu.dma_semaphore, #tpu.memory_space<semaphore_mem>>
    %dma_wait3A_498 = tpu.memref_squeeze %dma_wait3A_497 : memref<1x!tpu.dma_semaphore, #tpu.memory_space<semaphore_mem>> -> memref<!tpu.dma_semaphore, #tpu.memory_space<semaphore_mem>>
    %dma_wait3A_499 = arith.constant 0 : i32
    %dma_wait3A_500 = tpu.memref_slice %arg3[%add3A_429, %dma_wait3A_499] : memref<1638400x128xf32, #tpu.memory_space<hbm>> -> memref<512x128xf32, #tpu.memory_space<hbm>>
    tpu.wait_dma2 semaphore(%dma_wait3A_498 : memref<!tpu.dma_semaphore, #tpu.memory_space<semaphore_mem>>) src(%arg5 : memref<512x128xf32, #tpu.memory_space<vmem>>) dst(%dma_wait3A_500 : memref<512x128xf32, #tpu.memory_space<hbm>>)
    %dma_start3A_501 = arith.constant 0 : i32
    %dma_start3A_502 = arith.constant 0 : i32
    %dma_start3A_503 = tpu.memref_slice %arg3[%add3A_493, %dma_start3A_502] : memref<1638400x128xf32, #tpu.memory_space<hbm>> -> memref<512x128xf32, #tpu.memory_space<hbm>>
    %dma_start3A_504 = tpu.memref_slice %arg6[%dma_start3A_501] : memref<4x!tpu.dma_semaphore, #tpu.memory_space<semaphore_mem>> -> memref<1x!tpu.dma_semaphore, #tpu.memory_space<semaphore_mem>>
    %dma_start3A_505 = tpu.memref_squeeze %dma_start3A_504 : memref<1x!tpu.dma_semaphore, #tpu.memory_space<semaphore_mem>> -> memref<!tpu.dma_semaphore, #tpu.memory_space<semaphore_mem>>
    %dma_start3A_506 = arith.constant 0 : i32
    %dma_start3A_507 = tpu.memref_slice %arg3[%add3A_493, %dma_start3A_506] : memref<1638400x128xf32, #tpu.memory_space<hbm>> -> memref<512x128xf32, #tpu.memory_space<hbm>>
    tpu.enqueue_dma source(%arg5 : memref<512x128xf32, #tpu.memory_space<vmem>>) target(%dma_start3A_507 : memref<512x128xf32, #tpu.memory_space<hbm>>) target_semaphore(%dma_start3A_505 : memref<!tpu.dma_semaphore, #tpu.memory_space<semaphore_mem>>)
    %add3A_508 = arith.constant 16896 : i32
    %add3A_509 = arith.addi %mul3A_9, %add3A_508 : i32
    %dma_wait3A_510 = arith.constant 1 : i32
    %dma_wait3A_511 = arith.constant 0 : i32
    %dma_wait3A_512 = tpu.memref_slice %arg3[%add3A_445, %dma_wait3A_511] : memref<1638400x128xf32, #tpu.memory_space<hbm>> -> memref<512x128xf32, #tpu.memory_space<hbm>>
    %dma_wait3A_513 = tpu.memref_slice %arg6[%dma_wait3A_510] : memref<4x!tpu.dma_semaphore, #tpu.memory_space<semaphore_mem>> -> memref<1x!tpu.dma_semaphore, #tpu.memory_space<semaphore_mem>>
    %dma_wait3A_514 = tpu.memref_squeeze %dma_wait3A_513 : memref<1x!tpu.dma_semaphore, #tpu.memory_space<semaphore_mem>> -> memref<!tpu.dma_semaphore, #tpu.memory_space<semaphore_mem>>
    %dma_wait3A_515 = arith.constant 0 : i32
    %dma_wait3A_516 = tpu.memref_slice %arg3[%add3A_445, %dma_wait3A_515] : memref<1638400x128xf32, #tpu.memory_space<hbm>> -> memref<512x128xf32, #tpu.memory_space<hbm>>
    tpu.wait_dma2 semaphore(%dma_wait3A_514 : memref<!tpu.dma_semaphore, #tpu.memory_space<semaphore_mem>>) src(%arg5 : memref<512x128xf32, #tpu.memory_space<vmem>>) dst(%dma_wait3A_516 : memref<512x128xf32, #tpu.memory_space<hbm>>)
    %dma_start3A_517 = arith.constant 1 : i32
    %dma_start3A_518 = arith.constant 0 : i32
    %dma_start3A_519 = tpu.memref_slice %arg3[%add3A_509, %dma_start3A_518] : memref<1638400x128xf32, #tpu.memory_space<hbm>> -> memref<512x128xf32, #tpu.memory_space<hbm>>
    %dma_start3A_520 = tpu.memref_slice %arg6[%dma_start3A_517] : memref<4x!tpu.dma_semaphore, #tpu.memory_space<semaphore_mem>> -> memref<1x!tpu.dma_semaphore, #tpu.memory_space<semaphore_mem>>
    %dma_start3A_521 = tpu.memref_squeeze %dma_start3A_520 : memref<1x!tpu.dma_semaphore, #tpu.memory_space<semaphore_mem>> -> memref<!tpu.dma_semaphore, #tpu.memory_space<semaphore_mem>>
    %dma_start3A_522 = arith.constant 0 : i32
    %dma_start3A_523 = tpu.memref_slice %arg3[%add3A_509, %dma_start3A_522] : memref<1638400x128xf32, #tpu.memory_space<hbm>> -> memref<512x128xf32, #tpu.memory_space<hbm>>
    tpu.enqueue_dma source(%arg5 : memref<512x128xf32, #tpu.memory_space<vmem>>) target(%dma_start3A_523 : memref<512x128xf32, #tpu.memory_space<hbm>>) target_semaphore(%dma_start3A_521 : memref<!tpu.dma_semaphore, #tpu.memory_space<semaphore_mem>>)
    %add3A_524 = arith.constant 17408 : i32
    %add3A_525 = arith.addi %mul3A_9, %add3A_524 : i32
    %dma_wait3A_526 = arith.constant 2 : i32
    %dma_wait3A_527 = arith.constant 0 : i32
    %dma_wait3A_528 = tpu.memref_slice %arg3[%add3A_461, %dma_wait3A_527] : memref<1638400x128xf32, #tpu.memory_space<hbm>> -> memref<512x128xf32, #tpu.memory_space<hbm>>
    %dma_wait3A_529 = tpu.memref_slice %arg6[%dma_wait3A_526] : memref<4x!tpu.dma_semaphore, #tpu.memory_space<semaphore_mem>> -> memref<1x!tpu.dma_semaphore, #tpu.memory_space<semaphore_mem>>
    %dma_wait3A_530 = tpu.memref_squeeze %dma_wait3A_529 : memref<1x!tpu.dma_semaphore, #tpu.memory_space<semaphore_mem>> -> memref<!tpu.dma_semaphore, #tpu.memory_space<semaphore_mem>>
    %dma_wait3A_531 = arith.constant 0 : i32
    %dma_wait3A_532 = tpu.memref_slice %arg3[%add3A_461, %dma_wait3A_531] : memref<1638400x128xf32, #tpu.memory_space<hbm>> -> memref<512x128xf32, #tpu.memory_space<hbm>>
    tpu.wait_dma2 semaphore(%dma_wait3A_530 : memref<!tpu.dma_semaphore, #tpu.memory_space<semaphore_mem>>) src(%arg5 : memref<512x128xf32, #tpu.memory_space<vmem>>) dst(%dma_wait3A_532 : memref<512x128xf32, #tpu.memory_space<hbm>>)
    %dma_start3A_533 = arith.constant 2 : i32
    %dma_start3A_534 = arith.constant 0 : i32
    %dma_start3A_535 = tpu.memref_slice %arg3[%add3A_525, %dma_start3A_534] : memref<1638400x128xf32, #tpu.memory_space<hbm>> -> memref<512x128xf32, #tpu.memory_space<hbm>>
    %dma_start3A_536 = tpu.memref_slice %arg6[%dma_start3A_533] : memref<4x!tpu.dma_semaphore, #tpu.memory_space<semaphore_mem>> -> memref<1x!tpu.dma_semaphore, #tpu.memory_space<semaphore_mem>>
    %dma_start3A_537 = tpu.memref_squeeze %dma_start3A_536 : memref<1x!tpu.dma_semaphore, #tpu.memory_space<semaphore_mem>> -> memref<!tpu.dma_semaphore, #tpu.memory_space<semaphore_mem>>
    %dma_start3A_538 = arith.constant 0 : i32
    %dma_start3A_539 = tpu.memref_slice %arg3[%add3A_525, %dma_start3A_538] : memref<1638400x128xf32, #tpu.memory_space<hbm>> -> memref<512x128xf32, #tpu.memory_space<hbm>>
    tpu.enqueue_dma source(%arg5 : memref<512x128xf32, #tpu.memory_space<vmem>>) target(%dma_start3A_539 : memref<512x128xf32, #tpu.memory_space<hbm>>) target_semaphore(%dma_start3A_537 : memref<!tpu.dma_semaphore, #tpu.memory_space<semaphore_mem>>)
    %add3A_540 = arith.constant 17920 : i32
    %add3A_541 = arith.addi %mul3A_9, %add3A_540 : i32
    %dma_wait3A_542 = arith.constant 3 : i32
    %dma_wait3A_543 = arith.constant 0 : i32
    %dma_wait3A_544 = tpu.memref_slice %arg3[%add3A_477, %dma_wait3A_543] : memref<1638400x128xf32, #tpu.memory_space<hbm>> -> memref<512x128xf32, #tpu.memory_space<hbm>>
    %dma_wait3A_545 = tpu.memref_slice %arg6[%dma_wait3A_542] : memref<4x!tpu.dma_semaphore, #tpu.memory_space<semaphore_mem>> -> memref<1x!tpu.dma_semaphore, #tpu.memory_space<semaphore_mem>>
    %dma_wait3A_546 = tpu.memref_squeeze %dma_wait3A_545 : memref<1x!tpu.dma_semaphore, #tpu.memory_space<semaphore_mem>> -> memref<!tpu.dma_semaphore, #tpu.memory_space<semaphore_mem>>
    %dma_wait3A_547 = arith.constant 0 : i32
    %dma_wait3A_548 = tpu.memref_slice %arg3[%add3A_477, %dma_wait3A_547] : memref<1638400x128xf32, #tpu.memory_space<hbm>> -> memref<512x128xf32, #tpu.memory_space<hbm>>
    tpu.wait_dma2 semaphore(%dma_wait3A_546 : memref<!tpu.dma_semaphore, #tpu.memory_space<semaphore_mem>>) src(%arg5 : memref<512x128xf32, #tpu.memory_space<vmem>>) dst(%dma_wait3A_548 : memref<512x128xf32, #tpu.memory_space<hbm>>)
    %dma_start3A_549 = arith.constant 3 : i32
    %dma_start3A_550 = arith.constant 0 : i32
    %dma_start3A_551 = tpu.memref_slice %arg3[%add3A_541, %dma_start3A_550] : memref<1638400x128xf32, #tpu.memory_space<hbm>> -> memref<512x128xf32, #tpu.memory_space<hbm>>
    %dma_start3A_552 = tpu.memref_slice %arg6[%dma_start3A_549] : memref<4x!tpu.dma_semaphore, #tpu.memory_space<semaphore_mem>> -> memref<1x!tpu.dma_semaphore, #tpu.memory_space<semaphore_mem>>
    %dma_start3A_553 = tpu.memref_squeeze %dma_start3A_552 : memref<1x!tpu.dma_semaphore, #tpu.memory_space<semaphore_mem>> -> memref<!tpu.dma_semaphore, #tpu.memory_space<semaphore_mem>>
    %dma_start3A_554 = arith.constant 0 : i32
    %dma_start3A_555 = tpu.memref_slice %arg3[%add3A_541, %dma_start3A_554] : memref<1638400x128xf32, #tpu.memory_space<hbm>> -> memref<512x128xf32, #tpu.memory_space<hbm>>
    tpu.enqueue_dma source(%arg5 : memref<512x128xf32, #tpu.memory_space<vmem>>) target(%dma_start3A_555 : memref<512x128xf32, #tpu.memory_space<hbm>>) target_semaphore(%dma_start3A_553 : memref<!tpu.dma_semaphore, #tpu.memory_space<semaphore_mem>>)
    %add3A_556 = arith.constant 18432 : i32
    %add3A_557 = arith.addi %mul3A_9, %add3A_556 : i32
    %dma_wait3A_558 = arith.constant 0 : i32
    %dma_wait3A_559 = arith.constant 0 : i32
    %dma_wait3A_560 = tpu.memref_slice %arg3[%add3A_493, %dma_wait3A_559] : memref<1638400x128xf32, #tpu.memory_space<hbm>> -> memref<512x128xf32, #tpu.memory_space<hbm>>
    %dma_wait3A_561 = tpu.memref_slice %arg6[%dma_wait3A_558] : memref<4x!tpu.dma_semaphore, #tpu.memory_space<semaphore_mem>> -> memref<1x!tpu.dma_semaphore, #tpu.memory_space<semaphore_mem>>
    %dma_wait3A_562 = tpu.memref_squeeze %dma_wait3A_561 : memref<1x!tpu.dma_semaphore, #tpu.memory_space<semaphore_mem>> -> memref<!tpu.dma_semaphore, #tpu.memory_space<semaphore_mem>>
    %dma_wait3A_563 = arith.constant 0 : i32
    %dma_wait3A_564 = tpu.memref_slice %arg3[%add3A_493, %dma_wait3A_563] : memref<1638400x128xf32, #tpu.memory_space<hbm>> -> memref<512x128xf32, #tpu.memory_space<hbm>>
    tpu.wait_dma2 semaphore(%dma_wait3A_562 : memref<!tpu.dma_semaphore, #tpu.memory_space<semaphore_mem>>) src(%arg5 : memref<512x128xf32, #tpu.memory_space<vmem>>) dst(%dma_wait3A_564 : memref<512x128xf32, #tpu.memory_space<hbm>>)
    %dma_start3A_565 = arith.constant 0 : i32
    %dma_start3A_566 = arith.constant 0 : i32
    %dma_start3A_567 = tpu.memref_slice %arg3[%add3A_557, %dma_start3A_566] : memref<1638400x128xf32, #tpu.memory_space<hbm>> -> memref<512x128xf32, #tpu.memory_space<hbm>>
    %dma_start3A_568 = tpu.memref_slice %arg6[%dma_start3A_565] : memref<4x!tpu.dma_semaphore, #tpu.memory_space<semaphore_mem>> -> memref<1x!tpu.dma_semaphore, #tpu.memory_space<semaphore_mem>>
    %dma_start3A_569 = tpu.memref_squeeze %dma_start3A_568 : memref<1x!tpu.dma_semaphore, #tpu.memory_space<semaphore_mem>> -> memref<!tpu.dma_semaphore, #tpu.memory_space<semaphore_mem>>
    %dma_start3A_570 = arith.constant 0 : i32
    %dma_start3A_571 = tpu.memref_slice %arg3[%add3A_557, %dma_start3A_570] : memref<1638400x128xf32, #tpu.memory_space<hbm>> -> memref<512x128xf32, #tpu.memory_space<hbm>>
    tpu.enqueue_dma source(%arg5 : memref<512x128xf32, #tpu.memory_space<vmem>>) target(%dma_start3A_571 : memref<512x128xf32, #tpu.memory_space<hbm>>) target_semaphore(%dma_start3A_569 : memref<!tpu.dma_semaphore, #tpu.memory_space<semaphore_mem>>)
    %add3A_572 = arith.constant 18944 : i32
    %add3A_573 = arith.addi %mul3A_9, %add3A_572 : i32
    %dma_wait3A_574 = arith.constant 1 : i32
    %dma_wait3A_575 = arith.constant 0 : i32
    %dma_wait3A_576 = tpu.memref_slice %arg3[%add3A_509, %dma_wait3A_575] : memref<1638400x128xf32, #tpu.memory_space<hbm>> -> memref<512x128xf32, #tpu.memory_space<hbm>>
    %dma_wait3A_577 = tpu.memref_slice %arg6[%dma_wait3A_574] : memref<4x!tpu.dma_semaphore, #tpu.memory_space<semaphore_mem>> -> memref<1x!tpu.dma_semaphore, #tpu.memory_space<semaphore_mem>>
    %dma_wait3A_578 = tpu.memref_squeeze %dma_wait3A_577 : memref<1x!tpu.dma_semaphore, #tpu.memory_space<semaphore_mem>> -> memref<!tpu.dma_semaphore, #tpu.memory_space<semaphore_mem>>
    %dma_wait3A_579 = arith.constant 0 : i32
    %dma_wait3A_580 = tpu.memref_slice %arg3[%add3A_509, %dma_wait3A_579] : memref<1638400x128xf32, #tpu.memory_space<hbm>> -> memref<512x128xf32, #tpu.memory_space<hbm>>
    tpu.wait_dma2 semaphore(%dma_wait3A_578 : memref<!tpu.dma_semaphore, #tpu.memory_space<semaphore_mem>>) src(%arg5 : memref<512x128xf32, #tpu.memory_space<vmem>>) dst(%dma_wait3A_580 : memref<512x128xf32, #tpu.memory_space<hbm>>)
    %dma_start3A_581 = arith.constant 1 : i32
    %dma_start3A_582 = arith.constant 0 : i32
    %dma_start3A_583 = tpu.memref_slice %arg3[%add3A_573, %dma_start3A_582] : memref<1638400x128xf32, #tpu.memory_space<hbm>> -> memref<512x128xf32, #tpu.memory_space<hbm>>
    %dma_start3A_584 = tpu.memref_slice %arg6[%dma_start3A_581] : memref<4x!tpu.dma_semaphore, #tpu.memory_space<semaphore_mem>> -> memref<1x!tpu.dma_semaphore, #tpu.memory_space<semaphore_mem>>
    %dma_start3A_585 = tpu.memref_squeeze %dma_start3A_584 : memref<1x!tpu.dma_semaphore, #tpu.memory_space<semaphore_mem>> -> memref<!tpu.dma_semaphore, #tpu.memory_space<semaphore_mem>>
    %dma_start3A_586 = arith.constant 0 : i32
    %dma_start3A_587 = tpu.memref_slice %arg3[%add3A_573, %dma_start3A_586] : memref<1638400x128xf32, #tpu.memory_space<hbm>> -> memref<512x128xf32, #tpu.memory_space<hbm>>
    tpu.enqueue_dma source(%arg5 : memref<512x128xf32, #tpu.memory_space<vmem>>) target(%dma_start3A_587 : memref<512x128xf32, #tpu.memory_space<hbm>>) target_semaphore(%dma_start3A_585 : memref<!tpu.dma_semaphore, #tpu.memory_space<semaphore_mem>>)
    %add3A_588 = arith.constant 19456 : i32
    %add3A_589 = arith.addi %mul3A_9, %add3A_588 : i32
    %dma_wait3A_590 = arith.constant 2 : i32
    %dma_wait3A_591 = arith.constant 0 : i32
    %dma_wait3A_592 = tpu.memref_slice %arg3[%add3A_525, %dma_wait3A_591] : memref<1638400x128xf32, #tpu.memory_space<hbm>> -> memref<512x128xf32, #tpu.memory_space<hbm>>
    %dma_wait3A_593 = tpu.memref_slice %arg6[%dma_wait3A_590] : memref<4x!tpu.dma_semaphore, #tpu.memory_space<semaphore_mem>> -> memref<1x!tpu.dma_semaphore, #tpu.memory_space<semaphore_mem>>
    %dma_wait3A_594 = tpu.memref_squeeze %dma_wait3A_593 : memref<1x!tpu.dma_semaphore, #tpu.memory_space<semaphore_mem>> -> memref<!tpu.dma_semaphore, #tpu.memory_space<semaphore_mem>>
    %dma_wait3A_595 = arith.constant 0 : i32
    %dma_wait3A_596 = tpu.memref_slice %arg3[%add3A_525, %dma_wait3A_595] : memref<1638400x128xf32, #tpu.memory_space<hbm>> -> memref<512x128xf32, #tpu.memory_space<hbm>>
    tpu.wait_dma2 semaphore(%dma_wait3A_594 : memref<!tpu.dma_semaphore, #tpu.memory_space<semaphore_mem>>) src(%arg5 : memref<512x128xf32, #tpu.memory_space<vmem>>) dst(%dma_wait3A_596 : memref<512x128xf32, #tpu.memory_space<hbm>>)
    %dma_start3A_597 = arith.constant 2 : i32
    %dma_start3A_598 = arith.constant 0 : i32
    %dma_start3A_599 = tpu.memref_slice %arg3[%add3A_589, %dma_start3A_598] : memref<1638400x128xf32, #tpu.memory_space<hbm>> -> memref<512x128xf32, #tpu.memory_space<hbm>>
    %dma_start3A_600 = tpu.memref_slice %arg6[%dma_start3A_597] : memref<4x!tpu.dma_semaphore, #tpu.memory_space<semaphore_mem>> -> memref<1x!tpu.dma_semaphore, #tpu.memory_space<semaphore_mem>>
    %dma_start3A_601 = tpu.memref_squeeze %dma_start3A_600 : memref<1x!tpu.dma_semaphore, #tpu.memory_space<semaphore_mem>> -> memref<!tpu.dma_semaphore, #tpu.memory_space<semaphore_mem>>
    %dma_start3A_602 = arith.constant 0 : i32
    %dma_start3A_603 = tpu.memref_slice %arg3[%add3A_589, %dma_start3A_602] : memref<1638400x128xf32, #tpu.memory_space<hbm>> -> memref<512x128xf32, #tpu.memory_space<hbm>>
    tpu.enqueue_dma source(%arg5 : memref<512x128xf32, #tpu.memory_space<vmem>>) target(%dma_start3A_603 : memref<512x128xf32, #tpu.memory_space<hbm>>) target_semaphore(%dma_start3A_601 : memref<!tpu.dma_semaphore, #tpu.memory_space<semaphore_mem>>)
    %add3A_604 = arith.constant 19968 : i32
    %add3A_605 = arith.addi %mul3A_9, %add3A_604 : i32
    %dma_wait3A_606 = arith.constant 3 : i32
    %dma_wait3A_607 = arith.constant 0 : i32
    %dma_wait3A_608 = tpu.memref_slice %arg3[%add3A_541, %dma_wait3A_607] : memref<1638400x128xf32, #tpu.memory_space<hbm>> -> memref<512x128xf32, #tpu.memory_space<hbm>>
    %dma_wait3A_609 = tpu.memref_slice %arg6[%dma_wait3A_606] : memref<4x!tpu.dma_semaphore, #tpu.memory_space<semaphore_mem>> -> memref<1x!tpu.dma_semaphore, #tpu.memory_space<semaphore_mem>>
    %dma_wait3A_610 = tpu.memref_squeeze %dma_wait3A_609 : memref<1x!tpu.dma_semaphore, #tpu.memory_space<semaphore_mem>> -> memref<!tpu.dma_semaphore, #tpu.memory_space<semaphore_mem>>
    %dma_wait3A_611 = arith.constant 0 : i32
    %dma_wait3A_612 = tpu.memref_slice %arg3[%add3A_541, %dma_wait3A_611] : memref<1638400x128xf32, #tpu.memory_space<hbm>> -> memref<512x128xf32, #tpu.memory_space<hbm>>
    tpu.wait_dma2 semaphore(%dma_wait3A_610 : memref<!tpu.dma_semaphore, #tpu.memory_space<semaphore_mem>>) src(%arg5 : memref<512x128xf32, #tpu.memory_space<vmem>>) dst(%dma_wait3A_612 : memref<512x128xf32, #tpu.memory_space<hbm>>)
    %dma_start3A_613 = arith.constant 3 : i32
    %dma_start3A_614 = arith.constant 0 : i32
    %dma_start3A_615 = tpu.memref_slice %arg3[%add3A_605, %dma_start3A_614] : memref<1638400x128xf32, #tpu.memory_space<hbm>> -> memref<512x128xf32, #tpu.memory_space<hbm>>
    %dma_start3A_616 = tpu.memref_slice %arg6[%dma_start3A_613] : memref<4x!tpu.dma_semaphore, #tpu.memory_space<semaphore_mem>> -> memref<1x!tpu.dma_semaphore, #tpu.memory_space<semaphore_mem>>
    %dma_start3A_617 = tpu.memref_squeeze %dma_start3A_616 : memref<1x!tpu.dma_semaphore, #tpu.memory_space<semaphore_mem>> -> memref<!tpu.dma_semaphore, #tpu.memory_space<semaphore_mem>>
    %dma_start3A_618 = arith.constant 0 : i32
    %dma_start3A_619 = tpu.memref_slice %arg3[%add3A_605, %dma_start3A_618] : memref<1638400x128xf32, #tpu.memory_space<hbm>> -> memref<512x128xf32, #tpu.memory_space<hbm>>
    tpu.enqueue_dma source(%arg5 : memref<512x128xf32, #tpu.memory_space<vmem>>) target(%dma_start3A_619 : memref<512x128xf32, #tpu.memory_space<hbm>>) target_semaphore(%dma_start3A_617 : memref<!tpu.dma_semaphore, #tpu.memory_space<semaphore_mem>>)
    %add3A_620 = arith.constant 20480 : i32
    %add3A_621 = arith.addi %mul3A_9, %add3A_620 : i32
    %dma_wait3A_622 = arith.constant 0 : i32
    %dma_wait3A_623 = arith.constant 0 : i32
    %dma_wait3A_624 = tpu.memref_slice %arg3[%add3A_557, %dma_wait3A_623] : memref<1638400x128xf32, #tpu.memory_space<hbm>> -> memref<512x128xf32, #tpu.memory_space<hbm>>
    %dma_wait3A_625 = tpu.memref_slice %arg6[%dma_wait3A_622] : memref<4x!tpu.dma_semaphore, #tpu.memory_space<semaphore_mem>> -> memref<1x!tpu.dma_semaphore, #tpu.memory_space<semaphore_mem>>
    %dma_wait3A_626 = tpu.memref_squeeze %dma_wait3A_625 : memref<1x!tpu.dma_semaphore, #tpu.memory_space<semaphore_mem>> -> memref<!tpu.dma_semaphore, #tpu.memory_space<semaphore_mem>>
    %dma_wait3A_627 = arith.constant 0 : i32
    %dma_wait3A_628 = tpu.memref_slice %arg3[%add3A_557, %dma_wait3A_627] : memref<1638400x128xf32, #tpu.memory_space<hbm>> -> memref<512x128xf32, #tpu.memory_space<hbm>>
    tpu.wait_dma2 semaphore(%dma_wait3A_626 : memref<!tpu.dma_semaphore, #tpu.memory_space<semaphore_mem>>) src(%arg5 : memref<512x128xf32, #tpu.memory_space<vmem>>) dst(%dma_wait3A_628 : memref<512x128xf32, #tpu.memory_space<hbm>>)
    %dma_start3A_629 = arith.constant 0 : i32
    %dma_start3A_630 = arith.constant 0 : i32
    %dma_start3A_631 = tpu.memref_slice %arg3[%add3A_621, %dma_start3A_630] : memref<1638400x128xf32, #tpu.memory_space<hbm>> -> memref<512x128xf32, #tpu.memory_space<hbm>>
    %dma_start3A_632 = tpu.memref_slice %arg6[%dma_start3A_629] : memref<4x!tpu.dma_semaphore, #tpu.memory_space<semaphore_mem>> -> memref<1x!tpu.dma_semaphore, #tpu.memory_space<semaphore_mem>>
    %dma_start3A_633 = tpu.memref_squeeze %dma_start3A_632 : memref<1x!tpu.dma_semaphore, #tpu.memory_space<semaphore_mem>> -> memref<!tpu.dma_semaphore, #tpu.memory_space<semaphore_mem>>
    %dma_start3A_634 = arith.constant 0 : i32
    %dma_start3A_635 = tpu.memref_slice %arg3[%add3A_621, %dma_start3A_634] : memref<1638400x128xf32, #tpu.memory_space<hbm>> -> memref<512x128xf32, #tpu.memory_space<hbm>>
    tpu.enqueue_dma source(%arg5 : memref<512x128xf32, #tpu.memory_space<vmem>>) target(%dma_start3A_635 : memref<512x128xf32, #tpu.memory_space<hbm>>) target_semaphore(%dma_start3A_633 : memref<!tpu.dma_semaphore, #tpu.memory_space<semaphore_mem>>)
    %add3A_636 = arith.constant 20992 : i32
    %add3A_637 = arith.addi %mul3A_9, %add3A_636 : i32
    %dma_wait3A_638 = arith.constant 1 : i32
    %dma_wait3A_639 = arith.constant 0 : i32
    %dma_wait3A_640 = tpu.memref_slice %arg3[%add3A_573, %dma_wait3A_639] : memref<1638400x128xf32, #tpu.memory_space<hbm>> -> memref<512x128xf32, #tpu.memory_space<hbm>>
    %dma_wait3A_641 = tpu.memref_slice %arg6[%dma_wait3A_638] : memref<4x!tpu.dma_semaphore, #tpu.memory_space<semaphore_mem>> -> memref<1x!tpu.dma_semaphore, #tpu.memory_space<semaphore_mem>>
    %dma_wait3A_642 = tpu.memref_squeeze %dma_wait3A_641 : memref<1x!tpu.dma_semaphore, #tpu.memory_space<semaphore_mem>> -> memref<!tpu.dma_semaphore, #tpu.memory_space<semaphore_mem>>
    %dma_wait3A_643 = arith.constant 0 : i32
    %dma_wait3A_644 = tpu.memref_slice %arg3[%add3A_573, %dma_wait3A_643] : memref<1638400x128xf32, #tpu.memory_space<hbm>> -> memref<512x128xf32, #tpu.memory_space<hbm>>
    tpu.wait_dma2 semaphore(%dma_wait3A_642 : memref<!tpu.dma_semaphore, #tpu.memory_space<semaphore_mem>>) src(%arg5 : memref<512x128xf32, #tpu.memory_space<vmem>>) dst(%dma_wait3A_644 : memref<512x128xf32, #tpu.memory_space<hbm>>)
    %dma_start3A_645 = arith.constant 1 : i32
    %dma_start3A_646 = arith.constant 0 : i32
    %dma_start3A_647 = tpu.memref_slice %arg3[%add3A_637, %dma_start3A_646] : memref<1638400x128xf32, #tpu.memory_space<hbm>> -> memref<512x128xf32, #tpu.memory_space<hbm>>
    %dma_start3A_648 = tpu.memref_slice %arg6[%dma_start3A_645] : memref<4x!tpu.dma_semaphore, #tpu.memory_space<semaphore_mem>> -> memref<1x!tpu.dma_semaphore, #tpu.memory_space<semaphore_mem>>
    %dma_start3A_649 = tpu.memref_squeeze %dma_start3A_648 : memref<1x!tpu.dma_semaphore, #tpu.memory_space<semaphore_mem>> -> memref<!tpu.dma_semaphore, #tpu.memory_space<semaphore_mem>>
    %dma_start3A_650 = arith.constant 0 : i32
    %dma_start3A_651 = tpu.memref_slice %arg3[%add3A_637, %dma_start3A_650] : memref<1638400x128xf32, #tpu.memory_space<hbm>> -> memref<512x128xf32, #tpu.memory_space<hbm>>
    tpu.enqueue_dma source(%arg5 : memref<512x128xf32, #tpu.memory_space<vmem>>) target(%dma_start3A_651 : memref<512x128xf32, #tpu.memory_space<hbm>>) target_semaphore(%dma_start3A_649 : memref<!tpu.dma_semaphore, #tpu.memory_space<semaphore_mem>>)
    %add3A_652 = arith.constant 21504 : i32
    %add3A_653 = arith.addi %mul3A_9, %add3A_652 : i32
    %dma_wait3A_654 = arith.constant 2 : i32
    %dma_wait3A_655 = arith.constant 0 : i32
    %dma_wait3A_656 = tpu.memref_slice %arg3[%add3A_589, %dma_wait3A_655] : memref<1638400x128xf32, #tpu.memory_space<hbm>> -> memref<512x128xf32, #tpu.memory_space<hbm>>
    %dma_wait3A_657 = tpu.memref_slice %arg6[%dma_wait3A_654] : memref<4x!tpu.dma_semaphore, #tpu.memory_space<semaphore_mem>> -> memref<1x!tpu.dma_semaphore, #tpu.memory_space<semaphore_mem>>
    %dma_wait3A_658 = tpu.memref_squeeze %dma_wait3A_657 : memref<1x!tpu.dma_semaphore, #tpu.memory_space<semaphore_mem>> -> memref<!tpu.dma_semaphore, #tpu.memory_space<semaphore_mem>>
    %dma_wait3A_659 = arith.constant 0 : i32
    %dma_wait3A_660 = tpu.memref_slice %arg3[%add3A_589, %dma_wait3A_659] : memref<1638400x128xf32, #tpu.memory_space<hbm>> -> memref<512x128xf32, #tpu.memory_space<hbm>>
    tpu.wait_dma2 semaphore(%dma_wait3A_658 : memref<!tpu.dma_semaphore, #tpu.memory_space<semaphore_mem>>) src(%arg5 : memref<512x128xf32, #tpu.memory_space<vmem>>) dst(%dma_wait3A_660 : memref<512x128xf32, #tpu.memory_space<hbm>>)
    %dma_start3A_661 = arith.constant 2 : i32
    %dma_start3A_662 = arith.constant 0 : i32
    %dma_start3A_663 = tpu.memref_slice %arg3[%add3A_653, %dma_start3A_662] : memref<1638400x128xf32, #tpu.memory_space<hbm>> -> memref<512x128xf32, #tpu.memory_space<hbm>>
    %dma_start3A_664 = tpu.memref_slice %arg6[%dma_start3A_661] : memref<4x!tpu.dma_semaphore, #tpu.memory_space<semaphore_mem>> -> memref<1x!tpu.dma_semaphore, #tpu.memory_space<semaphore_mem>>
    %dma_start3A_665 = tpu.memref_squeeze %dma_start3A_664 : memref<1x!tpu.dma_semaphore, #tpu.memory_space<semaphore_mem>> -> memref<!tpu.dma_semaphore, #tpu.memory_space<semaphore_mem>>
    %dma_start3A_666 = arith.constant 0 : i32
    %dma_start3A_667 = tpu.memref_slice %arg3[%add3A_653, %dma_start3A_666] : memref<1638400x128xf32, #tpu.memory_space<hbm>> -> memref<512x128xf32, #tpu.memory_space<hbm>>
    tpu.enqueue_dma source(%arg5 : memref<512x128xf32, #tpu.memory_space<vmem>>) target(%dma_start3A_667 : memref<512x128xf32, #tpu.memory_space<hbm>>) target_semaphore(%dma_start3A_665 : memref<!tpu.dma_semaphore, #tpu.memory_space<semaphore_mem>>)
    %add3A_668 = arith.constant 22016 : i32
    %add3A_669 = arith.addi %mul3A_9, %add3A_668 : i32
    %dma_wait3A_670 = arith.constant 3 : i32
    %dma_wait3A_671 = arith.constant 0 : i32
    %dma_wait3A_672 = tpu.memref_slice %arg3[%add3A_605, %dma_wait3A_671] : memref<1638400x128xf32, #tpu.memory_space<hbm>> -> memref<512x128xf32, #tpu.memory_space<hbm>>
    %dma_wait3A_673 = tpu.memref_slice %arg6[%dma_wait3A_670] : memref<4x!tpu.dma_semaphore, #tpu.memory_space<semaphore_mem>> -> memref<1x!tpu.dma_semaphore, #tpu.memory_space<semaphore_mem>>
    %dma_wait3A_674 = tpu.memref_squeeze %dma_wait3A_673 : memref<1x!tpu.dma_semaphore, #tpu.memory_space<semaphore_mem>> -> memref<!tpu.dma_semaphore, #tpu.memory_space<semaphore_mem>>
    %dma_wait3A_675 = arith.constant 0 : i32
    %dma_wait3A_676 = tpu.memref_slice %arg3[%add3A_605, %dma_wait3A_675] : memref<1638400x128xf32, #tpu.memory_space<hbm>> -> memref<512x128xf32, #tpu.memory_space<hbm>>
    tpu.wait_dma2 semaphore(%dma_wait3A_674 : memref<!tpu.dma_semaphore, #tpu.memory_space<semaphore_mem>>) src(%arg5 : memref<512x128xf32, #tpu.memory_space<vmem>>) dst(%dma_wait3A_676 : memref<512x128xf32, #tpu.memory_space<hbm>>)
    %dma_start3A_677 = arith.constant 3 : i32
    %dma_start3A_678 = arith.constant 0 : i32
    %dma_start3A_679 = tpu.memref_slice %arg3[%add3A_669, %dma_start3A_678] : memref<1638400x128xf32, #tpu.memory_space<hbm>> -> memref<512x128xf32, #tpu.memory_space<hbm>>
    %dma_start3A_680 = tpu.memref_slice %arg6[%dma_start3A_677] : memref<4x!tpu.dma_semaphore, #tpu.memory_space<semaphore_mem>> -> memref<1x!tpu.dma_semaphore, #tpu.memory_space<semaphore_mem>>
    %dma_start3A_681 = tpu.memref_squeeze %dma_start3A_680 : memref<1x!tpu.dma_semaphore, #tpu.memory_space<semaphore_mem>> -> memref<!tpu.dma_semaphore, #tpu.memory_space<semaphore_mem>>
    %dma_start3A_682 = arith.constant 0 : i32
    %dma_start3A_683 = tpu.memref_slice %arg3[%add3A_669, %dma_start3A_682] : memref<1638400x128xf32, #tpu.memory_space<hbm>> -> memref<512x128xf32, #tpu.memory_space<hbm>>
    tpu.enqueue_dma source(%arg5 : memref<512x128xf32, #tpu.memory_space<vmem>>) target(%dma_start3A_683 : memref<512x128xf32, #tpu.memory_space<hbm>>) target_semaphore(%dma_start3A_681 : memref<!tpu.dma_semaphore, #tpu.memory_space<semaphore_mem>>)
    %add3A_684 = arith.constant 22528 : i32
    %add3A_685 = arith.addi %mul3A_9, %add3A_684 : i32
    %dma_wait3A_686 = arith.constant 0 : i32
    %dma_wait3A_687 = arith.constant 0 : i32
    %dma_wait3A_688 = tpu.memref_slice %arg3[%add3A_621, %dma_wait3A_687] : memref<1638400x128xf32, #tpu.memory_space<hbm>> -> memref<512x128xf32, #tpu.memory_space<hbm>>
    %dma_wait3A_689 = tpu.memref_slice %arg6[%dma_wait3A_686] : memref<4x!tpu.dma_semaphore, #tpu.memory_space<semaphore_mem>> -> memref<1x!tpu.dma_semaphore, #tpu.memory_space<semaphore_mem>>
    %dma_wait3A_690 = tpu.memref_squeeze %dma_wait3A_689 : memref<1x!tpu.dma_semaphore, #tpu.memory_space<semaphore_mem>> -> memref<!tpu.dma_semaphore, #tpu.memory_space<semaphore_mem>>
    %dma_wait3A_691 = arith.constant 0 : i32
    %dma_wait3A_692 = tpu.memref_slice %arg3[%add3A_621, %dma_wait3A_691] : memref<1638400x128xf32, #tpu.memory_space<hbm>> -> memref<512x128xf32, #tpu.memory_space<hbm>>
    tpu.wait_dma2 semaphore(%dma_wait3A_690 : memref<!tpu.dma_semaphore, #tpu.memory_space<semaphore_mem>>) src(%arg5 : memref<512x128xf32, #tpu.memory_space<vmem>>) dst(%dma_wait3A_692 : memref<512x128xf32, #tpu.memory_space<hbm>>)
    %dma_start3A_693 = arith.constant 0 : i32
    %dma_start3A_694 = arith.constant 0 : i32
    %dma_start3A_695 = tpu.memref_slice %arg3[%add3A_685, %dma_start3A_694] : memref<1638400x128xf32, #tpu.memory_space<hbm>> -> memref<512x128xf32, #tpu.memory_space<hbm>>
    %dma_start3A_696 = tpu.memref_slice %arg6[%dma_start3A_693] : memref<4x!tpu.dma_semaphore, #tpu.memory_space<semaphore_mem>> -> memref<1x!tpu.dma_semaphore, #tpu.memory_space<semaphore_mem>>
    %dma_start3A_697 = tpu.memref_squeeze %dma_start3A_696 : memref<1x!tpu.dma_semaphore, #tpu.memory_space<semaphore_mem>> -> memref<!tpu.dma_semaphore, #tpu.memory_space<semaphore_mem>>
    %dma_start3A_698 = arith.constant 0 : i32
    %dma_start3A_699 = tpu.memref_slice %arg3[%add3A_685, %dma_start3A_698] : memref<1638400x128xf32, #tpu.memory_space<hbm>> -> memref<512x128xf32, #tpu.memory_space<hbm>>
    tpu.enqueue_dma source(%arg5 : memref<512x128xf32, #tpu.memory_space<vmem>>) target(%dma_start3A_699 : memref<512x128xf32, #tpu.memory_space<hbm>>) target_semaphore(%dma_start3A_697 : memref<!tpu.dma_semaphore, #tpu.memory_space<semaphore_mem>>)
    %add3A_700 = arith.constant 23040 : i32
    %add3A_701 = arith.addi %mul3A_9, %add3A_700 : i32
    %dma_wait3A_702 = arith.constant 1 : i32
    %dma_wait3A_703 = arith.constant 0 : i32
    %dma_wait3A_704 = tpu.memref_slice %arg3[%add3A_637, %dma_wait3A_703] : memref<1638400x128xf32, #tpu.memory_space<hbm>> -> memref<512x128xf32, #tpu.memory_space<hbm>>
    %dma_wait3A_705 = tpu.memref_slice %arg6[%dma_wait3A_702] : memref<4x!tpu.dma_semaphore, #tpu.memory_space<semaphore_mem>> -> memref<1x!tpu.dma_semaphore, #tpu.memory_space<semaphore_mem>>
    %dma_wait3A_706 = tpu.memref_squeeze %dma_wait3A_705 : memref<1x!tpu.dma_semaphore, #tpu.memory_space<semaphore_mem>> -> memref<!tpu.dma_semaphore, #tpu.memory_space<semaphore_mem>>
    %dma_wait3A_707 = arith.constant 0 : i32
    %dma_wait3A_708 = tpu.memref_slice %arg3[%add3A_637, %dma_wait3A_707] : memref<1638400x128xf32, #tpu.memory_space<hbm>> -> memref<512x128xf32, #tpu.memory_space<hbm>>
    tpu.wait_dma2 semaphore(%dma_wait3A_706 : memref<!tpu.dma_semaphore, #tpu.memory_space<semaphore_mem>>) src(%arg5 : memref<512x128xf32, #tpu.memory_space<vmem>>) dst(%dma_wait3A_708 : memref<512x128xf32, #tpu.memory_space<hbm>>)
    %dma_start3A_709 = arith.constant 1 : i32
    %dma_start3A_710 = arith.constant 0 : i32
    %dma_start3A_711 = tpu.memref_slice %arg3[%add3A_701, %dma_start3A_710] : memref<1638400x128xf32, #tpu.memory_space<hbm>> -> memref<512x128xf32, #tpu.memory_space<hbm>>
    %dma_start3A_712 = tpu.memref_slice %arg6[%dma_start3A_709] : memref<4x!tpu.dma_semaphore, #tpu.memory_space<semaphore_mem>> -> memref<1x!tpu.dma_semaphore, #tpu.memory_space<semaphore_mem>>
    %dma_start3A_713 = tpu.memref_squeeze %dma_start3A_712 : memref<1x!tpu.dma_semaphore, #tpu.memory_space<semaphore_mem>> -> memref<!tpu.dma_semaphore, #tpu.memory_space<semaphore_mem>>
    %dma_start3A_714 = arith.constant 0 : i32
    %dma_start3A_715 = tpu.memref_slice %arg3[%add3A_701, %dma_start3A_714] : memref<1638400x128xf32, #tpu.memory_space<hbm>> -> memref<512x128xf32, #tpu.memory_space<hbm>>
    tpu.enqueue_dma source(%arg5 : memref<512x128xf32, #tpu.memory_space<vmem>>) target(%dma_start3A_715 : memref<512x128xf32, #tpu.memory_space<hbm>>) target_semaphore(%dma_start3A_713 : memref<!tpu.dma_semaphore, #tpu.memory_space<semaphore_mem>>)
    %add3A_716 = arith.constant 23552 : i32
    %add3A_717 = arith.addi %mul3A_9, %add3A_716 : i32
    %dma_wait3A_718 = arith.constant 2 : i32
    %dma_wait3A_719 = arith.constant 0 : i32
    %dma_wait3A_720 = tpu.memref_slice %arg3[%add3A_653, %dma_wait3A_719] : memref<1638400x128xf32, #tpu.memory_space<hbm>> -> memref<512x128xf32, #tpu.memory_space<hbm>>
    %dma_wait3A_721 = tpu.memref_slice %arg6[%dma_wait3A_718] : memref<4x!tpu.dma_semaphore, #tpu.memory_space<semaphore_mem>> -> memref<1x!tpu.dma_semaphore, #tpu.memory_space<semaphore_mem>>
    %dma_wait3A_722 = tpu.memref_squeeze %dma_wait3A_721 : memref<1x!tpu.dma_semaphore, #tpu.memory_space<semaphore_mem>> -> memref<!tpu.dma_semaphore, #tpu.memory_space<semaphore_mem>>
    %dma_wait3A_723 = arith.constant 0 : i32
    %dma_wait3A_724 = tpu.memref_slice %arg3[%add3A_653, %dma_wait3A_723] : memref<1638400x128xf32, #tpu.memory_space<hbm>> -> memref<512x128xf32, #tpu.memory_space<hbm>>
    tpu.wait_dma2 semaphore(%dma_wait3A_722 : memref<!tpu.dma_semaphore, #tpu.memory_space<semaphore_mem>>) src(%arg5 : memref<512x128xf32, #tpu.memory_space<vmem>>) dst(%dma_wait3A_724 : memref<512x128xf32, #tpu.memory_space<hbm>>)
    %dma_start3A_725 = arith.constant 2 : i32
    %dma_start3A_726 = arith.constant 0 : i32
    %dma_start3A_727 = tpu.memref_slice %arg3[%add3A_717, %dma_start3A_726] : memref<1638400x128xf32, #tpu.memory_space<hbm>> -> memref<512x128xf32, #tpu.memory_space<hbm>>
    %dma_start3A_728 = tpu.memref_slice %arg6[%dma_start3A_725] : memref<4x!tpu.dma_semaphore, #tpu.memory_space<semaphore_mem>> -> memref<1x!tpu.dma_semaphore, #tpu.memory_space<semaphore_mem>>
    %dma_start3A_729 = tpu.memref_squeeze %dma_start3A_728 : memref<1x!tpu.dma_semaphore, #tpu.memory_space<semaphore_mem>> -> memref<!tpu.dma_semaphore, #tpu.memory_space<semaphore_mem>>
    %dma_start3A_730 = arith.constant 0 : i32
    %dma_start3A_731 = tpu.memref_slice %arg3[%add3A_717, %dma_start3A_730] : memref<1638400x128xf32, #tpu.memory_space<hbm>> -> memref<512x128xf32, #tpu.memory_space<hbm>>
    tpu.enqueue_dma source(%arg5 : memref<512x128xf32, #tpu.memory_space<vmem>>) target(%dma_start3A_731 : memref<512x128xf32, #tpu.memory_space<hbm>>) target_semaphore(%dma_start3A_729 : memref<!tpu.dma_semaphore, #tpu.memory_space<semaphore_mem>>)
    %add3A_732 = arith.constant 24064 : i32
    %add3A_733 = arith.addi %mul3A_9, %add3A_732 : i32
    %dma_wait3A_734 = arith.constant 3 : i32
    %dma_wait3A_735 = arith.constant 0 : i32
    %dma_wait3A_736 = tpu.memref_slice %arg3[%add3A_669, %dma_wait3A_735] : memref<1638400x128xf32, #tpu.memory_space<hbm>> -> memref<512x128xf32, #tpu.memory_space<hbm>>
    %dma_wait3A_737 = tpu.memref_slice %arg6[%dma_wait3A_734] : memref<4x!tpu.dma_semaphore, #tpu.memory_space<semaphore_mem>> -> memref<1x!tpu.dma_semaphore, #tpu.memory_space<semaphore_mem>>
    %dma_wait3A_738 = tpu.memref_squeeze %dma_wait3A_737 : memref<1x!tpu.dma_semaphore, #tpu.memory_space<semaphore_mem>> -> memref<!tpu.dma_semaphore, #tpu.memory_space<semaphore_mem>>
    %dma_wait3A_739 = arith.constant 0 : i32
    %dma_wait3A_740 = tpu.memref_slice %arg3[%add3A_669, %dma_wait3A_739] : memref<1638400x128xf32, #tpu.memory_space<hbm>> -> memref<512x128xf32, #tpu.memory_space<hbm>>
    tpu.wait_dma2 semaphore(%dma_wait3A_738 : memref<!tpu.dma_semaphore, #tpu.memory_space<semaphore_mem>>) src(%arg5 : memref<512x128xf32, #tpu.memory_space<vmem>>) dst(%dma_wait3A_740 : memref<512x128xf32, #tpu.memory_space<hbm>>)
    %dma_start3A_741 = arith.constant 3 : i32
    %dma_start3A_742 = arith.constant 0 : i32
    %dma_start3A_743 = tpu.memref_slice %arg3[%add3A_733, %dma_start3A_742] : memref<1638400x128xf32, #tpu.memory_space<hbm>> -> memref<512x128xf32, #tpu.memory_space<hbm>>
    %dma_start3A_744 = tpu.memref_slice %arg6[%dma_start3A_741] : memref<4x!tpu.dma_semaphore, #tpu.memory_space<semaphore_mem>> -> memref<1x!tpu.dma_semaphore, #tpu.memory_space<semaphore_mem>>
    %dma_start3A_745 = tpu.memref_squeeze %dma_start3A_744 : memref<1x!tpu.dma_semaphore, #tpu.memory_space<semaphore_mem>> -> memref<!tpu.dma_semaphore, #tpu.memory_space<semaphore_mem>>
    %dma_start3A_746 = arith.constant 0 : i32
    %dma_start3A_747 = tpu.memref_slice %arg3[%add3A_733, %dma_start3A_746] : memref<1638400x128xf32, #tpu.memory_space<hbm>> -> memref<512x128xf32, #tpu.memory_space<hbm>>
    tpu.enqueue_dma source(%arg5 : memref<512x128xf32, #tpu.memory_space<vmem>>) target(%dma_start3A_747 : memref<512x128xf32, #tpu.memory_space<hbm>>) target_semaphore(%dma_start3A_745 : memref<!tpu.dma_semaphore, #tpu.memory_space<semaphore_mem>>)
    %add3A_748 = arith.constant 24576 : i32
    %add3A_749 = arith.addi %mul3A_9, %add3A_748 : i32
    %dma_wait3A_750 = arith.constant 0 : i32
    %dma_wait3A_751 = arith.constant 0 : i32
    %dma_wait3A_752 = tpu.memref_slice %arg3[%add3A_685, %dma_wait3A_751] : memref<1638400x128xf32, #tpu.memory_space<hbm>> -> memref<512x128xf32, #tpu.memory_space<hbm>>
    %dma_wait3A_753 = tpu.memref_slice %arg6[%dma_wait3A_750] : memref<4x!tpu.dma_semaphore, #tpu.memory_space<semaphore_mem>> -> memref<1x!tpu.dma_semaphore, #tpu.memory_space<semaphore_mem>>
    %dma_wait3A_754 = tpu.memref_squeeze %dma_wait3A_753 : memref<1x!tpu.dma_semaphore, #tpu.memory_space<semaphore_mem>> -> memref<!tpu.dma_semaphore, #tpu.memory_space<semaphore_mem>>
    %dma_wait3A_755 = arith.constant 0 : i32
    %dma_wait3A_756 = tpu.memref_slice %arg3[%add3A_685, %dma_wait3A_755] : memref<1638400x128xf32, #tpu.memory_space<hbm>> -> memref<512x128xf32, #tpu.memory_space<hbm>>
    tpu.wait_dma2 semaphore(%dma_wait3A_754 : memref<!tpu.dma_semaphore, #tpu.memory_space<semaphore_mem>>) src(%arg5 : memref<512x128xf32, #tpu.memory_space<vmem>>) dst(%dma_wait3A_756 : memref<512x128xf32, #tpu.memory_space<hbm>>)
    %dma_start3A_757 = arith.constant 0 : i32
    %dma_start3A_758 = arith.constant 0 : i32
    %dma_start3A_759 = tpu.memref_slice %arg3[%add3A_749, %dma_start3A_758] : memref<1638400x128xf32, #tpu.memory_space<hbm>> -> memref<512x128xf32, #tpu.memory_space<hbm>>
    %dma_start3A_760 = tpu.memref_slice %arg6[%dma_start3A_757] : memref<4x!tpu.dma_semaphore, #tpu.memory_space<semaphore_mem>> -> memref<1x!tpu.dma_semaphore, #tpu.memory_space<semaphore_mem>>
    %dma_start3A_761 = tpu.memref_squeeze %dma_start3A_760 : memref<1x!tpu.dma_semaphore, #tpu.memory_space<semaphore_mem>> -> memref<!tpu.dma_semaphore, #tpu.memory_space<semaphore_mem>>
    %dma_start3A_762 = arith.constant 0 : i32
    %dma_start3A_763 = tpu.memref_slice %arg3[%add3A_749, %dma_start3A_762] : memref<1638400x128xf32, #tpu.memory_space<hbm>> -> memref<512x128xf32, #tpu.memory_space<hbm>>
    tpu.enqueue_dma source(%arg5 : memref<512x128xf32, #tpu.memory_space<vmem>>) target(%dma_start3A_763 : memref<512x128xf32, #tpu.memory_space<hbm>>) target_semaphore(%dma_start3A_761 : memref<!tpu.dma_semaphore, #tpu.memory_space<semaphore_mem>>)
    %add3A_764 = arith.constant 25088 : i32
    %add3A_765 = arith.addi %mul3A_9, %add3A_764 : i32
    %dma_wait3A_766 = arith.constant 1 : i32
    %dma_wait3A_767 = arith.constant 0 : i32
    %dma_wait3A_768 = tpu.memref_slice %arg3[%add3A_701, %dma_wait3A_767] : memref<1638400x128xf32, #tpu.memory_space<hbm>> -> memref<512x128xf32, #tpu.memory_space<hbm>>
    %dma_wait3A_769 = tpu.memref_slice %arg6[%dma_wait3A_766] : memref<4x!tpu.dma_semaphore, #tpu.memory_space<semaphore_mem>> -> memref<1x!tpu.dma_semaphore, #tpu.memory_space<semaphore_mem>>
    %dma_wait3A_770 = tpu.memref_squeeze %dma_wait3A_769 : memref<1x!tpu.dma_semaphore, #tpu.memory_space<semaphore_mem>> -> memref<!tpu.dma_semaphore, #tpu.memory_space<semaphore_mem>>
    %dma_wait3A_771 = arith.constant 0 : i32
    %dma_wait3A_772 = tpu.memref_slice %arg3[%add3A_701, %dma_wait3A_771] : memref<1638400x128xf32, #tpu.memory_space<hbm>> -> memref<512x128xf32, #tpu.memory_space<hbm>>
    tpu.wait_dma2 semaphore(%dma_wait3A_770 : memref<!tpu.dma_semaphore, #tpu.memory_space<semaphore_mem>>) src(%arg5 : memref<512x128xf32, #tpu.memory_space<vmem>>) dst(%dma_wait3A_772 : memref<512x128xf32, #tpu.memory_space<hbm>>)
    %dma_start3A_773 = arith.constant 1 : i32
    %dma_start3A_774 = arith.constant 0 : i32
    %dma_start3A_775 = tpu.memref_slice %arg3[%add3A_765, %dma_start3A_774] : memref<1638400x128xf32, #tpu.memory_space<hbm>> -> memref<512x128xf32, #tpu.memory_space<hbm>>
    %dma_start3A_776 = tpu.memref_slice %arg6[%dma_start3A_773] : memref<4x!tpu.dma_semaphore, #tpu.memory_space<semaphore_mem>> -> memref<1x!tpu.dma_semaphore, #tpu.memory_space<semaphore_mem>>
    %dma_start3A_777 = tpu.memref_squeeze %dma_start3A_776 : memref<1x!tpu.dma_semaphore, #tpu.memory_space<semaphore_mem>> -> memref<!tpu.dma_semaphore, #tpu.memory_space<semaphore_mem>>
    %dma_start3A_778 = arith.constant 0 : i32
    %dma_start3A_779 = tpu.memref_slice %arg3[%add3A_765, %dma_start3A_778] : memref<1638400x128xf32, #tpu.memory_space<hbm>> -> memref<512x128xf32, #tpu.memory_space<hbm>>
    tpu.enqueue_dma source(%arg5 : memref<512x128xf32, #tpu.memory_space<vmem>>) target(%dma_start3A_779 : memref<512x128xf32, #tpu.memory_space<hbm>>) target_semaphore(%dma_start3A_777 : memref<!tpu.dma_semaphore, #tpu.memory_space<semaphore_mem>>)
    %add3A_780 = arith.constant 25600 : i32
    %add3A_781 = arith.addi %mul3A_9, %add3A_780 : i32
    %dma_wait3A_782 = arith.constant 2 : i32
    %dma_wait3A_783 = arith.constant 0 : i32
    %dma_wait3A_784 = tpu.memref_slice %arg3[%add3A_717, %dma_wait3A_783] : memref<1638400x128xf32, #tpu.memory_space<hbm>> -> memref<512x128xf32, #tpu.memory_space<hbm>>
    %dma_wait3A_785 = tpu.memref_slice %arg6[%dma_wait3A_782] : memref<4x!tpu.dma_semaphore, #tpu.memory_space<semaphore_mem>> -> memref<1x!tpu.dma_semaphore, #tpu.memory_space<semaphore_mem>>
    %dma_wait3A_786 = tpu.memref_squeeze %dma_wait3A_785 : memref<1x!tpu.dma_semaphore, #tpu.memory_space<semaphore_mem>> -> memref<!tpu.dma_semaphore, #tpu.memory_space<semaphore_mem>>
    %dma_wait3A_787 = arith.constant 0 : i32
    %dma_wait3A_788 = tpu.memref_slice %arg3[%add3A_717, %dma_wait3A_787] : memref<1638400x128xf32, #tpu.memory_space<hbm>> -> memref<512x128xf32, #tpu.memory_space<hbm>>
    tpu.wait_dma2 semaphore(%dma_wait3A_786 : memref<!tpu.dma_semaphore, #tpu.memory_space<semaphore_mem>>) src(%arg5 : memref<512x128xf32, #tpu.memory_space<vmem>>) dst(%dma_wait3A_788 : memref<512x128xf32, #tpu.memory_space<hbm>>)
    %dma_start3A_789 = arith.constant 2 : i32
    %dma_start3A_790 = arith.constant 0 : i32
    %dma_start3A_791 = tpu.memref_slice %arg3[%add3A_781, %dma_start3A_790] : memref<1638400x128xf32, #tpu.memory_space<hbm>> -> memref<512x128xf32, #tpu.memory_space<hbm>>
    %dma_start3A_792 = tpu.memref_slice %arg6[%dma_start3A_789] : memref<4x!tpu.dma_semaphore, #tpu.memory_space<semaphore_mem>> -> memref<1x!tpu.dma_semaphore, #tpu.memory_space<semaphore_mem>>
    %dma_start3A_793 = tpu.memref_squeeze %dma_start3A_792 : memref<1x!tpu.dma_semaphore, #tpu.memory_space<semaphore_mem>> -> memref<!tpu.dma_semaphore, #tpu.memory_space<semaphore_mem>>
    %dma_start3A_794 = arith.constant 0 : i32
    %dma_start3A_795 = tpu.memref_slice %arg3[%add3A_781, %dma_start3A_794] : memref<1638400x128xf32, #tpu.memory_space<hbm>> -> memref<512x128xf32, #tpu.memory_space<hbm>>
    tpu.enqueue_dma source(%arg5 : memref<512x128xf32, #tpu.memory_space<vmem>>) target(%dma_start3A_795 : memref<512x128xf32, #tpu.memory_space<hbm>>) target_semaphore(%dma_start3A_793 : memref<!tpu.dma_semaphore, #tpu.memory_space<semaphore_mem>>)
    %add3A_796 = arith.constant 26112 : i32
    %add3A_797 = arith.addi %mul3A_9, %add3A_796 : i32
    %dma_wait3A_798 = arith.constant 3 : i32
    %dma_wait3A_799 = arith.constant 0 : i32
    %dma_wait3A_800 = tpu.memref_slice %arg3[%add3A_733, %dma_wait3A_799] : memref<1638400x128xf32, #tpu.memory_space<hbm>> -> memref<512x128xf32, #tpu.memory_space<hbm>>
    %dma_wait3A_801 = tpu.memref_slice %arg6[%dma_wait3A_798] : memref<4x!tpu.dma_semaphore, #tpu.memory_space<semaphore_mem>> -> memref<1x!tpu.dma_semaphore, #tpu.memory_space<semaphore_mem>>
    %dma_wait3A_802 = tpu.memref_squeeze %dma_wait3A_801 : memref<1x!tpu.dma_semaphore, #tpu.memory_space<semaphore_mem>> -> memref<!tpu.dma_semaphore, #tpu.memory_space<semaphore_mem>>
    %dma_wait3A_803 = arith.constant 0 : i32
    %dma_wait3A_804 = tpu.memref_slice %arg3[%add3A_733, %dma_wait3A_803] : memref<1638400x128xf32, #tpu.memory_space<hbm>> -> memref<512x128xf32, #tpu.memory_space<hbm>>
    tpu.wait_dma2 semaphore(%dma_wait3A_802 : memref<!tpu.dma_semaphore, #tpu.memory_space<semaphore_mem>>) src(%arg5 : memref<512x128xf32, #tpu.memory_space<vmem>>) dst(%dma_wait3A_804 : memref<512x128xf32, #tpu.memory_space<hbm>>)
    %dma_start3A_805 = arith.constant 3 : i32
    %dma_start3A_806 = arith.constant 0 : i32
    %dma_start3A_807 = tpu.memref_slice %arg3[%add3A_797, %dma_start3A_806] : memref<1638400x128xf32, #tpu.memory_space<hbm>> -> memref<512x128xf32, #tpu.memory_space<hbm>>
    %dma_start3A_808 = tpu.memref_slice %arg6[%dma_start3A_805] : memref<4x!tpu.dma_semaphore, #tpu.memory_space<semaphore_mem>> -> memref<1x!tpu.dma_semaphore, #tpu.memory_space<semaphore_mem>>
    %dma_start3A_809 = tpu.memref_squeeze %dma_start3A_808 : memref<1x!tpu.dma_semaphore, #tpu.memory_space<semaphore_mem>> -> memref<!tpu.dma_semaphore, #tpu.memory_space<semaphore_mem>>
    %dma_start3A_810 = arith.constant 0 : i32
    %dma_start3A_811 = tpu.memref_slice %arg3[%add3A_797, %dma_start3A_810] : memref<1638400x128xf32, #tpu.memory_space<hbm>> -> memref<512x128xf32, #tpu.memory_space<hbm>>
    tpu.enqueue_dma source(%arg5 : memref<512x128xf32, #tpu.memory_space<vmem>>) target(%dma_start3A_811 : memref<512x128xf32, #tpu.memory_space<hbm>>) target_semaphore(%dma_start3A_809 : memref<!tpu.dma_semaphore, #tpu.memory_space<semaphore_mem>>)
    %add3A_812 = arith.constant 26624 : i32
    %add3A_813 = arith.addi %mul3A_9, %add3A_812 : i32
    %dma_wait3A_814 = arith.constant 0 : i32
    %dma_wait3A_815 = arith.constant 0 : i32
    %dma_wait3A_816 = tpu.memref_slice %arg3[%add3A_749, %dma_wait3A_815] : memref<1638400x128xf32, #tpu.memory_space<hbm>> -> memref<512x128xf32, #tpu.memory_space<hbm>>
    %dma_wait3A_817 = tpu.memref_slice %arg6[%dma_wait3A_814] : memref<4x!tpu.dma_semaphore, #tpu.memory_space<semaphore_mem>> -> memref<1x!tpu.dma_semaphore, #tpu.memory_space<semaphore_mem>>
    %dma_wait3A_818 = tpu.memref_squeeze %dma_wait3A_817 : memref<1x!tpu.dma_semaphore, #tpu.memory_space<semaphore_mem>> -> memref<!tpu.dma_semaphore, #tpu.memory_space<semaphore_mem>>
    %dma_wait3A_819 = arith.constant 0 : i32
    %dma_wait3A_820 = tpu.memref_slice %arg3[%add3A_749, %dma_wait3A_819] : memref<1638400x128xf32, #tpu.memory_space<hbm>> -> memref<512x128xf32, #tpu.memory_space<hbm>>
    tpu.wait_dma2 semaphore(%dma_wait3A_818 : memref<!tpu.dma_semaphore, #tpu.memory_space<semaphore_mem>>) src(%arg5 : memref<512x128xf32, #tpu.memory_space<vmem>>) dst(%dma_wait3A_820 : memref<512x128xf32, #tpu.memory_space<hbm>>)
    %dma_start3A_821 = arith.constant 0 : i32
    %dma_start3A_822 = arith.constant 0 : i32
    %dma_start3A_823 = tpu.memref_slice %arg3[%add3A_813, %dma_start3A_822] : memref<1638400x128xf32, #tpu.memory_space<hbm>> -> memref<512x128xf32, #tpu.memory_space<hbm>>
    %dma_start3A_824 = tpu.memref_slice %arg6[%dma_start3A_821] : memref<4x!tpu.dma_semaphore, #tpu.memory_space<semaphore_mem>> -> memref<1x!tpu.dma_semaphore, #tpu.memory_space<semaphore_mem>>
    %dma_start3A_825 = tpu.memref_squeeze %dma_start3A_824 : memref<1x!tpu.dma_semaphore, #tpu.memory_space<semaphore_mem>> -> memref<!tpu.dma_semaphore, #tpu.memory_space<semaphore_mem>>
    %dma_start3A_826 = arith.constant 0 : i32
    %dma_start3A_827 = tpu.memref_slice %arg3[%add3A_813, %dma_start3A_826] : memref<1638400x128xf32, #tpu.memory_space<hbm>> -> memref<512x128xf32, #tpu.memory_space<hbm>>
    tpu.enqueue_dma source(%arg5 : memref<512x128xf32, #tpu.memory_space<vmem>>) target(%dma_start3A_827 : memref<512x128xf32, #tpu.memory_space<hbm>>) target_semaphore(%dma_start3A_825 : memref<!tpu.dma_semaphore, #tpu.memory_space<semaphore_mem>>)
    %add3A_828 = arith.constant 27136 : i32
    %add3A_829 = arith.addi %mul3A_9, %add3A_828 : i32
    %dma_wait3A_830 = arith.constant 1 : i32
    %dma_wait3A_831 = arith.constant 0 : i32
    %dma_wait3A_832 = tpu.memref_slice %arg3[%add3A_765, %dma_wait3A_831] : memref<1638400x128xf32, #tpu.memory_space<hbm>> -> memref<512x128xf32, #tpu.memory_space<hbm>>
    %dma_wait3A_833 = tpu.memref_slice %arg6[%dma_wait3A_830] : memref<4x!tpu.dma_semaphore, #tpu.memory_space<semaphore_mem>> -> memref<1x!tpu.dma_semaphore, #tpu.memory_space<semaphore_mem>>
    %dma_wait3A_834 = tpu.memref_squeeze %dma_wait3A_833 : memref<1x!tpu.dma_semaphore, #tpu.memory_space<semaphore_mem>> -> memref<!tpu.dma_semaphore, #tpu.memory_space<semaphore_mem>>
    %dma_wait3A_835 = arith.constant 0 : i32
    %dma_wait3A_836 = tpu.memref_slice %arg3[%add3A_765, %dma_wait3A_835] : memref<1638400x128xf32, #tpu.memory_space<hbm>> -> memref<512x128xf32, #tpu.memory_space<hbm>>
    tpu.wait_dma2 semaphore(%dma_wait3A_834 : memref<!tpu.dma_semaphore, #tpu.memory_space<semaphore_mem>>) src(%arg5 : memref<512x128xf32, #tpu.memory_space<vmem>>) dst(%dma_wait3A_836 : memref<512x128xf32, #tpu.memory_space<hbm>>)
    %dma_start3A_837 = arith.constant 1 : i32
    %dma_start3A_838 = arith.constant 0 : i32
    %dma_start3A_839 = tpu.memref_slice %arg3[%add3A_829, %dma_start3A_838] : memref<1638400x128xf32, #tpu.memory_space<hbm>> -> memref<512x128xf32, #tpu.memory_space<hbm>>
    %dma_start3A_840 = tpu.memref_slice %arg6[%dma_start3A_837] : memref<4x!tpu.dma_semaphore, #tpu.memory_space<semaphore_mem>> -> memref<1x!tpu.dma_semaphore, #tpu.memory_space<semaphore_mem>>
    %dma_start3A_841 = tpu.memref_squeeze %dma_start3A_840 : memref<1x!tpu.dma_semaphore, #tpu.memory_space<semaphore_mem>> -> memref<!tpu.dma_semaphore, #tpu.memory_space<semaphore_mem>>
    %dma_start3A_842 = arith.constant 0 : i32
    %dma_start3A_843 = tpu.memref_slice %arg3[%add3A_829, %dma_start3A_842] : memref<1638400x128xf32, #tpu.memory_space<hbm>> -> memref<512x128xf32, #tpu.memory_space<hbm>>
    tpu.enqueue_dma source(%arg5 : memref<512x128xf32, #tpu.memory_space<vmem>>) target(%dma_start3A_843 : memref<512x128xf32, #tpu.memory_space<hbm>>) target_semaphore(%dma_start3A_841 : memref<!tpu.dma_semaphore, #tpu.memory_space<semaphore_mem>>)
    %add3A_844 = arith.constant 27648 : i32
    %add3A_845 = arith.addi %mul3A_9, %add3A_844 : i32
    %dma_wait3A_846 = arith.constant 2 : i32
    %dma_wait3A_847 = arith.constant 0 : i32
    %dma_wait3A_848 = tpu.memref_slice %arg3[%add3A_781, %dma_wait3A_847] : memref<1638400x128xf32, #tpu.memory_space<hbm>> -> memref<512x128xf32, #tpu.memory_space<hbm>>
    %dma_wait3A_849 = tpu.memref_slice %arg6[%dma_wait3A_846] : memref<4x!tpu.dma_semaphore, #tpu.memory_space<semaphore_mem>> -> memref<1x!tpu.dma_semaphore, #tpu.memory_space<semaphore_mem>>
    %dma_wait3A_850 = tpu.memref_squeeze %dma_wait3A_849 : memref<1x!tpu.dma_semaphore, #tpu.memory_space<semaphore_mem>> -> memref<!tpu.dma_semaphore, #tpu.memory_space<semaphore_mem>>
    %dma_wait3A_851 = arith.constant 0 : i32
    %dma_wait3A_852 = tpu.memref_slice %arg3[%add3A_781, %dma_wait3A_851] : memref<1638400x128xf32, #tpu.memory_space<hbm>> -> memref<512x128xf32, #tpu.memory_space<hbm>>
    tpu.wait_dma2 semaphore(%dma_wait3A_850 : memref<!tpu.dma_semaphore, #tpu.memory_space<semaphore_mem>>) src(%arg5 : memref<512x128xf32, #tpu.memory_space<vmem>>) dst(%dma_wait3A_852 : memref<512x128xf32, #tpu.memory_space<hbm>>)
    %dma_start3A_853 = arith.constant 2 : i32
    %dma_start3A_854 = arith.constant 0 : i32
    %dma_start3A_855 = tpu.memref_slice %arg3[%add3A_845, %dma_start3A_854] : memref<1638400x128xf32, #tpu.memory_space<hbm>> -> memref<512x128xf32, #tpu.memory_space<hbm>>
    %dma_start3A_856 = tpu.memref_slice %arg6[%dma_start3A_853] : memref<4x!tpu.dma_semaphore, #tpu.memory_space<semaphore_mem>> -> memref<1x!tpu.dma_semaphore, #tpu.memory_space<semaphore_mem>>
    %dma_start3A_857 = tpu.memref_squeeze %dma_start3A_856 : memref<1x!tpu.dma_semaphore, #tpu.memory_space<semaphore_mem>> -> memref<!tpu.dma_semaphore, #tpu.memory_space<semaphore_mem>>
    %dma_start3A_858 = arith.constant 0 : i32
    %dma_start3A_859 = tpu.memref_slice %arg3[%add3A_845, %dma_start3A_858] : memref<1638400x128xf32, #tpu.memory_space<hbm>> -> memref<512x128xf32, #tpu.memory_space<hbm>>
    tpu.enqueue_dma source(%arg5 : memref<512x128xf32, #tpu.memory_space<vmem>>) target(%dma_start3A_859 : memref<512x128xf32, #tpu.memory_space<hbm>>) target_semaphore(%dma_start3A_857 : memref<!tpu.dma_semaphore, #tpu.memory_space<semaphore_mem>>)
    %add3A_860 = arith.constant 28160 : i32
    %add3A_861 = arith.addi %mul3A_9, %add3A_860 : i32
    %dma_wait3A_862 = arith.constant 3 : i32
    %dma_wait3A_863 = arith.constant 0 : i32
    %dma_wait3A_864 = tpu.memref_slice %arg3[%add3A_797, %dma_wait3A_863] : memref<1638400x128xf32, #tpu.memory_space<hbm>> -> memref<512x128xf32, #tpu.memory_space<hbm>>
    %dma_wait3A_865 = tpu.memref_slice %arg6[%dma_wait3A_862] : memref<4x!tpu.dma_semaphore, #tpu.memory_space<semaphore_mem>> -> memref<1x!tpu.dma_semaphore, #tpu.memory_space<semaphore_mem>>
    %dma_wait3A_866 = tpu.memref_squeeze %dma_wait3A_865 : memref<1x!tpu.dma_semaphore, #tpu.memory_space<semaphore_mem>> -> memref<!tpu.dma_semaphore, #tpu.memory_space<semaphore_mem>>
    %dma_wait3A_867 = arith.constant 0 : i32
    %dma_wait3A_868 = tpu.memref_slice %arg3[%add3A_797, %dma_wait3A_867] : memref<1638400x128xf32, #tpu.memory_space<hbm>> -> memref<512x128xf32, #tpu.memory_space<hbm>>
    tpu.wait_dma2 semaphore(%dma_wait3A_866 : memref<!tpu.dma_semaphore, #tpu.memory_space<semaphore_mem>>) src(%arg5 : memref<512x128xf32, #tpu.memory_space<vmem>>) dst(%dma_wait3A_868 : memref<512x128xf32, #tpu.memory_space<hbm>>)
    %dma_start3A_869 = arith.constant 3 : i32
    %dma_start3A_870 = arith.constant 0 : i32
    %dma_start3A_871 = tpu.memref_slice %arg3[%add3A_861, %dma_start3A_870] : memref<1638400x128xf32, #tpu.memory_space<hbm>> -> memref<512x128xf32, #tpu.memory_space<hbm>>
    %dma_start3A_872 = tpu.memref_slice %arg6[%dma_start3A_869] : memref<4x!tpu.dma_semaphore, #tpu.memory_space<semaphore_mem>> -> memref<1x!tpu.dma_semaphore, #tpu.memory_space<semaphore_mem>>
    %dma_start3A_873 = tpu.memref_squeeze %dma_start3A_872 : memref<1x!tpu.dma_semaphore, #tpu.memory_space<semaphore_mem>> -> memref<!tpu.dma_semaphore, #tpu.memory_space<semaphore_mem>>
    %dma_start3A_874 = arith.constant 0 : i32
    %dma_start3A_875 = tpu.memref_slice %arg3[%add3A_861, %dma_start3A_874] : memref<1638400x128xf32, #tpu.memory_space<hbm>> -> memref<512x128xf32, #tpu.memory_space<hbm>>
    tpu.enqueue_dma source(%arg5 : memref<512x128xf32, #tpu.memory_space<vmem>>) target(%dma_start3A_875 : memref<512x128xf32, #tpu.memory_space<hbm>>) target_semaphore(%dma_start3A_873 : memref<!tpu.dma_semaphore, #tpu.memory_space<semaphore_mem>>)
    %add3A_876 = arith.constant 28672 : i32
    %add3A_877 = arith.addi %mul3A_9, %add3A_876 : i32
    %dma_wait3A_878 = arith.constant 0 : i32
    %dma_wait3A_879 = arith.constant 0 : i32
    %dma_wait3A_880 = tpu.memref_slice %arg3[%add3A_813, %dma_wait3A_879] : memref<1638400x128xf32, #tpu.memory_space<hbm>> -> memref<512x128xf32, #tpu.memory_space<hbm>>
    %dma_wait3A_881 = tpu.memref_slice %arg6[%dma_wait3A_878] : memref<4x!tpu.dma_semaphore, #tpu.memory_space<semaphore_mem>> -> memref<1x!tpu.dma_semaphore, #tpu.memory_space<semaphore_mem>>
    %dma_wait3A_882 = tpu.memref_squeeze %dma_wait3A_881 : memref<1x!tpu.dma_semaphore, #tpu.memory_space<semaphore_mem>> -> memref<!tpu.dma_semaphore, #tpu.memory_space<semaphore_mem>>
    %dma_wait3A_883 = arith.constant 0 : i32
    %dma_wait3A_884 = tpu.memref_slice %arg3[%add3A_813, %dma_wait3A_883] : memref<1638400x128xf32, #tpu.memory_space<hbm>> -> memref<512x128xf32, #tpu.memory_space<hbm>>
    tpu.wait_dma2 semaphore(%dma_wait3A_882 : memref<!tpu.dma_semaphore, #tpu.memory_space<semaphore_mem>>) src(%arg5 : memref<512x128xf32, #tpu.memory_space<vmem>>) dst(%dma_wait3A_884 : memref<512x128xf32, #tpu.memory_space<hbm>>)
    %dma_start3A_885 = arith.constant 0 : i32
    %dma_start3A_886 = arith.constant 0 : i32
    %dma_start3A_887 = tpu.memref_slice %arg3[%add3A_877, %dma_start3A_886] : memref<1638400x128xf32, #tpu.memory_space<hbm>> -> memref<512x128xf32, #tpu.memory_space<hbm>>
    %dma_start3A_888 = tpu.memref_slice %arg6[%dma_start3A_885] : memref<4x!tpu.dma_semaphore, #tpu.memory_space<semaphore_mem>> -> memref<1x!tpu.dma_semaphore, #tpu.memory_space<semaphore_mem>>
    %dma_start3A_889 = tpu.memref_squeeze %dma_start3A_888 : memref<1x!tpu.dma_semaphore, #tpu.memory_space<semaphore_mem>> -> memref<!tpu.dma_semaphore, #tpu.memory_space<semaphore_mem>>
    %dma_start3A_890 = arith.constant 0 : i32
    %dma_start3A_891 = tpu.memref_slice %arg3[%add3A_877, %dma_start3A_890] : memref<1638400x128xf32, #tpu.memory_space<hbm>> -> memref<512x128xf32, #tpu.memory_space<hbm>>
    tpu.enqueue_dma source(%arg5 : memref<512x128xf32, #tpu.memory_space<vmem>>) target(%dma_start3A_891 : memref<512x128xf32, #tpu.memory_space<hbm>>) target_semaphore(%dma_start3A_889 : memref<!tpu.dma_semaphore, #tpu.memory_space<semaphore_mem>>)
    %add3A_892 = arith.constant 29184 : i32
    %add3A_893 = arith.addi %mul3A_9, %add3A_892 : i32
    %dma_wait3A_894 = arith.constant 1 : i32
    %dma_wait3A_895 = arith.constant 0 : i32
    %dma_wait3A_896 = tpu.memref_slice %arg3[%add3A_829, %dma_wait3A_895] : memref<1638400x128xf32, #tpu.memory_space<hbm>> -> memref<512x128xf32, #tpu.memory_space<hbm>>
    %dma_wait3A_897 = tpu.memref_slice %arg6[%dma_wait3A_894] : memref<4x!tpu.dma_semaphore, #tpu.memory_space<semaphore_mem>> -> memref<1x!tpu.dma_semaphore, #tpu.memory_space<semaphore_mem>>
    %dma_wait3A_898 = tpu.memref_squeeze %dma_wait3A_897 : memref<1x!tpu.dma_semaphore, #tpu.memory_space<semaphore_mem>> -> memref<!tpu.dma_semaphore, #tpu.memory_space<semaphore_mem>>
    %dma_wait3A_899 = arith.constant 0 : i32
    %dma_wait3A_900 = tpu.memref_slice %arg3[%add3A_829, %dma_wait3A_899] : memref<1638400x128xf32, #tpu.memory_space<hbm>> -> memref<512x128xf32, #tpu.memory_space<hbm>>
    tpu.wait_dma2 semaphore(%dma_wait3A_898 : memref<!tpu.dma_semaphore, #tpu.memory_space<semaphore_mem>>) src(%arg5 : memref<512x128xf32, #tpu.memory_space<vmem>>) dst(%dma_wait3A_900 : memref<512x128xf32, #tpu.memory_space<hbm>>)
    %dma_start3A_901 = arith.constant 1 : i32
    %dma_start3A_902 = arith.constant 0 : i32
    %dma_start3A_903 = tpu.memref_slice %arg3[%add3A_893, %dma_start3A_902] : memref<1638400x128xf32, #tpu.memory_space<hbm>> -> memref<512x128xf32, #tpu.memory_space<hbm>>
    %dma_start3A_904 = tpu.memref_slice %arg6[%dma_start3A_901] : memref<4x!tpu.dma_semaphore, #tpu.memory_space<semaphore_mem>> -> memref<1x!tpu.dma_semaphore, #tpu.memory_space<semaphore_mem>>
    %dma_start3A_905 = tpu.memref_squeeze %dma_start3A_904 : memref<1x!tpu.dma_semaphore, #tpu.memory_space<semaphore_mem>> -> memref<!tpu.dma_semaphore, #tpu.memory_space<semaphore_mem>>
    %dma_start3A_906 = arith.constant 0 : i32
    %dma_start3A_907 = tpu.memref_slice %arg3[%add3A_893, %dma_start3A_906] : memref<1638400x128xf32, #tpu.memory_space<hbm>> -> memref<512x128xf32, #tpu.memory_space<hbm>>
    tpu.enqueue_dma source(%arg5 : memref<512x128xf32, #tpu.memory_space<vmem>>) target(%dma_start3A_907 : memref<512x128xf32, #tpu.memory_space<hbm>>) target_semaphore(%dma_start3A_905 : memref<!tpu.dma_semaphore, #tpu.memory_space<semaphore_mem>>)
    %add3A_908 = arith.constant 29696 : i32
    %add3A_909 = arith.addi %mul3A_9, %add3A_908 : i32
    %dma_wait3A_910 = arith.constant 2 : i32
    %dma_wait3A_911 = arith.constant 0 : i32
    %dma_wait3A_912 = tpu.memref_slice %arg3[%add3A_845, %dma_wait3A_911] : memref<1638400x128xf32, #tpu.memory_space<hbm>> -> memref<512x128xf32, #tpu.memory_space<hbm>>
    %dma_wait3A_913 = tpu.memref_slice %arg6[%dma_wait3A_910] : memref<4x!tpu.dma_semaphore, #tpu.memory_space<semaphore_mem>> -> memref<1x!tpu.dma_semaphore, #tpu.memory_space<semaphore_mem>>
    %dma_wait3A_914 = tpu.memref_squeeze %dma_wait3A_913 : memref<1x!tpu.dma_semaphore, #tpu.memory_space<semaphore_mem>> -> memref<!tpu.dma_semaphore, #tpu.memory_space<semaphore_mem>>
    %dma_wait3A_915 = arith.constant 0 : i32
    %dma_wait3A_916 = tpu.memref_slice %arg3[%add3A_845, %dma_wait3A_915] : memref<1638400x128xf32, #tpu.memory_space<hbm>> -> memref<512x128xf32, #tpu.memory_space<hbm>>
    tpu.wait_dma2 semaphore(%dma_wait3A_914 : memref<!tpu.dma_semaphore, #tpu.memory_space<semaphore_mem>>) src(%arg5 : memref<512x128xf32, #tpu.memory_space<vmem>>) dst(%dma_wait3A_916 : memref<512x128xf32, #tpu.memory_space<hbm>>)
    %dma_start3A_917 = arith.constant 2 : i32
    %dma_start3A_918 = arith.constant 0 : i32
    %dma_start3A_919 = tpu.memref_slice %arg3[%add3A_909, %dma_start3A_918] : memref<1638400x128xf32, #tpu.memory_space<hbm>> -> memref<512x128xf32, #tpu.memory_space<hbm>>
    %dma_start3A_920 = tpu.memref_slice %arg6[%dma_start3A_917] : memref<4x!tpu.dma_semaphore, #tpu.memory_space<semaphore_mem>> -> memref<1x!tpu.dma_semaphore, #tpu.memory_space<semaphore_mem>>
    %dma_start3A_921 = tpu.memref_squeeze %dma_start3A_920 : memref<1x!tpu.dma_semaphore, #tpu.memory_space<semaphore_mem>> -> memref<!tpu.dma_semaphore, #tpu.memory_space<semaphore_mem>>
    %dma_start3A_922 = arith.constant 0 : i32
    %dma_start3A_923 = tpu.memref_slice %arg3[%add3A_909, %dma_start3A_922] : memref<1638400x128xf32, #tpu.memory_space<hbm>> -> memref<512x128xf32, #tpu.memory_space<hbm>>
    tpu.enqueue_dma source(%arg5 : memref<512x128xf32, #tpu.memory_space<vmem>>) target(%dma_start3A_923 : memref<512x128xf32, #tpu.memory_space<hbm>>) target_semaphore(%dma_start3A_921 : memref<!tpu.dma_semaphore, #tpu.memory_space<semaphore_mem>>)
    %add3A_924 = arith.constant 30208 : i32
    %add3A_925 = arith.addi %mul3A_9, %add3A_924 : i32
    %dma_wait3A_926 = arith.constant 3 : i32
    %dma_wait3A_927 = arith.constant 0 : i32
    %dma_wait3A_928 = tpu.memref_slice %arg3[%add3A_861, %dma_wait3A_927] : memref<1638400x128xf32, #tpu.memory_space<hbm>> -> memref<512x128xf32, #tpu.memory_space<hbm>>
    %dma_wait3A_929 = tpu.memref_slice %arg6[%dma_wait3A_926] : memref<4x!tpu.dma_semaphore, #tpu.memory_space<semaphore_mem>> -> memref<1x!tpu.dma_semaphore, #tpu.memory_space<semaphore_mem>>
    %dma_wait3A_930 = tpu.memref_squeeze %dma_wait3A_929 : memref<1x!tpu.dma_semaphore, #tpu.memory_space<semaphore_mem>> -> memref<!tpu.dma_semaphore, #tpu.memory_space<semaphore_mem>>
    %dma_wait3A_931 = arith.constant 0 : i32
    %dma_wait3A_932 = tpu.memref_slice %arg3[%add3A_861, %dma_wait3A_931] : memref<1638400x128xf32, #tpu.memory_space<hbm>> -> memref<512x128xf32, #tpu.memory_space<hbm>>
    tpu.wait_dma2 semaphore(%dma_wait3A_930 : memref<!tpu.dma_semaphore, #tpu.memory_space<semaphore_mem>>) src(%arg5 : memref<512x128xf32, #tpu.memory_space<vmem>>) dst(%dma_wait3A_932 : memref<512x128xf32, #tpu.memory_space<hbm>>)
    %dma_start3A_933 = arith.constant 3 : i32
    %dma_start3A_934 = arith.constant 0 : i32
    %dma_start3A_935 = tpu.memref_slice %arg3[%add3A_925, %dma_start3A_934] : memref<1638400x128xf32, #tpu.memory_space<hbm>> -> memref<512x128xf32, #tpu.memory_space<hbm>>
    %dma_start3A_936 = tpu.memref_slice %arg6[%dma_start3A_933] : memref<4x!tpu.dma_semaphore, #tpu.memory_space<semaphore_mem>> -> memref<1x!tpu.dma_semaphore, #tpu.memory_space<semaphore_mem>>
    %dma_start3A_937 = tpu.memref_squeeze %dma_start3A_936 : memref<1x!tpu.dma_semaphore, #tpu.memory_space<semaphore_mem>> -> memref<!tpu.dma_semaphore, #tpu.memory_space<semaphore_mem>>
    %dma_start3A_938 = arith.constant 0 : i32
    %dma_start3A_939 = tpu.memref_slice %arg3[%add3A_925, %dma_start3A_938] : memref<1638400x128xf32, #tpu.memory_space<hbm>> -> memref<512x128xf32, #tpu.memory_space<hbm>>
    tpu.enqueue_dma source(%arg5 : memref<512x128xf32, #tpu.memory_space<vmem>>) target(%dma_start3A_939 : memref<512x128xf32, #tpu.memory_space<hbm>>) target_semaphore(%dma_start3A_937 : memref<!tpu.dma_semaphore, #tpu.memory_space<semaphore_mem>>)
    %add3A_940 = arith.constant 30720 : i32
    %add3A_941 = arith.addi %mul3A_9, %add3A_940 : i32
    %dma_wait3A_942 = arith.constant 0 : i32
    %dma_wait3A_943 = arith.constant 0 : i32
    %dma_wait3A_944 = tpu.memref_slice %arg3[%add3A_877, %dma_wait3A_943] : memref<1638400x128xf32, #tpu.memory_space<hbm>> -> memref<512x128xf32, #tpu.memory_space<hbm>>
    %dma_wait3A_945 = tpu.memref_slice %arg6[%dma_wait3A_942] : memref<4x!tpu.dma_semaphore, #tpu.memory_space<semaphore_mem>> -> memref<1x!tpu.dma_semaphore, #tpu.memory_space<semaphore_mem>>
    %dma_wait3A_946 = tpu.memref_squeeze %dma_wait3A_945 : memref<1x!tpu.dma_semaphore, #tpu.memory_space<semaphore_mem>> -> memref<!tpu.dma_semaphore, #tpu.memory_space<semaphore_mem>>
    %dma_wait3A_947 = arith.constant 0 : i32
    %dma_wait3A_948 = tpu.memref_slice %arg3[%add3A_877, %dma_wait3A_947] : memref<1638400x128xf32, #tpu.memory_space<hbm>> -> memref<512x128xf32, #tpu.memory_space<hbm>>
    tpu.wait_dma2 semaphore(%dma_wait3A_946 : memref<!tpu.dma_semaphore, #tpu.memory_space<semaphore_mem>>) src(%arg5 : memref<512x128xf32, #tpu.memory_space<vmem>>) dst(%dma_wait3A_948 : memref<512x128xf32, #tpu.memory_space<hbm>>)
    %dma_start3A_949 = arith.constant 0 : i32
    %dma_start3A_950 = arith.constant 0 : i32
    %dma_start3A_951 = tpu.memref_slice %arg3[%add3A_941, %dma_start3A_950] : memref<1638400x128xf32, #tpu.memory_space<hbm>> -> memref<512x128xf32, #tpu.memory_space<hbm>>
    %dma_start3A_952 = tpu.memref_slice %arg6[%dma_start3A_949] : memref<4x!tpu.dma_semaphore, #tpu.memory_space<semaphore_mem>> -> memref<1x!tpu.dma_semaphore, #tpu.memory_space<semaphore_mem>>
    %dma_start3A_953 = tpu.memref_squeeze %dma_start3A_952 : memref<1x!tpu.dma_semaphore, #tpu.memory_space<semaphore_mem>> -> memref<!tpu.dma_semaphore, #tpu.memory_space<semaphore_mem>>
    %dma_start3A_954 = arith.constant 0 : i32
    %dma_start3A_955 = tpu.memref_slice %arg3[%add3A_941, %dma_start3A_954] : memref<1638400x128xf32, #tpu.memory_space<hbm>> -> memref<512x128xf32, #tpu.memory_space<hbm>>
    tpu.enqueue_dma source(%arg5 : memref<512x128xf32, #tpu.memory_space<vmem>>) target(%dma_start3A_955 : memref<512x128xf32, #tpu.memory_space<hbm>>) target_semaphore(%dma_start3A_953 : memref<!tpu.dma_semaphore, #tpu.memory_space<semaphore_mem>>)
    %add3A_956 = arith.constant 31232 : i32
    %add3A_957 = arith.addi %mul3A_9, %add3A_956 : i32
    %dma_wait3A_958 = arith.constant 1 : i32
    %dma_wait3A_959 = arith.constant 0 : i32
    %dma_wait3A_960 = tpu.memref_slice %arg3[%add3A_893, %dma_wait3A_959] : memref<1638400x128xf32, #tpu.memory_space<hbm>> -> memref<512x128xf32, #tpu.memory_space<hbm>>
    %dma_wait3A_961 = tpu.memref_slice %arg6[%dma_wait3A_958] : memref<4x!tpu.dma_semaphore, #tpu.memory_space<semaphore_mem>> -> memref<1x!tpu.dma_semaphore, #tpu.memory_space<semaphore_mem>>
    %dma_wait3A_962 = tpu.memref_squeeze %dma_wait3A_961 : memref<1x!tpu.dma_semaphore, #tpu.memory_space<semaphore_mem>> -> memref<!tpu.dma_semaphore, #tpu.memory_space<semaphore_mem>>
    %dma_wait3A_963 = arith.constant 0 : i32
    %dma_wait3A_964 = tpu.memref_slice %arg3[%add3A_893, %dma_wait3A_963] : memref<1638400x128xf32, #tpu.memory_space<hbm>> -> memref<512x128xf32, #tpu.memory_space<hbm>>
    tpu.wait_dma2 semaphore(%dma_wait3A_962 : memref<!tpu.dma_semaphore, #tpu.memory_space<semaphore_mem>>) src(%arg5 : memref<512x128xf32, #tpu.memory_space<vmem>>) dst(%dma_wait3A_964 : memref<512x128xf32, #tpu.memory_space<hbm>>)
    %dma_start3A_965 = arith.constant 1 : i32
    %dma_start3A_966 = arith.constant 0 : i32
    %dma_start3A_967 = tpu.memref_slice %arg3[%add3A_957, %dma_start3A_966] : memref<1638400x128xf32, #tpu.memory_space<hbm>> -> memref<512x128xf32, #tpu.memory_space<hbm>>
    %dma_start3A_968 = tpu.memref_slice %arg6[%dma_start3A_965] : memref<4x!tpu.dma_semaphore, #tpu.memory_space<semaphore_mem>> -> memref<1x!tpu.dma_semaphore, #tpu.memory_space<semaphore_mem>>
    %dma_start3A_969 = tpu.memref_squeeze %dma_start3A_968 : memref<1x!tpu.dma_semaphore, #tpu.memory_space<semaphore_mem>> -> memref<!tpu.dma_semaphore, #tpu.memory_space<semaphore_mem>>
    %dma_start3A_970 = arith.constant 0 : i32
    %dma_start3A_971 = tpu.memref_slice %arg3[%add3A_957, %dma_start3A_970] : memref<1638400x128xf32, #tpu.memory_space<hbm>> -> memref<512x128xf32, #tpu.memory_space<hbm>>
    tpu.enqueue_dma source(%arg5 : memref<512x128xf32, #tpu.memory_space<vmem>>) target(%dma_start3A_971 : memref<512x128xf32, #tpu.memory_space<hbm>>) target_semaphore(%dma_start3A_969 : memref<!tpu.dma_semaphore, #tpu.memory_space<semaphore_mem>>)
    %add3A_972 = arith.constant 31744 : i32
    %add3A_973 = arith.addi %mul3A_9, %add3A_972 : i32
    %dma_wait3A_974 = arith.constant 2 : i32
    %dma_wait3A_975 = arith.constant 0 : i32
    %dma_wait3A_976 = tpu.memref_slice %arg3[%add3A_909, %dma_wait3A_975] : memref<1638400x128xf32, #tpu.memory_space<hbm>> -> memref<512x128xf32, #tpu.memory_space<hbm>>
    %dma_wait3A_977 = tpu.memref_slice %arg6[%dma_wait3A_974] : memref<4x!tpu.dma_semaphore, #tpu.memory_space<semaphore_mem>> -> memref<1x!tpu.dma_semaphore, #tpu.memory_space<semaphore_mem>>
    %dma_wait3A_978 = tpu.memref_squeeze %dma_wait3A_977 : memref<1x!tpu.dma_semaphore, #tpu.memory_space<semaphore_mem>> -> memref<!tpu.dma_semaphore, #tpu.memory_space<semaphore_mem>>
    %dma_wait3A_979 = arith.constant 0 : i32
    %dma_wait3A_980 = tpu.memref_slice %arg3[%add3A_909, %dma_wait3A_979] : memref<1638400x128xf32, #tpu.memory_space<hbm>> -> memref<512x128xf32, #tpu.memory_space<hbm>>
    tpu.wait_dma2 semaphore(%dma_wait3A_978 : memref<!tpu.dma_semaphore, #tpu.memory_space<semaphore_mem>>) src(%arg5 : memref<512x128xf32, #tpu.memory_space<vmem>>) dst(%dma_wait3A_980 : memref<512x128xf32, #tpu.memory_space<hbm>>)
    %dma_start3A_981 = arith.constant 2 : i32
    %dma_start3A_982 = arith.constant 0 : i32
    %dma_start3A_983 = tpu.memref_slice %arg3[%add3A_973, %dma_start3A_982] : memref<1638400x128xf32, #tpu.memory_space<hbm>> -> memref<512x128xf32, #tpu.memory_space<hbm>>
    %dma_start3A_984 = tpu.memref_slice %arg6[%dma_start3A_981] : memref<4x!tpu.dma_semaphore, #tpu.memory_space<semaphore_mem>> -> memref<1x!tpu.dma_semaphore, #tpu.memory_space<semaphore_mem>>
    %dma_start3A_985 = tpu.memref_squeeze %dma_start3A_984 : memref<1x!tpu.dma_semaphore, #tpu.memory_space<semaphore_mem>> -> memref<!tpu.dma_semaphore, #tpu.memory_space<semaphore_mem>>
    %dma_start3A_986 = arith.constant 0 : i32
    %dma_start3A_987 = tpu.memref_slice %arg3[%add3A_973, %dma_start3A_986] : memref<1638400x128xf32, #tpu.memory_space<hbm>> -> memref<512x128xf32, #tpu.memory_space<hbm>>
    tpu.enqueue_dma source(%arg5 : memref<512x128xf32, #tpu.memory_space<vmem>>) target(%dma_start3A_987 : memref<512x128xf32, #tpu.memory_space<hbm>>) target_semaphore(%dma_start3A_985 : memref<!tpu.dma_semaphore, #tpu.memory_space<semaphore_mem>>)
    %add3A_988 = arith.constant 32256 : i32
    %add3A_989 = arith.addi %mul3A_9, %add3A_988 : i32
    %dma_wait3A_990 = arith.constant 3 : i32
    %dma_wait3A_991 = arith.constant 0 : i32
    %dma_wait3A_992 = tpu.memref_slice %arg3[%add3A_925, %dma_wait3A_991] : memref<1638400x128xf32, #tpu.memory_space<hbm>> -> memref<512x128xf32, #tpu.memory_space<hbm>>
    %dma_wait3A_993 = tpu.memref_slice %arg6[%dma_wait3A_990] : memref<4x!tpu.dma_semaphore, #tpu.memory_space<semaphore_mem>> -> memref<1x!tpu.dma_semaphore, #tpu.memory_space<semaphore_mem>>
    %dma_wait3A_994 = tpu.memref_squeeze %dma_wait3A_993 : memref<1x!tpu.dma_semaphore, #tpu.memory_space<semaphore_mem>> -> memref<!tpu.dma_semaphore, #tpu.memory_space<semaphore_mem>>
    %dma_wait3A_995 = arith.constant 0 : i32
    %dma_wait3A_996 = tpu.memref_slice %arg3[%add3A_925, %dma_wait3A_995] : memref<1638400x128xf32, #tpu.memory_space<hbm>> -> memref<512x128xf32, #tpu.memory_space<hbm>>
    tpu.wait_dma2 semaphore(%dma_wait3A_994 : memref<!tpu.dma_semaphore, #tpu.memory_space<semaphore_mem>>) src(%arg5 : memref<512x128xf32, #tpu.memory_space<vmem>>) dst(%dma_wait3A_996 : memref<512x128xf32, #tpu.memory_space<hbm>>)
    %dma_start3A_997 = arith.constant 3 : i32
    %dma_start3A_998 = arith.constant 0 : i32
    %dma_start3A_999 = tpu.memref_slice %arg3[%add3A_989, %dma_start3A_998] : memref<1638400x128xf32, #tpu.memory_space<hbm>> -> memref<512x128xf32, #tpu.memory_space<hbm>>
    %dma_start3A_1000 = tpu.memref_slice %arg6[%dma_start3A_997] : memref<4x!tpu.dma_semaphore, #tpu.memory_space<semaphore_mem>> -> memref<1x!tpu.dma_semaphore, #tpu.memory_space<semaphore_mem>>
    %dma_start3A_1001 = tpu.memref_squeeze %dma_start3A_1000 : memref<1x!tpu.dma_semaphore, #tpu.memory_space<semaphore_mem>> -> memref<!tpu.dma_semaphore, #tpu.memory_space<semaphore_mem>>
    %dma_start3A_1002 = arith.constant 0 : i32
    %dma_start3A_1003 = tpu.memref_slice %arg3[%add3A_989, %dma_start3A_1002] : memref<1638400x128xf32, #tpu.memory_space<hbm>> -> memref<512x128xf32, #tpu.memory_space<hbm>>
    tpu.enqueue_dma source(%arg5 : memref<512x128xf32, #tpu.memory_space<vmem>>) target(%dma_start3A_1003 : memref<512x128xf32, #tpu.memory_space<hbm>>) target_semaphore(%dma_start3A_1001 : memref<!tpu.dma_semaphore, #tpu.memory_space<semaphore_mem>>)
    %add3A_1004 = arith.constant 32768 : i32
    %add3A_1005 = arith.addi %mul3A_9, %add3A_1004 : i32
    %dma_wait3A_1006 = arith.constant 0 : i32
    %dma_wait3A_1007 = arith.constant 0 : i32
    %dma_wait3A_1008 = tpu.memref_slice %arg3[%add3A_941, %dma_wait3A_1007] : memref<1638400x128xf32, #tpu.memory_space<hbm>> -> memref<512x128xf32, #tpu.memory_space<hbm>>
    %dma_wait3A_1009 = tpu.memref_slice %arg6[%dma_wait3A_1006] : memref<4x!tpu.dma_semaphore, #tpu.memory_space<semaphore_mem>> -> memref<1x!tpu.dma_semaphore, #tpu.memory_space<semaphore_mem>>
    %dma_wait3A_1010 = tpu.memref_squeeze %dma_wait3A_1009 : memref<1x!tpu.dma_semaphore, #tpu.memory_space<semaphore_mem>> -> memref<!tpu.dma_semaphore, #tpu.memory_space<semaphore_mem>>
    %dma_wait3A_1011 = arith.constant 0 : i32
    %dma_wait3A_1012 = tpu.memref_slice %arg3[%add3A_941, %dma_wait3A_1011] : memref<1638400x128xf32, #tpu.memory_space<hbm>> -> memref<512x128xf32, #tpu.memory_space<hbm>>
    tpu.wait_dma2 semaphore(%dma_wait3A_1010 : memref<!tpu.dma_semaphore, #tpu.memory_space<semaphore_mem>>) src(%arg5 : memref<512x128xf32, #tpu.memory_space<vmem>>) dst(%dma_wait3A_1012 : memref<512x128xf32, #tpu.memory_space<hbm>>)
    %dma_start3A_1013 = arith.constant 0 : i32
    %dma_start3A_1014 = arith.constant 0 : i32
    %dma_start3A_1015 = tpu.memref_slice %arg3[%add3A_1005, %dma_start3A_1014] : memref<1638400x128xf32, #tpu.memory_space<hbm>> -> memref<512x128xf32, #tpu.memory_space<hbm>>
    %dma_start3A_1016 = tpu.memref_slice %arg6[%dma_start3A_1013] : memref<4x!tpu.dma_semaphore, #tpu.memory_space<semaphore_mem>> -> memref<1x!tpu.dma_semaphore, #tpu.memory_space<semaphore_mem>>
    %dma_start3A_1017 = tpu.memref_squeeze %dma_start3A_1016 : memref<1x!tpu.dma_semaphore, #tpu.memory_space<semaphore_mem>> -> memref<!tpu.dma_semaphore, #tpu.memory_space<semaphore_mem>>
    %dma_start3A_1018 = arith.constant 0 : i32
    %dma_start3A_1019 = tpu.memref_slice %arg3[%add3A_1005, %dma_start3A_1018] : memref<1638400x128xf32, #tpu.memory_space<hbm>> -> memref<512x128xf32, #tpu.memory_space<hbm>>
    tpu.enqueue_dma source(%arg5 : memref<512x128xf32, #tpu.memory_space<vmem>>) target(%dma_start3A_1019 : memref<512x128xf32, #tpu.memory_space<hbm>>) target_semaphore(%dma_start3A_1017 : memref<!tpu.dma_semaphore, #tpu.memory_space<semaphore_mem>>)
    %add3A_1020 = arith.constant 33280 : i32
    %add3A_1021 = arith.addi %mul3A_9, %add3A_1020 : i32
    %dma_wait3A_1022 = arith.constant 1 : i32
    %dma_wait3A_1023 = arith.constant 0 : i32
    %dma_wait3A_1024 = tpu.memref_slice %arg3[%add3A_957, %dma_wait3A_1023] : memref<1638400x128xf32, #tpu.memory_space<hbm>> -> memref<512x128xf32, #tpu.memory_space<hbm>>
    %dma_wait3A_1025 = tpu.memref_slice %arg6[%dma_wait3A_1022] : memref<4x!tpu.dma_semaphore, #tpu.memory_space<semaphore_mem>> -> memref<1x!tpu.dma_semaphore, #tpu.memory_space<semaphore_mem>>
    %dma_wait3A_1026 = tpu.memref_squeeze %dma_wait3A_1025 : memref<1x!tpu.dma_semaphore, #tpu.memory_space<semaphore_mem>> -> memref<!tpu.dma_semaphore, #tpu.memory_space<semaphore_mem>>
    %dma_wait3A_1027 = arith.constant 0 : i32
    %dma_wait3A_1028 = tpu.memref_slice %arg3[%add3A_957, %dma_wait3A_1027] : memref<1638400x128xf32, #tpu.memory_space<hbm>> -> memref<512x128xf32, #tpu.memory_space<hbm>>
    tpu.wait_dma2 semaphore(%dma_wait3A_1026 : memref<!tpu.dma_semaphore, #tpu.memory_space<semaphore_mem>>) src(%arg5 : memref<512x128xf32, #tpu.memory_space<vmem>>) dst(%dma_wait3A_1028 : memref<512x128xf32, #tpu.memory_space<hbm>>)
    %dma_start3A_1029 = arith.constant 1 : i32
    %dma_start3A_1030 = arith.constant 0 : i32
    %dma_start3A_1031 = tpu.memref_slice %arg3[%add3A_1021, %dma_start3A_1030] : memref<1638400x128xf32, #tpu.memory_space<hbm>> -> memref<512x128xf32, #tpu.memory_space<hbm>>
    %dma_start3A_1032 = tpu.memref_slice %arg6[%dma_start3A_1029] : memref<4x!tpu.dma_semaphore, #tpu.memory_space<semaphore_mem>> -> memref<1x!tpu.dma_semaphore, #tpu.memory_space<semaphore_mem>>
    %dma_start3A_1033 = tpu.memref_squeeze %dma_start3A_1032 : memref<1x!tpu.dma_semaphore, #tpu.memory_space<semaphore_mem>> -> memref<!tpu.dma_semaphore, #tpu.memory_space<semaphore_mem>>
    %dma_start3A_1034 = arith.constant 0 : i32
    %dma_start3A_1035 = tpu.memref_slice %arg3[%add3A_1021, %dma_start3A_1034] : memref<1638400x128xf32, #tpu.memory_space<hbm>> -> memref<512x128xf32, #tpu.memory_space<hbm>>
    tpu.enqueue_dma source(%arg5 : memref<512x128xf32, #tpu.memory_space<vmem>>) target(%dma_start3A_1035 : memref<512x128xf32, #tpu.memory_space<hbm>>) target_semaphore(%dma_start3A_1033 : memref<!tpu.dma_semaphore, #tpu.memory_space<semaphore_mem>>)
    %add3A_1036 = arith.constant 33792 : i32
    %add3A_1037 = arith.addi %mul3A_9, %add3A_1036 : i32
    %dma_wait3A_1038 = arith.constant 2 : i32
    %dma_wait3A_1039 = arith.constant 0 : i32
    %dma_wait3A_1040 = tpu.memref_slice %arg3[%add3A_973, %dma_wait3A_1039] : memref<1638400x128xf32, #tpu.memory_space<hbm>> -> memref<512x128xf32, #tpu.memory_space<hbm>>
    %dma_wait3A_1041 = tpu.memref_slice %arg6[%dma_wait3A_1038] : memref<4x!tpu.dma_semaphore, #tpu.memory_space<semaphore_mem>> -> memref<1x!tpu.dma_semaphore, #tpu.memory_space<semaphore_mem>>
    %dma_wait3A_1042 = tpu.memref_squeeze %dma_wait3A_1041 : memref<1x!tpu.dma_semaphore, #tpu.memory_space<semaphore_mem>> -> memref<!tpu.dma_semaphore, #tpu.memory_space<semaphore_mem>>
    %dma_wait3A_1043 = arith.constant 0 : i32
    %dma_wait3A_1044 = tpu.memref_slice %arg3[%add3A_973, %dma_wait3A_1043] : memref<1638400x128xf32, #tpu.memory_space<hbm>> -> memref<512x128xf32, #tpu.memory_space<hbm>>
    tpu.wait_dma2 semaphore(%dma_wait3A_1042 : memref<!tpu.dma_semaphore, #tpu.memory_space<semaphore_mem>>) src(%arg5 : memref<512x128xf32, #tpu.memory_space<vmem>>) dst(%dma_wait3A_1044 : memref<512x128xf32, #tpu.memory_space<hbm>>)
    %dma_start3A_1045 = arith.constant 2 : i32
    %dma_start3A_1046 = arith.constant 0 : i32
    %dma_start3A_1047 = tpu.memref_slice %arg3[%add3A_1037, %dma_start3A_1046] : memref<1638400x128xf32, #tpu.memory_space<hbm>> -> memref<512x128xf32, #tpu.memory_space<hbm>>
    %dma_start3A_1048 = tpu.memref_slice %arg6[%dma_start3A_1045] : memref<4x!tpu.dma_semaphore, #tpu.memory_space<semaphore_mem>> -> memref<1x!tpu.dma_semaphore, #tpu.memory_space<semaphore_mem>>
    %dma_start3A_1049 = tpu.memref_squeeze %dma_start3A_1048 : memref<1x!tpu.dma_semaphore, #tpu.memory_space<semaphore_mem>> -> memref<!tpu.dma_semaphore, #tpu.memory_space<semaphore_mem>>
    %dma_start3A_1050 = arith.constant 0 : i32
    %dma_start3A_1051 = tpu.memref_slice %arg3[%add3A_1037, %dma_start3A_1050] : memref<1638400x128xf32, #tpu.memory_space<hbm>> -> memref<512x128xf32, #tpu.memory_space<hbm>>
    tpu.enqueue_dma source(%arg5 : memref<512x128xf32, #tpu.memory_space<vmem>>) target(%dma_start3A_1051 : memref<512x128xf32, #tpu.memory_space<hbm>>) target_semaphore(%dma_start3A_1049 : memref<!tpu.dma_semaphore, #tpu.memory_space<semaphore_mem>>)
    %add3A_1052 = arith.constant 34304 : i32
    %add3A_1053 = arith.addi %mul3A_9, %add3A_1052 : i32
    %dma_wait3A_1054 = arith.constant 3 : i32
    %dma_wait3A_1055 = arith.constant 0 : i32
    %dma_wait3A_1056 = tpu.memref_slice %arg3[%add3A_989, %dma_wait3A_1055] : memref<1638400x128xf32, #tpu.memory_space<hbm>> -> memref<512x128xf32, #tpu.memory_space<hbm>>
    %dma_wait3A_1057 = tpu.memref_slice %arg6[%dma_wait3A_1054] : memref<4x!tpu.dma_semaphore, #tpu.memory_space<semaphore_mem>> -> memref<1x!tpu.dma_semaphore, #tpu.memory_space<semaphore_mem>>
    %dma_wait3A_1058 = tpu.memref_squeeze %dma_wait3A_1057 : memref<1x!tpu.dma_semaphore, #tpu.memory_space<semaphore_mem>> -> memref<!tpu.dma_semaphore, #tpu.memory_space<semaphore_mem>>
    %dma_wait3A_1059 = arith.constant 0 : i32
    %dma_wait3A_1060 = tpu.memref_slice %arg3[%add3A_989, %dma_wait3A_1059] : memref<1638400x128xf32, #tpu.memory_space<hbm>> -> memref<512x128xf32, #tpu.memory_space<hbm>>
    tpu.wait_dma2 semaphore(%dma_wait3A_1058 : memref<!tpu.dma_semaphore, #tpu.memory_space<semaphore_mem>>) src(%arg5 : memref<512x128xf32, #tpu.memory_space<vmem>>) dst(%dma_wait3A_1060 : memref<512x128xf32, #tpu.memory_space<hbm>>)
    %dma_start3A_1061 = arith.constant 3 : i32
    %dma_start3A_1062 = arith.constant 0 : i32
    %dma_start3A_1063 = tpu.memref_slice %arg3[%add3A_1053, %dma_start3A_1062] : memref<1638400x128xf32, #tpu.memory_space<hbm>> -> memref<512x128xf32, #tpu.memory_space<hbm>>
    %dma_start3A_1064 = tpu.memref_slice %arg6[%dma_start3A_1061] : memref<4x!tpu.dma_semaphore, #tpu.memory_space<semaphore_mem>> -> memref<1x!tpu.dma_semaphore, #tpu.memory_space<semaphore_mem>>
    %dma_start3A_1065 = tpu.memref_squeeze %dma_start3A_1064 : memref<1x!tpu.dma_semaphore, #tpu.memory_space<semaphore_mem>> -> memref<!tpu.dma_semaphore, #tpu.memory_space<semaphore_mem>>
    %dma_start3A_1066 = arith.constant 0 : i32
    %dma_start3A_1067 = tpu.memref_slice %arg3[%add3A_1053, %dma_start3A_1066] : memref<1638400x128xf32, #tpu.memory_space<hbm>> -> memref<512x128xf32, #tpu.memory_space<hbm>>
    tpu.enqueue_dma source(%arg5 : memref<512x128xf32, #tpu.memory_space<vmem>>) target(%dma_start3A_1067 : memref<512x128xf32, #tpu.memory_space<hbm>>) target_semaphore(%dma_start3A_1065 : memref<!tpu.dma_semaphore, #tpu.memory_space<semaphore_mem>>)
    %add3A_1068 = arith.constant 34816 : i32
    %add3A_1069 = arith.addi %mul3A_9, %add3A_1068 : i32
    %dma_wait3A_1070 = arith.constant 0 : i32
    %dma_wait3A_1071 = arith.constant 0 : i32
    %dma_wait3A_1072 = tpu.memref_slice %arg3[%add3A_1005, %dma_wait3A_1071] : memref<1638400x128xf32, #tpu.memory_space<hbm>> -> memref<512x128xf32, #tpu.memory_space<hbm>>
    %dma_wait3A_1073 = tpu.memref_slice %arg6[%dma_wait3A_1070] : memref<4x!tpu.dma_semaphore, #tpu.memory_space<semaphore_mem>> -> memref<1x!tpu.dma_semaphore, #tpu.memory_space<semaphore_mem>>
    %dma_wait3A_1074 = tpu.memref_squeeze %dma_wait3A_1073 : memref<1x!tpu.dma_semaphore, #tpu.memory_space<semaphore_mem>> -> memref<!tpu.dma_semaphore, #tpu.memory_space<semaphore_mem>>
    %dma_wait3A_1075 = arith.constant 0 : i32
    %dma_wait3A_1076 = tpu.memref_slice %arg3[%add3A_1005, %dma_wait3A_1075] : memref<1638400x128xf32, #tpu.memory_space<hbm>> -> memref<512x128xf32, #tpu.memory_space<hbm>>
    tpu.wait_dma2 semaphore(%dma_wait3A_1074 : memref<!tpu.dma_semaphore, #tpu.memory_space<semaphore_mem>>) src(%arg5 : memref<512x128xf32, #tpu.memory_space<vmem>>) dst(%dma_wait3A_1076 : memref<512x128xf32, #tpu.memory_space<hbm>>)
    %dma_start3A_1077 = arith.constant 0 : i32
    %dma_start3A_1078 = arith.constant 0 : i32
    %dma_start3A_1079 = tpu.memref_slice %arg3[%add3A_1069, %dma_start3A_1078] : memref<1638400x128xf32, #tpu.memory_space<hbm>> -> memref<512x128xf32, #tpu.memory_space<hbm>>
    %dma_start3A_1080 = tpu.memref_slice %arg6[%dma_start3A_1077] : memref<4x!tpu.dma_semaphore, #tpu.memory_space<semaphore_mem>> -> memref<1x!tpu.dma_semaphore, #tpu.memory_space<semaphore_mem>>
    %dma_start3A_1081 = tpu.memref_squeeze %dma_start3A_1080 : memref<1x!tpu.dma_semaphore, #tpu.memory_space<semaphore_mem>> -> memref<!tpu.dma_semaphore, #tpu.memory_space<semaphore_mem>>
    %dma_start3A_1082 = arith.constant 0 : i32
    %dma_start3A_1083 = tpu.memref_slice %arg3[%add3A_1069, %dma_start3A_1082] : memref<1638400x128xf32, #tpu.memory_space<hbm>> -> memref<512x128xf32, #tpu.memory_space<hbm>>
    tpu.enqueue_dma source(%arg5 : memref<512x128xf32, #tpu.memory_space<vmem>>) target(%dma_start3A_1083 : memref<512x128xf32, #tpu.memory_space<hbm>>) target_semaphore(%dma_start3A_1081 : memref<!tpu.dma_semaphore, #tpu.memory_space<semaphore_mem>>)
    %add3A_1084 = arith.constant 35328 : i32
    %add3A_1085 = arith.addi %mul3A_9, %add3A_1084 : i32
    %dma_wait3A_1086 = arith.constant 1 : i32
    %dma_wait3A_1087 = arith.constant 0 : i32
    %dma_wait3A_1088 = tpu.memref_slice %arg3[%add3A_1021, %dma_wait3A_1087] : memref<1638400x128xf32, #tpu.memory_space<hbm>> -> memref<512x128xf32, #tpu.memory_space<hbm>>
    %dma_wait3A_1089 = tpu.memref_slice %arg6[%dma_wait3A_1086] : memref<4x!tpu.dma_semaphore, #tpu.memory_space<semaphore_mem>> -> memref<1x!tpu.dma_semaphore, #tpu.memory_space<semaphore_mem>>
    %dma_wait3A_1090 = tpu.memref_squeeze %dma_wait3A_1089 : memref<1x!tpu.dma_semaphore, #tpu.memory_space<semaphore_mem>> -> memref<!tpu.dma_semaphore, #tpu.memory_space<semaphore_mem>>
    %dma_wait3A_1091 = arith.constant 0 : i32
    %dma_wait3A_1092 = tpu.memref_slice %arg3[%add3A_1021, %dma_wait3A_1091] : memref<1638400x128xf32, #tpu.memory_space<hbm>> -> memref<512x128xf32, #tpu.memory_space<hbm>>
    tpu.wait_dma2 semaphore(%dma_wait3A_1090 : memref<!tpu.dma_semaphore, #tpu.memory_space<semaphore_mem>>) src(%arg5 : memref<512x128xf32, #tpu.memory_space<vmem>>) dst(%dma_wait3A_1092 : memref<512x128xf32, #tpu.memory_space<hbm>>)
    %dma_start3A_1093 = arith.constant 1 : i32
    %dma_start3A_1094 = arith.constant 0 : i32
    %dma_start3A_1095 = tpu.memref_slice %arg3[%add3A_1085, %dma_start3A_1094] : memref<1638400x128xf32, #tpu.memory_space<hbm>> -> memref<512x128xf32, #tpu.memory_space<hbm>>
    %dma_start3A_1096 = tpu.memref_slice %arg6[%dma_start3A_1093] : memref<4x!tpu.dma_semaphore, #tpu.memory_space<semaphore_mem>> -> memref<1x!tpu.dma_semaphore, #tpu.memory_space<semaphore_mem>>
    %dma_start3A_1097 = tpu.memref_squeeze %dma_start3A_1096 : memref<1x!tpu.dma_semaphore, #tpu.memory_space<semaphore_mem>> -> memref<!tpu.dma_semaphore, #tpu.memory_space<semaphore_mem>>
    %dma_start3A_1098 = arith.constant 0 : i32
    %dma_start3A_1099 = tpu.memref_slice %arg3[%add3A_1085, %dma_start3A_1098] : memref<1638400x128xf32, #tpu.memory_space<hbm>> -> memref<512x128xf32, #tpu.memory_space<hbm>>
    tpu.enqueue_dma source(%arg5 : memref<512x128xf32, #tpu.memory_space<vmem>>) target(%dma_start3A_1099 : memref<512x128xf32, #tpu.memory_space<hbm>>) target_semaphore(%dma_start3A_1097 : memref<!tpu.dma_semaphore, #tpu.memory_space<semaphore_mem>>)
    %add3A_1100 = arith.constant 35840 : i32
    %add3A_1101 = arith.addi %mul3A_9, %add3A_1100 : i32
    %dma_wait3A_1102 = arith.constant 2 : i32
    %dma_wait3A_1103 = arith.constant 0 : i32
    %dma_wait3A_1104 = tpu.memref_slice %arg3[%add3A_1037, %dma_wait3A_1103] : memref<1638400x128xf32, #tpu.memory_space<hbm>> -> memref<512x128xf32, #tpu.memory_space<hbm>>
    %dma_wait3A_1105 = tpu.memref_slice %arg6[%dma_wait3A_1102] : memref<4x!tpu.dma_semaphore, #tpu.memory_space<semaphore_mem>> -> memref<1x!tpu.dma_semaphore, #tpu.memory_space<semaphore_mem>>
    %dma_wait3A_1106 = tpu.memref_squeeze %dma_wait3A_1105 : memref<1x!tpu.dma_semaphore, #tpu.memory_space<semaphore_mem>> -> memref<!tpu.dma_semaphore, #tpu.memory_space<semaphore_mem>>
    %dma_wait3A_1107 = arith.constant 0 : i32
    %dma_wait3A_1108 = tpu.memref_slice %arg3[%add3A_1037, %dma_wait3A_1107] : memref<1638400x128xf32, #tpu.memory_space<hbm>> -> memref<512x128xf32, #tpu.memory_space<hbm>>
    tpu.wait_dma2 semaphore(%dma_wait3A_1106 : memref<!tpu.dma_semaphore, #tpu.memory_space<semaphore_mem>>) src(%arg5 : memref<512x128xf32, #tpu.memory_space<vmem>>) dst(%dma_wait3A_1108 : memref<512x128xf32, #tpu.memory_space<hbm>>)
    %dma_start3A_1109 = arith.constant 2 : i32
    %dma_start3A_1110 = arith.constant 0 : i32
    %dma_start3A_1111 = tpu.memref_slice %arg3[%add3A_1101, %dma_start3A_1110] : memref<1638400x128xf32, #tpu.memory_space<hbm>> -> memref<512x128xf32, #tpu.memory_space<hbm>>
    %dma_start3A_1112 = tpu.memref_slice %arg6[%dma_start3A_1109] : memref<4x!tpu.dma_semaphore, #tpu.memory_space<semaphore_mem>> -> memref<1x!tpu.dma_semaphore, #tpu.memory_space<semaphore_mem>>
    %dma_start3A_1113 = tpu.memref_squeeze %dma_start3A_1112 : memref<1x!tpu.dma_semaphore, #tpu.memory_space<semaphore_mem>> -> memref<!tpu.dma_semaphore, #tpu.memory_space<semaphore_mem>>
    %dma_start3A_1114 = arith.constant 0 : i32
    %dma_start3A_1115 = tpu.memref_slice %arg3[%add3A_1101, %dma_start3A_1114] : memref<1638400x128xf32, #tpu.memory_space<hbm>> -> memref<512x128xf32, #tpu.memory_space<hbm>>
    tpu.enqueue_dma source(%arg5 : memref<512x128xf32, #tpu.memory_space<vmem>>) target(%dma_start3A_1115 : memref<512x128xf32, #tpu.memory_space<hbm>>) target_semaphore(%dma_start3A_1113 : memref<!tpu.dma_semaphore, #tpu.memory_space<semaphore_mem>>)
    %add3A_1116 = arith.constant 36352 : i32
    %add3A_1117 = arith.addi %mul3A_9, %add3A_1116 : i32
    %dma_wait3A_1118 = arith.constant 3 : i32
    %dma_wait3A_1119 = arith.constant 0 : i32
    %dma_wait3A_1120 = tpu.memref_slice %arg3[%add3A_1053, %dma_wait3A_1119] : memref<1638400x128xf32, #tpu.memory_space<hbm>> -> memref<512x128xf32, #tpu.memory_space<hbm>>
    %dma_wait3A_1121 = tpu.memref_slice %arg6[%dma_wait3A_1118] : memref<4x!tpu.dma_semaphore, #tpu.memory_space<semaphore_mem>> -> memref<1x!tpu.dma_semaphore, #tpu.memory_space<semaphore_mem>>
    %dma_wait3A_1122 = tpu.memref_squeeze %dma_wait3A_1121 : memref<1x!tpu.dma_semaphore, #tpu.memory_space<semaphore_mem>> -> memref<!tpu.dma_semaphore, #tpu.memory_space<semaphore_mem>>
    %dma_wait3A_1123 = arith.constant 0 : i32
    %dma_wait3A_1124 = tpu.memref_slice %arg3[%add3A_1053, %dma_wait3A_1123] : memref<1638400x128xf32, #tpu.memory_space<hbm>> -> memref<512x128xf32, #tpu.memory_space<hbm>>
    tpu.wait_dma2 semaphore(%dma_wait3A_1122 : memref<!tpu.dma_semaphore, #tpu.memory_space<semaphore_mem>>) src(%arg5 : memref<512x128xf32, #tpu.memory_space<vmem>>) dst(%dma_wait3A_1124 : memref<512x128xf32, #tpu.memory_space<hbm>>)
    %dma_start3A_1125 = arith.constant 3 : i32
    %dma_start3A_1126 = arith.constant 0 : i32
    %dma_start3A_1127 = tpu.memref_slice %arg3[%add3A_1117, %dma_start3A_1126] : memref<1638400x128xf32, #tpu.memory_space<hbm>> -> memref<512x128xf32, #tpu.memory_space<hbm>>
    %dma_start3A_1128 = tpu.memref_slice %arg6[%dma_start3A_1125] : memref<4x!tpu.dma_semaphore, #tpu.memory_space<semaphore_mem>> -> memref<1x!tpu.dma_semaphore, #tpu.memory_space<semaphore_mem>>
    %dma_start3A_1129 = tpu.memref_squeeze %dma_start3A_1128 : memref<1x!tpu.dma_semaphore, #tpu.memory_space<semaphore_mem>> -> memref<!tpu.dma_semaphore, #tpu.memory_space<semaphore_mem>>
    %dma_start3A_1130 = arith.constant 0 : i32
    %dma_start3A_1131 = tpu.memref_slice %arg3[%add3A_1117, %dma_start3A_1130] : memref<1638400x128xf32, #tpu.memory_space<hbm>> -> memref<512x128xf32, #tpu.memory_space<hbm>>
    tpu.enqueue_dma source(%arg5 : memref<512x128xf32, #tpu.memory_space<vmem>>) target(%dma_start3A_1131 : memref<512x128xf32, #tpu.memory_space<hbm>>) target_semaphore(%dma_start3A_1129 : memref<!tpu.dma_semaphore, #tpu.memory_space<semaphore_mem>>)
    %add3A_1132 = arith.constant 36864 : i32
    %add3A_1133 = arith.addi %mul3A_9, %add3A_1132 : i32
    %dma_wait3A_1134 = arith.constant 0 : i32
    %dma_wait3A_1135 = arith.constant 0 : i32
    %dma_wait3A_1136 = tpu.memref_slice %arg3[%add3A_1069, %dma_wait3A_1135] : memref<1638400x128xf32, #tpu.memory_space<hbm>> -> memref<512x128xf32, #tpu.memory_space<hbm>>
    %dma_wait3A_1137 = tpu.memref_slice %arg6[%dma_wait3A_1134] : memref<4x!tpu.dma_semaphore, #tpu.memory_space<semaphore_mem>> -> memref<1x!tpu.dma_semaphore, #tpu.memory_space<semaphore_mem>>
    %dma_wait3A_1138 = tpu.memref_squeeze %dma_wait3A_1137 : memref<1x!tpu.dma_semaphore, #tpu.memory_space<semaphore_mem>> -> memref<!tpu.dma_semaphore, #tpu.memory_space<semaphore_mem>>
    %dma_wait3A_1139 = arith.constant 0 : i32
    %dma_wait3A_1140 = tpu.memref_slice %arg3[%add3A_1069, %dma_wait3A_1139] : memref<1638400x128xf32, #tpu.memory_space<hbm>> -> memref<512x128xf32, #tpu.memory_space<hbm>>
    tpu.wait_dma2 semaphore(%dma_wait3A_1138 : memref<!tpu.dma_semaphore, #tpu.memory_space<semaphore_mem>>) src(%arg5 : memref<512x128xf32, #tpu.memory_space<vmem>>) dst(%dma_wait3A_1140 : memref<512x128xf32, #tpu.memory_space<hbm>>)
    %dma_start3A_1141 = arith.constant 0 : i32
    %dma_start3A_1142 = arith.constant 0 : i32
    %dma_start3A_1143 = tpu.memref_slice %arg3[%add3A_1133, %dma_start3A_1142] : memref<1638400x128xf32, #tpu.memory_space<hbm>> -> memref<512x128xf32, #tpu.memory_space<hbm>>
    %dma_start3A_1144 = tpu.memref_slice %arg6[%dma_start3A_1141] : memref<4x!tpu.dma_semaphore, #tpu.memory_space<semaphore_mem>> -> memref<1x!tpu.dma_semaphore, #tpu.memory_space<semaphore_mem>>
    %dma_start3A_1145 = tpu.memref_squeeze %dma_start3A_1144 : memref<1x!tpu.dma_semaphore, #tpu.memory_space<semaphore_mem>> -> memref<!tpu.dma_semaphore, #tpu.memory_space<semaphore_mem>>
    %dma_start3A_1146 = arith.constant 0 : i32
    %dma_start3A_1147 = tpu.memref_slice %arg3[%add3A_1133, %dma_start3A_1146] : memref<1638400x128xf32, #tpu.memory_space<hbm>> -> memref<512x128xf32, #tpu.memory_space<hbm>>
    tpu.enqueue_dma source(%arg5 : memref<512x128xf32, #tpu.memory_space<vmem>>) target(%dma_start3A_1147 : memref<512x128xf32, #tpu.memory_space<hbm>>) target_semaphore(%dma_start3A_1145 : memref<!tpu.dma_semaphore, #tpu.memory_space<semaphore_mem>>)
    %add3A_1148 = arith.constant 37376 : i32
    %add3A_1149 = arith.addi %mul3A_9, %add3A_1148 : i32
    %dma_wait3A_1150 = arith.constant 1 : i32
    %dma_wait3A_1151 = arith.constant 0 : i32
    %dma_wait3A_1152 = tpu.memref_slice %arg3[%add3A_1085, %dma_wait3A_1151] : memref<1638400x128xf32, #tpu.memory_space<hbm>> -> memref<512x128xf32, #tpu.memory_space<hbm>>
    %dma_wait3A_1153 = tpu.memref_slice %arg6[%dma_wait3A_1150] : memref<4x!tpu.dma_semaphore, #tpu.memory_space<semaphore_mem>> -> memref<1x!tpu.dma_semaphore, #tpu.memory_space<semaphore_mem>>
    %dma_wait3A_1154 = tpu.memref_squeeze %dma_wait3A_1153 : memref<1x!tpu.dma_semaphore, #tpu.memory_space<semaphore_mem>> -> memref<!tpu.dma_semaphore, #tpu.memory_space<semaphore_mem>>
    %dma_wait3A_1155 = arith.constant 0 : i32
    %dma_wait3A_1156 = tpu.memref_slice %arg3[%add3A_1085, %dma_wait3A_1155] : memref<1638400x128xf32, #tpu.memory_space<hbm>> -> memref<512x128xf32, #tpu.memory_space<hbm>>
    tpu.wait_dma2 semaphore(%dma_wait3A_1154 : memref<!tpu.dma_semaphore, #tpu.memory_space<semaphore_mem>>) src(%arg5 : memref<512x128xf32, #tpu.memory_space<vmem>>) dst(%dma_wait3A_1156 : memref<512x128xf32, #tpu.memory_space<hbm>>)
    %dma_start3A_1157 = arith.constant 1 : i32
    %dma_start3A_1158 = arith.constant 0 : i32
    %dma_start3A_1159 = tpu.memref_slice %arg3[%add3A_1149, %dma_start3A_1158] : memref<1638400x128xf32, #tpu.memory_space<hbm>> -> memref<512x128xf32, #tpu.memory_space<hbm>>
    %dma_start3A_1160 = tpu.memref_slice %arg6[%dma_start3A_1157] : memref<4x!tpu.dma_semaphore, #tpu.memory_space<semaphore_mem>> -> memref<1x!tpu.dma_semaphore, #tpu.memory_space<semaphore_mem>>
    %dma_start3A_1161 = tpu.memref_squeeze %dma_start3A_1160 : memref<1x!tpu.dma_semaphore, #tpu.memory_space<semaphore_mem>> -> memref<!tpu.dma_semaphore, #tpu.memory_space<semaphore_mem>>
    %dma_start3A_1162 = arith.constant 0 : i32
    %dma_start3A_1163 = tpu.memref_slice %arg3[%add3A_1149, %dma_start3A_1162] : memref<1638400x128xf32, #tpu.memory_space<hbm>> -> memref<512x128xf32, #tpu.memory_space<hbm>>
    tpu.enqueue_dma source(%arg5 : memref<512x128xf32, #tpu.memory_space<vmem>>) target(%dma_start3A_1163 : memref<512x128xf32, #tpu.memory_space<hbm>>) target_semaphore(%dma_start3A_1161 : memref<!tpu.dma_semaphore, #tpu.memory_space<semaphore_mem>>)
    %add3A_1164 = arith.constant 37888 : i32
    %add3A_1165 = arith.addi %mul3A_9, %add3A_1164 : i32
    %dma_wait3A_1166 = arith.constant 2 : i32
    %dma_wait3A_1167 = arith.constant 0 : i32
    %dma_wait3A_1168 = tpu.memref_slice %arg3[%add3A_1101, %dma_wait3A_1167] : memref<1638400x128xf32, #tpu.memory_space<hbm>> -> memref<512x128xf32, #tpu.memory_space<hbm>>
    %dma_wait3A_1169 = tpu.memref_slice %arg6[%dma_wait3A_1166] : memref<4x!tpu.dma_semaphore, #tpu.memory_space<semaphore_mem>> -> memref<1x!tpu.dma_semaphore, #tpu.memory_space<semaphore_mem>>
    %dma_wait3A_1170 = tpu.memref_squeeze %dma_wait3A_1169 : memref<1x!tpu.dma_semaphore, #tpu.memory_space<semaphore_mem>> -> memref<!tpu.dma_semaphore, #tpu.memory_space<semaphore_mem>>
    %dma_wait3A_1171 = arith.constant 0 : i32
    %dma_wait3A_1172 = tpu.memref_slice %arg3[%add3A_1101, %dma_wait3A_1171] : memref<1638400x128xf32, #tpu.memory_space<hbm>> -> memref<512x128xf32, #tpu.memory_space<hbm>>
    tpu.wait_dma2 semaphore(%dma_wait3A_1170 : memref<!tpu.dma_semaphore, #tpu.memory_space<semaphore_mem>>) src(%arg5 : memref<512x128xf32, #tpu.memory_space<vmem>>) dst(%dma_wait3A_1172 : memref<512x128xf32, #tpu.memory_space<hbm>>)
    %dma_start3A_1173 = arith.constant 2 : i32
    %dma_start3A_1174 = arith.constant 0 : i32
    %dma_start3A_1175 = tpu.memref_slice %arg3[%add3A_1165, %dma_start3A_1174] : memref<1638400x128xf32, #tpu.memory_space<hbm>> -> memref<512x128xf32, #tpu.memory_space<hbm>>
    %dma_start3A_1176 = tpu.memref_slice %arg6[%dma_start3A_1173] : memref<4x!tpu.dma_semaphore, #tpu.memory_space<semaphore_mem>> -> memref<1x!tpu.dma_semaphore, #tpu.memory_space<semaphore_mem>>
    %dma_start3A_1177 = tpu.memref_squeeze %dma_start3A_1176 : memref<1x!tpu.dma_semaphore, #tpu.memory_space<semaphore_mem>> -> memref<!tpu.dma_semaphore, #tpu.memory_space<semaphore_mem>>
    %dma_start3A_1178 = arith.constant 0 : i32
    %dma_start3A_1179 = tpu.memref_slice %arg3[%add3A_1165, %dma_start3A_1178] : memref<1638400x128xf32, #tpu.memory_space<hbm>> -> memref<512x128xf32, #tpu.memory_space<hbm>>
    tpu.enqueue_dma source(%arg5 : memref<512x128xf32, #tpu.memory_space<vmem>>) target(%dma_start3A_1179 : memref<512x128xf32, #tpu.memory_space<hbm>>) target_semaphore(%dma_start3A_1177 : memref<!tpu.dma_semaphore, #tpu.memory_space<semaphore_mem>>)
    %add3A_1180 = arith.constant 38400 : i32
    %add3A_1181 = arith.addi %mul3A_9, %add3A_1180 : i32
    %dma_wait3A_1182 = arith.constant 3 : i32
    %dma_wait3A_1183 = arith.constant 0 : i32
    %dma_wait3A_1184 = tpu.memref_slice %arg3[%add3A_1117, %dma_wait3A_1183] : memref<1638400x128xf32, #tpu.memory_space<hbm>> -> memref<512x128xf32, #tpu.memory_space<hbm>>
    %dma_wait3A_1185 = tpu.memref_slice %arg6[%dma_wait3A_1182] : memref<4x!tpu.dma_semaphore, #tpu.memory_space<semaphore_mem>> -> memref<1x!tpu.dma_semaphore, #tpu.memory_space<semaphore_mem>>
    %dma_wait3A_1186 = tpu.memref_squeeze %dma_wait3A_1185 : memref<1x!tpu.dma_semaphore, #tpu.memory_space<semaphore_mem>> -> memref<!tpu.dma_semaphore, #tpu.memory_space<semaphore_mem>>
    %dma_wait3A_1187 = arith.constant 0 : i32
    %dma_wait3A_1188 = tpu.memref_slice %arg3[%add3A_1117, %dma_wait3A_1187] : memref<1638400x128xf32, #tpu.memory_space<hbm>> -> memref<512x128xf32, #tpu.memory_space<hbm>>
    tpu.wait_dma2 semaphore(%dma_wait3A_1186 : memref<!tpu.dma_semaphore, #tpu.memory_space<semaphore_mem>>) src(%arg5 : memref<512x128xf32, #tpu.memory_space<vmem>>) dst(%dma_wait3A_1188 : memref<512x128xf32, #tpu.memory_space<hbm>>)
    %dma_start3A_1189 = arith.constant 3 : i32
    %dma_start3A_1190 = arith.constant 0 : i32
    %dma_start3A_1191 = tpu.memref_slice %arg3[%add3A_1181, %dma_start3A_1190] : memref<1638400x128xf32, #tpu.memory_space<hbm>> -> memref<512x128xf32, #tpu.memory_space<hbm>>
    %dma_start3A_1192 = tpu.memref_slice %arg6[%dma_start3A_1189] : memref<4x!tpu.dma_semaphore, #tpu.memory_space<semaphore_mem>> -> memref<1x!tpu.dma_semaphore, #tpu.memory_space<semaphore_mem>>
    %dma_start3A_1193 = tpu.memref_squeeze %dma_start3A_1192 : memref<1x!tpu.dma_semaphore, #tpu.memory_space<semaphore_mem>> -> memref<!tpu.dma_semaphore, #tpu.memory_space<semaphore_mem>>
    %dma_start3A_1194 = arith.constant 0 : i32
    %dma_start3A_1195 = tpu.memref_slice %arg3[%add3A_1181, %dma_start3A_1194] : memref<1638400x128xf32, #tpu.memory_space<hbm>> -> memref<512x128xf32, #tpu.memory_space<hbm>>
    tpu.enqueue_dma source(%arg5 : memref<512x128xf32, #tpu.memory_space<vmem>>) target(%dma_start3A_1195 : memref<512x128xf32, #tpu.memory_space<hbm>>) target_semaphore(%dma_start3A_1193 : memref<!tpu.dma_semaphore, #tpu.memory_space<semaphore_mem>>)
    %add3A_1196 = arith.constant 38912 : i32
    %add3A_1197 = arith.addi %mul3A_9, %add3A_1196 : i32
    %dma_wait3A_1198 = arith.constant 0 : i32
    %dma_wait3A_1199 = arith.constant 0 : i32
    %dma_wait3A_1200 = tpu.memref_slice %arg3[%add3A_1133, %dma_wait3A_1199] : memref<1638400x128xf32, #tpu.memory_space<hbm>> -> memref<512x128xf32, #tpu.memory_space<hbm>>
    %dma_wait3A_1201 = tpu.memref_slice %arg6[%dma_wait3A_1198] : memref<4x!tpu.dma_semaphore, #tpu.memory_space<semaphore_mem>> -> memref<1x!tpu.dma_semaphore, #tpu.memory_space<semaphore_mem>>
    %dma_wait3A_1202 = tpu.memref_squeeze %dma_wait3A_1201 : memref<1x!tpu.dma_semaphore, #tpu.memory_space<semaphore_mem>> -> memref<!tpu.dma_semaphore, #tpu.memory_space<semaphore_mem>>
    %dma_wait3A_1203 = arith.constant 0 : i32
    %dma_wait3A_1204 = tpu.memref_slice %arg3[%add3A_1133, %dma_wait3A_1203] : memref<1638400x128xf32, #tpu.memory_space<hbm>> -> memref<512x128xf32, #tpu.memory_space<hbm>>
    tpu.wait_dma2 semaphore(%dma_wait3A_1202 : memref<!tpu.dma_semaphore, #tpu.memory_space<semaphore_mem>>) src(%arg5 : memref<512x128xf32, #tpu.memory_space<vmem>>) dst(%dma_wait3A_1204 : memref<512x128xf32, #tpu.memory_space<hbm>>)
    %dma_start3A_1205 = arith.constant 0 : i32
    %dma_start3A_1206 = arith.constant 0 : i32
    %dma_start3A_1207 = tpu.memref_slice %arg3[%add3A_1197, %dma_start3A_1206] : memref<1638400x128xf32, #tpu.memory_space<hbm>> -> memref<512x128xf32, #tpu.memory_space<hbm>>
    %dma_start3A_1208 = tpu.memref_slice %arg6[%dma_start3A_1205] : memref<4x!tpu.dma_semaphore, #tpu.memory_space<semaphore_mem>> -> memref<1x!tpu.dma_semaphore, #tpu.memory_space<semaphore_mem>>
    %dma_start3A_1209 = tpu.memref_squeeze %dma_start3A_1208 : memref<1x!tpu.dma_semaphore, #tpu.memory_space<semaphore_mem>> -> memref<!tpu.dma_semaphore, #tpu.memory_space<semaphore_mem>>
    %dma_start3A_1210 = arith.constant 0 : i32
    %dma_start3A_1211 = tpu.memref_slice %arg3[%add3A_1197, %dma_start3A_1210] : memref<1638400x128xf32, #tpu.memory_space<hbm>> -> memref<512x128xf32, #tpu.memory_space<hbm>>
    tpu.enqueue_dma source(%arg5 : memref<512x128xf32, #tpu.memory_space<vmem>>) target(%dma_start3A_1211 : memref<512x128xf32, #tpu.memory_space<hbm>>) target_semaphore(%dma_start3A_1209 : memref<!tpu.dma_semaphore, #tpu.memory_space<semaphore_mem>>)
    %add3A_1212 = arith.constant 39424 : i32
    %add3A_1213 = arith.addi %mul3A_9, %add3A_1212 : i32
    %dma_wait3A_1214 = arith.constant 1 : i32
    %dma_wait3A_1215 = arith.constant 0 : i32
    %dma_wait3A_1216 = tpu.memref_slice %arg3[%add3A_1149, %dma_wait3A_1215] : memref<1638400x128xf32, #tpu.memory_space<hbm>> -> memref<512x128xf32, #tpu.memory_space<hbm>>
    %dma_wait3A_1217 = tpu.memref_slice %arg6[%dma_wait3A_1214] : memref<4x!tpu.dma_semaphore, #tpu.memory_space<semaphore_mem>> -> memref<1x!tpu.dma_semaphore, #tpu.memory_space<semaphore_mem>>
    %dma_wait3A_1218 = tpu.memref_squeeze %dma_wait3A_1217 : memref<1x!tpu.dma_semaphore, #tpu.memory_space<semaphore_mem>> -> memref<!tpu.dma_semaphore, #tpu.memory_space<semaphore_mem>>
    %dma_wait3A_1219 = arith.constant 0 : i32
    %dma_wait3A_1220 = tpu.memref_slice %arg3[%add3A_1149, %dma_wait3A_1219] : memref<1638400x128xf32, #tpu.memory_space<hbm>> -> memref<512x128xf32, #tpu.memory_space<hbm>>
    tpu.wait_dma2 semaphore(%dma_wait3A_1218 : memref<!tpu.dma_semaphore, #tpu.memory_space<semaphore_mem>>) src(%arg5 : memref<512x128xf32, #tpu.memory_space<vmem>>) dst(%dma_wait3A_1220 : memref<512x128xf32, #tpu.memory_space<hbm>>)
    %dma_start3A_1221 = arith.constant 1 : i32
    %dma_start3A_1222 = arith.constant 0 : i32
    %dma_start3A_1223 = tpu.memref_slice %arg3[%add3A_1213, %dma_start3A_1222] : memref<1638400x128xf32, #tpu.memory_space<hbm>> -> memref<512x128xf32, #tpu.memory_space<hbm>>
    %dma_start3A_1224 = tpu.memref_slice %arg6[%dma_start3A_1221] : memref<4x!tpu.dma_semaphore, #tpu.memory_space<semaphore_mem>> -> memref<1x!tpu.dma_semaphore, #tpu.memory_space<semaphore_mem>>
    %dma_start3A_1225 = tpu.memref_squeeze %dma_start3A_1224 : memref<1x!tpu.dma_semaphore, #tpu.memory_space<semaphore_mem>> -> memref<!tpu.dma_semaphore, #tpu.memory_space<semaphore_mem>>
    %dma_start3A_1226 = arith.constant 0 : i32
    %dma_start3A_1227 = tpu.memref_slice %arg3[%add3A_1213, %dma_start3A_1226] : memref<1638400x128xf32, #tpu.memory_space<hbm>> -> memref<512x128xf32, #tpu.memory_space<hbm>>
    tpu.enqueue_dma source(%arg5 : memref<512x128xf32, #tpu.memory_space<vmem>>) target(%dma_start3A_1227 : memref<512x128xf32, #tpu.memory_space<hbm>>) target_semaphore(%dma_start3A_1225 : memref<!tpu.dma_semaphore, #tpu.memory_space<semaphore_mem>>)
    %add3A_1228 = arith.constant 39936 : i32
    %add3A_1229 = arith.addi %mul3A_9, %add3A_1228 : i32
    %dma_wait3A_1230 = arith.constant 2 : i32
    %dma_wait3A_1231 = arith.constant 0 : i32
    %dma_wait3A_1232 = tpu.memref_slice %arg3[%add3A_1165, %dma_wait3A_1231] : memref<1638400x128xf32, #tpu.memory_space<hbm>> -> memref<512x128xf32, #tpu.memory_space<hbm>>
    %dma_wait3A_1233 = tpu.memref_slice %arg6[%dma_wait3A_1230] : memref<4x!tpu.dma_semaphore, #tpu.memory_space<semaphore_mem>> -> memref<1x!tpu.dma_semaphore, #tpu.memory_space<semaphore_mem>>
    %dma_wait3A_1234 = tpu.memref_squeeze %dma_wait3A_1233 : memref<1x!tpu.dma_semaphore, #tpu.memory_space<semaphore_mem>> -> memref<!tpu.dma_semaphore, #tpu.memory_space<semaphore_mem>>
    %dma_wait3A_1235 = arith.constant 0 : i32
    %dma_wait3A_1236 = tpu.memref_slice %arg3[%add3A_1165, %dma_wait3A_1235] : memref<1638400x128xf32, #tpu.memory_space<hbm>> -> memref<512x128xf32, #tpu.memory_space<hbm>>
    tpu.wait_dma2 semaphore(%dma_wait3A_1234 : memref<!tpu.dma_semaphore, #tpu.memory_space<semaphore_mem>>) src(%arg5 : memref<512x128xf32, #tpu.memory_space<vmem>>) dst(%dma_wait3A_1236 : memref<512x128xf32, #tpu.memory_space<hbm>>)
    %dma_start3A_1237 = arith.constant 2 : i32
    %dma_start3A_1238 = arith.constant 0 : i32
    %dma_start3A_1239 = tpu.memref_slice %arg3[%add3A_1229, %dma_start3A_1238] : memref<1638400x128xf32, #tpu.memory_space<hbm>> -> memref<512x128xf32, #tpu.memory_space<hbm>>
    %dma_start3A_1240 = tpu.memref_slice %arg6[%dma_start3A_1237] : memref<4x!tpu.dma_semaphore, #tpu.memory_space<semaphore_mem>> -> memref<1x!tpu.dma_semaphore, #tpu.memory_space<semaphore_mem>>
    %dma_start3A_1241 = tpu.memref_squeeze %dma_start3A_1240 : memref<1x!tpu.dma_semaphore, #tpu.memory_space<semaphore_mem>> -> memref<!tpu.dma_semaphore, #tpu.memory_space<semaphore_mem>>
    %dma_start3A_1242 = arith.constant 0 : i32
    %dma_start3A_1243 = tpu.memref_slice %arg3[%add3A_1229, %dma_start3A_1242] : memref<1638400x128xf32, #tpu.memory_space<hbm>> -> memref<512x128xf32, #tpu.memory_space<hbm>>
    tpu.enqueue_dma source(%arg5 : memref<512x128xf32, #tpu.memory_space<vmem>>) target(%dma_start3A_1243 : memref<512x128xf32, #tpu.memory_space<hbm>>) target_semaphore(%dma_start3A_1241 : memref<!tpu.dma_semaphore, #tpu.memory_space<semaphore_mem>>)
    %add3A_1244 = arith.constant 40448 : i32
    %add3A_1245 = arith.addi %mul3A_9, %add3A_1244 : i32
    %dma_wait3A_1246 = arith.constant 3 : i32
    %dma_wait3A_1247 = arith.constant 0 : i32
    %dma_wait3A_1248 = tpu.memref_slice %arg3[%add3A_1181, %dma_wait3A_1247] : memref<1638400x128xf32, #tpu.memory_space<hbm>> -> memref<512x128xf32, #tpu.memory_space<hbm>>
    %dma_wait3A_1249 = tpu.memref_slice %arg6[%dma_wait3A_1246] : memref<4x!tpu.dma_semaphore, #tpu.memory_space<semaphore_mem>> -> memref<1x!tpu.dma_semaphore, #tpu.memory_space<semaphore_mem>>
    %dma_wait3A_1250 = tpu.memref_squeeze %dma_wait3A_1249 : memref<1x!tpu.dma_semaphore, #tpu.memory_space<semaphore_mem>> -> memref<!tpu.dma_semaphore, #tpu.memory_space<semaphore_mem>>
    %dma_wait3A_1251 = arith.constant 0 : i32
    %dma_wait3A_1252 = tpu.memref_slice %arg3[%add3A_1181, %dma_wait3A_1251] : memref<1638400x128xf32, #tpu.memory_space<hbm>> -> memref<512x128xf32, #tpu.memory_space<hbm>>
    tpu.wait_dma2 semaphore(%dma_wait3A_1250 : memref<!tpu.dma_semaphore, #tpu.memory_space<semaphore_mem>>) src(%arg5 : memref<512x128xf32, #tpu.memory_space<vmem>>) dst(%dma_wait3A_1252 : memref<512x128xf32, #tpu.memory_space<hbm>>)
    %dma_start3A_1253 = arith.constant 3 : i32
    %dma_start3A_1254 = arith.constant 0 : i32
    %dma_start3A_1255 = tpu.memref_slice %arg3[%add3A_1245, %dma_start3A_1254] : memref<1638400x128xf32, #tpu.memory_space<hbm>> -> memref<512x128xf32, #tpu.memory_space<hbm>>
    %dma_start3A_1256 = tpu.memref_slice %arg6[%dma_start3A_1253] : memref<4x!tpu.dma_semaphore, #tpu.memory_space<semaphore_mem>> -> memref<1x!tpu.dma_semaphore, #tpu.memory_space<semaphore_mem>>
    %dma_start3A_1257 = tpu.memref_squeeze %dma_start3A_1256 : memref<1x!tpu.dma_semaphore, #tpu.memory_space<semaphore_mem>> -> memref<!tpu.dma_semaphore, #tpu.memory_space<semaphore_mem>>
    %dma_start3A_1258 = arith.constant 0 : i32
    %dma_start3A_1259 = tpu.memref_slice %arg3[%add3A_1245, %dma_start3A_1258] : memref<1638400x128xf32, #tpu.memory_space<hbm>> -> memref<512x128xf32, #tpu.memory_space<hbm>>
    tpu.enqueue_dma source(%arg5 : memref<512x128xf32, #tpu.memory_space<vmem>>) target(%dma_start3A_1259 : memref<512x128xf32, #tpu.memory_space<hbm>>) target_semaphore(%dma_start3A_1257 : memref<!tpu.dma_semaphore, #tpu.memory_space<semaphore_mem>>)
    %add3A_1260 = arith.constant 40960 : i32
    %add3A_1261 = arith.addi %mul3A_9, %add3A_1260 : i32
    %dma_wait3A_1262 = arith.constant 0 : i32
    %dma_wait3A_1263 = arith.constant 0 : i32
    %dma_wait3A_1264 = tpu.memref_slice %arg3[%add3A_1197, %dma_wait3A_1263] : memref<1638400x128xf32, #tpu.memory_space<hbm>> -> memref<512x128xf32, #tpu.memory_space<hbm>>
    %dma_wait3A_1265 = tpu.memref_slice %arg6[%dma_wait3A_1262] : memref<4x!tpu.dma_semaphore, #tpu.memory_space<semaphore_mem>> -> memref<1x!tpu.dma_semaphore, #tpu.memory_space<semaphore_mem>>
    %dma_wait3A_1266 = tpu.memref_squeeze %dma_wait3A_1265 : memref<1x!tpu.dma_semaphore, #tpu.memory_space<semaphore_mem>> -> memref<!tpu.dma_semaphore, #tpu.memory_space<semaphore_mem>>
    %dma_wait3A_1267 = arith.constant 0 : i32
    %dma_wait3A_1268 = tpu.memref_slice %arg3[%add3A_1197, %dma_wait3A_1267] : memref<1638400x128xf32, #tpu.memory_space<hbm>> -> memref<512x128xf32, #tpu.memory_space<hbm>>
    tpu.wait_dma2 semaphore(%dma_wait3A_1266 : memref<!tpu.dma_semaphore, #tpu.memory_space<semaphore_mem>>) src(%arg5 : memref<512x128xf32, #tpu.memory_space<vmem>>) dst(%dma_wait3A_1268 : memref<512x128xf32, #tpu.memory_space<hbm>>)
    %dma_start3A_1269 = arith.constant 0 : i32
    %dma_start3A_1270 = arith.constant 0 : i32
    %dma_start3A_1271 = tpu.memref_slice %arg3[%add3A_1261, %dma_start3A_1270] : memref<1638400x128xf32, #tpu.memory_space<hbm>> -> memref<512x128xf32, #tpu.memory_space<hbm>>
    %dma_start3A_1272 = tpu.memref_slice %arg6[%dma_start3A_1269] : memref<4x!tpu.dma_semaphore, #tpu.memory_space<semaphore_mem>> -> memref<1x!tpu.dma_semaphore, #tpu.memory_space<semaphore_mem>>
    %dma_start3A_1273 = tpu.memref_squeeze %dma_start3A_1272 : memref<1x!tpu.dma_semaphore, #tpu.memory_space<semaphore_mem>> -> memref<!tpu.dma_semaphore, #tpu.memory_space<semaphore_mem>>
    %dma_start3A_1274 = arith.constant 0 : i32
    %dma_start3A_1275 = tpu.memref_slice %arg3[%add3A_1261, %dma_start3A_1274] : memref<1638400x128xf32, #tpu.memory_space<hbm>> -> memref<512x128xf32, #tpu.memory_space<hbm>>
    tpu.enqueue_dma source(%arg5 : memref<512x128xf32, #tpu.memory_space<vmem>>) target(%dma_start3A_1275 : memref<512x128xf32, #tpu.memory_space<hbm>>) target_semaphore(%dma_start3A_1273 : memref<!tpu.dma_semaphore, #tpu.memory_space<semaphore_mem>>)
    %add3A_1276 = arith.constant 41472 : i32
    %add3A_1277 = arith.addi %mul3A_9, %add3A_1276 : i32
    %dma_wait3A_1278 = arith.constant 1 : i32
    %dma_wait3A_1279 = arith.constant 0 : i32
    %dma_wait3A_1280 = tpu.memref_slice %arg3[%add3A_1213, %dma_wait3A_1279] : memref<1638400x128xf32, #tpu.memory_space<hbm>> -> memref<512x128xf32, #tpu.memory_space<hbm>>
    %dma_wait3A_1281 = tpu.memref_slice %arg6[%dma_wait3A_1278] : memref<4x!tpu.dma_semaphore, #tpu.memory_space<semaphore_mem>> -> memref<1x!tpu.dma_semaphore, #tpu.memory_space<semaphore_mem>>
    %dma_wait3A_1282 = tpu.memref_squeeze %dma_wait3A_1281 : memref<1x!tpu.dma_semaphore, #tpu.memory_space<semaphore_mem>> -> memref<!tpu.dma_semaphore, #tpu.memory_space<semaphore_mem>>
    %dma_wait3A_1283 = arith.constant 0 : i32
    %dma_wait3A_1284 = tpu.memref_slice %arg3[%add3A_1213, %dma_wait3A_1283] : memref<1638400x128xf32, #tpu.memory_space<hbm>> -> memref<512x128xf32, #tpu.memory_space<hbm>>
    tpu.wait_dma2 semaphore(%dma_wait3A_1282 : memref<!tpu.dma_semaphore, #tpu.memory_space<semaphore_mem>>) src(%arg5 : memref<512x128xf32, #tpu.memory_space<vmem>>) dst(%dma_wait3A_1284 : memref<512x128xf32, #tpu.memory_space<hbm>>)
    %dma_start3A_1285 = arith.constant 1 : i32
    %dma_start3A_1286 = arith.constant 0 : i32
    %dma_start3A_1287 = tpu.memref_slice %arg3[%add3A_1277, %dma_start3A_1286] : memref<1638400x128xf32, #tpu.memory_space<hbm>> -> memref<512x128xf32, #tpu.memory_space<hbm>>
    %dma_start3A_1288 = tpu.memref_slice %arg6[%dma_start3A_1285] : memref<4x!tpu.dma_semaphore, #tpu.memory_space<semaphore_mem>> -> memref<1x!tpu.dma_semaphore, #tpu.memory_space<semaphore_mem>>
    %dma_start3A_1289 = tpu.memref_squeeze %dma_start3A_1288 : memref<1x!tpu.dma_semaphore, #tpu.memory_space<semaphore_mem>> -> memref<!tpu.dma_semaphore, #tpu.memory_space<semaphore_mem>>
    %dma_start3A_1290 = arith.constant 0 : i32
    %dma_start3A_1291 = tpu.memref_slice %arg3[%add3A_1277, %dma_start3A_1290] : memref<1638400x128xf32, #tpu.memory_space<hbm>> -> memref<512x128xf32, #tpu.memory_space<hbm>>
    tpu.enqueue_dma source(%arg5 : memref<512x128xf32, #tpu.memory_space<vmem>>) target(%dma_start3A_1291 : memref<512x128xf32, #tpu.memory_space<hbm>>) target_semaphore(%dma_start3A_1289 : memref<!tpu.dma_semaphore, #tpu.memory_space<semaphore_mem>>)
    %add3A_1292 = arith.constant 41984 : i32
    %add3A_1293 = arith.addi %mul3A_9, %add3A_1292 : i32
    %dma_wait3A_1294 = arith.constant 2 : i32
    %dma_wait3A_1295 = arith.constant 0 : i32
    %dma_wait3A_1296 = tpu.memref_slice %arg3[%add3A_1229, %dma_wait3A_1295] : memref<1638400x128xf32, #tpu.memory_space<hbm>> -> memref<512x128xf32, #tpu.memory_space<hbm>>
    %dma_wait3A_1297 = tpu.memref_slice %arg6[%dma_wait3A_1294] : memref<4x!tpu.dma_semaphore, #tpu.memory_space<semaphore_mem>> -> memref<1x!tpu.dma_semaphore, #tpu.memory_space<semaphore_mem>>
    %dma_wait3A_1298 = tpu.memref_squeeze %dma_wait3A_1297 : memref<1x!tpu.dma_semaphore, #tpu.memory_space<semaphore_mem>> -> memref<!tpu.dma_semaphore, #tpu.memory_space<semaphore_mem>>
    %dma_wait3A_1299 = arith.constant 0 : i32
    %dma_wait3A_1300 = tpu.memref_slice %arg3[%add3A_1229, %dma_wait3A_1299] : memref<1638400x128xf32, #tpu.memory_space<hbm>> -> memref<512x128xf32, #tpu.memory_space<hbm>>
    tpu.wait_dma2 semaphore(%dma_wait3A_1298 : memref<!tpu.dma_semaphore, #tpu.memory_space<semaphore_mem>>) src(%arg5 : memref<512x128xf32, #tpu.memory_space<vmem>>) dst(%dma_wait3A_1300 : memref<512x128xf32, #tpu.memory_space<hbm>>)
    %dma_start3A_1301 = arith.constant 2 : i32
    %dma_start3A_1302 = arith.constant 0 : i32
    %dma_start3A_1303 = tpu.memref_slice %arg3[%add3A_1293, %dma_start3A_1302] : memref<1638400x128xf32, #tpu.memory_space<hbm>> -> memref<512x128xf32, #tpu.memory_space<hbm>>
    %dma_start3A_1304 = tpu.memref_slice %arg6[%dma_start3A_1301] : memref<4x!tpu.dma_semaphore, #tpu.memory_space<semaphore_mem>> -> memref<1x!tpu.dma_semaphore, #tpu.memory_space<semaphore_mem>>
    %dma_start3A_1305 = tpu.memref_squeeze %dma_start3A_1304 : memref<1x!tpu.dma_semaphore, #tpu.memory_space<semaphore_mem>> -> memref<!tpu.dma_semaphore, #tpu.memory_space<semaphore_mem>>
    %dma_start3A_1306 = arith.constant 0 : i32
    %dma_start3A_1307 = tpu.memref_slice %arg3[%add3A_1293, %dma_start3A_1306] : memref<1638400x128xf32, #tpu.memory_space<hbm>> -> memref<512x128xf32, #tpu.memory_space<hbm>>
    tpu.enqueue_dma source(%arg5 : memref<512x128xf32, #tpu.memory_space<vmem>>) target(%dma_start3A_1307 : memref<512x128xf32, #tpu.memory_space<hbm>>) target_semaphore(%dma_start3A_1305 : memref<!tpu.dma_semaphore, #tpu.memory_space<semaphore_mem>>)
    %add3A_1308 = arith.constant 42496 : i32
    %add3A_1309 = arith.addi %mul3A_9, %add3A_1308 : i32
    %dma_wait3A_1310 = arith.constant 3 : i32
    %dma_wait3A_1311 = arith.constant 0 : i32
    %dma_wait3A_1312 = tpu.memref_slice %arg3[%add3A_1245, %dma_wait3A_1311] : memref<1638400x128xf32, #tpu.memory_space<hbm>> -> memref<512x128xf32, #tpu.memory_space<hbm>>
    %dma_wait3A_1313 = tpu.memref_slice %arg6[%dma_wait3A_1310] : memref<4x!tpu.dma_semaphore, #tpu.memory_space<semaphore_mem>> -> memref<1x!tpu.dma_semaphore, #tpu.memory_space<semaphore_mem>>
    %dma_wait3A_1314 = tpu.memref_squeeze %dma_wait3A_1313 : memref<1x!tpu.dma_semaphore, #tpu.memory_space<semaphore_mem>> -> memref<!tpu.dma_semaphore, #tpu.memory_space<semaphore_mem>>
    %dma_wait3A_1315 = arith.constant 0 : i32
    %dma_wait3A_1316 = tpu.memref_slice %arg3[%add3A_1245, %dma_wait3A_1315] : memref<1638400x128xf32, #tpu.memory_space<hbm>> -> memref<512x128xf32, #tpu.memory_space<hbm>>
    tpu.wait_dma2 semaphore(%dma_wait3A_1314 : memref<!tpu.dma_semaphore, #tpu.memory_space<semaphore_mem>>) src(%arg5 : memref<512x128xf32, #tpu.memory_space<vmem>>) dst(%dma_wait3A_1316 : memref<512x128xf32, #tpu.memory_space<hbm>>)
    %dma_start3A_1317 = arith.constant 3 : i32
    %dma_start3A_1318 = arith.constant 0 : i32
    %dma_start3A_1319 = tpu.memref_slice %arg3[%add3A_1309, %dma_start3A_1318] : memref<1638400x128xf32, #tpu.memory_space<hbm>> -> memref<512x128xf32, #tpu.memory_space<hbm>>
    %dma_start3A_1320 = tpu.memref_slice %arg6[%dma_start3A_1317] : memref<4x!tpu.dma_semaphore, #tpu.memory_space<semaphore_mem>> -> memref<1x!tpu.dma_semaphore, #tpu.memory_space<semaphore_mem>>
    %dma_start3A_1321 = tpu.memref_squeeze %dma_start3A_1320 : memref<1x!tpu.dma_semaphore, #tpu.memory_space<semaphore_mem>> -> memref<!tpu.dma_semaphore, #tpu.memory_space<semaphore_mem>>
    %dma_start3A_1322 = arith.constant 0 : i32
    %dma_start3A_1323 = tpu.memref_slice %arg3[%add3A_1309, %dma_start3A_1322] : memref<1638400x128xf32, #tpu.memory_space<hbm>> -> memref<512x128xf32, #tpu.memory_space<hbm>>
    tpu.enqueue_dma source(%arg5 : memref<512x128xf32, #tpu.memory_space<vmem>>) target(%dma_start3A_1323 : memref<512x128xf32, #tpu.memory_space<hbm>>) target_semaphore(%dma_start3A_1321 : memref<!tpu.dma_semaphore, #tpu.memory_space<semaphore_mem>>)
    %add3A_1324 = arith.constant 43008 : i32
    %add3A_1325 = arith.addi %mul3A_9, %add3A_1324 : i32
    %dma_wait3A_1326 = arith.constant 0 : i32
    %dma_wait3A_1327 = arith.constant 0 : i32
    %dma_wait3A_1328 = tpu.memref_slice %arg3[%add3A_1261, %dma_wait3A_1327] : memref<1638400x128xf32, #tpu.memory_space<hbm>> -> memref<512x128xf32, #tpu.memory_space<hbm>>
    %dma_wait3A_1329 = tpu.memref_slice %arg6[%dma_wait3A_1326] : memref<4x!tpu.dma_semaphore, #tpu.memory_space<semaphore_mem>> -> memref<1x!tpu.dma_semaphore, #tpu.memory_space<semaphore_mem>>
    %dma_wait3A_1330 = tpu.memref_squeeze %dma_wait3A_1329 : memref<1x!tpu.dma_semaphore, #tpu.memory_space<semaphore_mem>> -> memref<!tpu.dma_semaphore, #tpu.memory_space<semaphore_mem>>
    %dma_wait3A_1331 = arith.constant 0 : i32
    %dma_wait3A_1332 = tpu.memref_slice %arg3[%add3A_1261, %dma_wait3A_1331] : memref<1638400x128xf32, #tpu.memory_space<hbm>> -> memref<512x128xf32, #tpu.memory_space<hbm>>
    tpu.wait_dma2 semaphore(%dma_wait3A_1330 : memref<!tpu.dma_semaphore, #tpu.memory_space<semaphore_mem>>) src(%arg5 : memref<512x128xf32, #tpu.memory_space<vmem>>) dst(%dma_wait3A_1332 : memref<512x128xf32, #tpu.memory_space<hbm>>)
    %dma_start3A_1333 = arith.constant 0 : i32
    %dma_start3A_1334 = arith.constant 0 : i32
    %dma_start3A_1335 = tpu.memref_slice %arg3[%add3A_1325, %dma_start3A_1334] : memref<1638400x128xf32, #tpu.memory_space<hbm>> -> memref<512x128xf32, #tpu.memory_space<hbm>>
    %dma_start3A_1336 = tpu.memref_slice %arg6[%dma_start3A_1333] : memref<4x!tpu.dma_semaphore, #tpu.memory_space<semaphore_mem>> -> memref<1x!tpu.dma_semaphore, #tpu.memory_space<semaphore_mem>>
    %dma_start3A_1337 = tpu.memref_squeeze %dma_start3A_1336 : memref<1x!tpu.dma_semaphore, #tpu.memory_space<semaphore_mem>> -> memref<!tpu.dma_semaphore, #tpu.memory_space<semaphore_mem>>
    %dma_start3A_1338 = arith.constant 0 : i32
    %dma_start3A_1339 = tpu.memref_slice %arg3[%add3A_1325, %dma_start3A_1338] : memref<1638400x128xf32, #tpu.memory_space<hbm>> -> memref<512x128xf32, #tpu.memory_space<hbm>>
    tpu.enqueue_dma source(%arg5 : memref<512x128xf32, #tpu.memory_space<vmem>>) target(%dma_start3A_1339 : memref<512x128xf32, #tpu.memory_space<hbm>>) target_semaphore(%dma_start3A_1337 : memref<!tpu.dma_semaphore, #tpu.memory_space<semaphore_mem>>)
    %add3A_1340 = arith.constant 43520 : i32
    %add3A_1341 = arith.addi %mul3A_9, %add3A_1340 : i32
    %dma_wait3A_1342 = arith.constant 1 : i32
    %dma_wait3A_1343 = arith.constant 0 : i32
    %dma_wait3A_1344 = tpu.memref_slice %arg3[%add3A_1277, %dma_wait3A_1343] : memref<1638400x128xf32, #tpu.memory_space<hbm>> -> memref<512x128xf32, #tpu.memory_space<hbm>>
    %dma_wait3A_1345 = tpu.memref_slice %arg6[%dma_wait3A_1342] : memref<4x!tpu.dma_semaphore, #tpu.memory_space<semaphore_mem>> -> memref<1x!tpu.dma_semaphore, #tpu.memory_space<semaphore_mem>>
    %dma_wait3A_1346 = tpu.memref_squeeze %dma_wait3A_1345 : memref<1x!tpu.dma_semaphore, #tpu.memory_space<semaphore_mem>> -> memref<!tpu.dma_semaphore, #tpu.memory_space<semaphore_mem>>
    %dma_wait3A_1347 = arith.constant 0 : i32
    %dma_wait3A_1348 = tpu.memref_slice %arg3[%add3A_1277, %dma_wait3A_1347] : memref<1638400x128xf32, #tpu.memory_space<hbm>> -> memref<512x128xf32, #tpu.memory_space<hbm>>
    tpu.wait_dma2 semaphore(%dma_wait3A_1346 : memref<!tpu.dma_semaphore, #tpu.memory_space<semaphore_mem>>) src(%arg5 : memref<512x128xf32, #tpu.memory_space<vmem>>) dst(%dma_wait3A_1348 : memref<512x128xf32, #tpu.memory_space<hbm>>)
    %dma_start3A_1349 = arith.constant 1 : i32
    %dma_start3A_1350 = arith.constant 0 : i32
    %dma_start3A_1351 = tpu.memref_slice %arg3[%add3A_1341, %dma_start3A_1350] : memref<1638400x128xf32, #tpu.memory_space<hbm>> -> memref<512x128xf32, #tpu.memory_space<hbm>>
    %dma_start3A_1352 = tpu.memref_slice %arg6[%dma_start3A_1349] : memref<4x!tpu.dma_semaphore, #tpu.memory_space<semaphore_mem>> -> memref<1x!tpu.dma_semaphore, #tpu.memory_space<semaphore_mem>>
    %dma_start3A_1353 = tpu.memref_squeeze %dma_start3A_1352 : memref<1x!tpu.dma_semaphore, #tpu.memory_space<semaphore_mem>> -> memref<!tpu.dma_semaphore, #tpu.memory_space<semaphore_mem>>
    %dma_start3A_1354 = arith.constant 0 : i32
    %dma_start3A_1355 = tpu.memref_slice %arg3[%add3A_1341, %dma_start3A_1354] : memref<1638400x128xf32, #tpu.memory_space<hbm>> -> memref<512x128xf32, #tpu.memory_space<hbm>>
    tpu.enqueue_dma source(%arg5 : memref<512x128xf32, #tpu.memory_space<vmem>>) target(%dma_start3A_1355 : memref<512x128xf32, #tpu.memory_space<hbm>>) target_semaphore(%dma_start3A_1353 : memref<!tpu.dma_semaphore, #tpu.memory_space<semaphore_mem>>)
    %add3A_1356 = arith.constant 44032 : i32
    %add3A_1357 = arith.addi %mul3A_9, %add3A_1356 : i32
    %dma_wait3A_1358 = arith.constant 2 : i32
    %dma_wait3A_1359 = arith.constant 0 : i32
    %dma_wait3A_1360 = tpu.memref_slice %arg3[%add3A_1293, %dma_wait3A_1359] : memref<1638400x128xf32, #tpu.memory_space<hbm>> -> memref<512x128xf32, #tpu.memory_space<hbm>>
    %dma_wait3A_1361 = tpu.memref_slice %arg6[%dma_wait3A_1358] : memref<4x!tpu.dma_semaphore, #tpu.memory_space<semaphore_mem>> -> memref<1x!tpu.dma_semaphore, #tpu.memory_space<semaphore_mem>>
    %dma_wait3A_1362 = tpu.memref_squeeze %dma_wait3A_1361 : memref<1x!tpu.dma_semaphore, #tpu.memory_space<semaphore_mem>> -> memref<!tpu.dma_semaphore, #tpu.memory_space<semaphore_mem>>
    %dma_wait3A_1363 = arith.constant 0 : i32
    %dma_wait3A_1364 = tpu.memref_slice %arg3[%add3A_1293, %dma_wait3A_1363] : memref<1638400x128xf32, #tpu.memory_space<hbm>> -> memref<512x128xf32, #tpu.memory_space<hbm>>
    tpu.wait_dma2 semaphore(%dma_wait3A_1362 : memref<!tpu.dma_semaphore, #tpu.memory_space<semaphore_mem>>) src(%arg5 : memref<512x128xf32, #tpu.memory_space<vmem>>) dst(%dma_wait3A_1364 : memref<512x128xf32, #tpu.memory_space<hbm>>)
    %dma_start3A_1365 = arith.constant 2 : i32
    %dma_start3A_1366 = arith.constant 0 : i32
    %dma_start3A_1367 = tpu.memref_slice %arg3[%add3A_1357, %dma_start3A_1366] : memref<1638400x128xf32, #tpu.memory_space<hbm>> -> memref<512x128xf32, #tpu.memory_space<hbm>>
    %dma_start3A_1368 = tpu.memref_slice %arg6[%dma_start3A_1365] : memref<4x!tpu.dma_semaphore, #tpu.memory_space<semaphore_mem>> -> memref<1x!tpu.dma_semaphore, #tpu.memory_space<semaphore_mem>>
    %dma_start3A_1369 = tpu.memref_squeeze %dma_start3A_1368 : memref<1x!tpu.dma_semaphore, #tpu.memory_space<semaphore_mem>> -> memref<!tpu.dma_semaphore, #tpu.memory_space<semaphore_mem>>
    %dma_start3A_1370 = arith.constant 0 : i32
    %dma_start3A_1371 = tpu.memref_slice %arg3[%add3A_1357, %dma_start3A_1370] : memref<1638400x128xf32, #tpu.memory_space<hbm>> -> memref<512x128xf32, #tpu.memory_space<hbm>>
    tpu.enqueue_dma source(%arg5 : memref<512x128xf32, #tpu.memory_space<vmem>>) target(%dma_start3A_1371 : memref<512x128xf32, #tpu.memory_space<hbm>>) target_semaphore(%dma_start3A_1369 : memref<!tpu.dma_semaphore, #tpu.memory_space<semaphore_mem>>)
    %add3A_1372 = arith.constant 44544 : i32
    %add3A_1373 = arith.addi %mul3A_9, %add3A_1372 : i32
    %dma_wait3A_1374 = arith.constant 3 : i32
    %dma_wait3A_1375 = arith.constant 0 : i32
    %dma_wait3A_1376 = tpu.memref_slice %arg3[%add3A_1309, %dma_wait3A_1375] : memref<1638400x128xf32, #tpu.memory_space<hbm>> -> memref<512x128xf32, #tpu.memory_space<hbm>>
    %dma_wait3A_1377 = tpu.memref_slice %arg6[%dma_wait3A_1374] : memref<4x!tpu.dma_semaphore, #tpu.memory_space<semaphore_mem>> -> memref<1x!tpu.dma_semaphore, #tpu.memory_space<semaphore_mem>>
    %dma_wait3A_1378 = tpu.memref_squeeze %dma_wait3A_1377 : memref<1x!tpu.dma_semaphore, #tpu.memory_space<semaphore_mem>> -> memref<!tpu.dma_semaphore, #tpu.memory_space<semaphore_mem>>
    %dma_wait3A_1379 = arith.constant 0 : i32
    %dma_wait3A_1380 = tpu.memref_slice %arg3[%add3A_1309, %dma_wait3A_1379] : memref<1638400x128xf32, #tpu.memory_space<hbm>> -> memref<512x128xf32, #tpu.memory_space<hbm>>
    tpu.wait_dma2 semaphore(%dma_wait3A_1378 : memref<!tpu.dma_semaphore, #tpu.memory_space<semaphore_mem>>) src(%arg5 : memref<512x128xf32, #tpu.memory_space<vmem>>) dst(%dma_wait3A_1380 : memref<512x128xf32, #tpu.memory_space<hbm>>)
    %dma_start3A_1381 = arith.constant 3 : i32
    %dma_start3A_1382 = arith.constant 0 : i32
    %dma_start3A_1383 = tpu.memref_slice %arg3[%add3A_1373, %dma_start3A_1382] : memref<1638400x128xf32, #tpu.memory_space<hbm>> -> memref<512x128xf32, #tpu.memory_space<hbm>>
    %dma_start3A_1384 = tpu.memref_slice %arg6[%dma_start3A_1381] : memref<4x!tpu.dma_semaphore, #tpu.memory_space<semaphore_mem>> -> memref<1x!tpu.dma_semaphore, #tpu.memory_space<semaphore_mem>>
    %dma_start3A_1385 = tpu.memref_squeeze %dma_start3A_1384 : memref<1x!tpu.dma_semaphore, #tpu.memory_space<semaphore_mem>> -> memref<!tpu.dma_semaphore, #tpu.memory_space<semaphore_mem>>
    %dma_start3A_1386 = arith.constant 0 : i32
    %dma_start3A_1387 = tpu.memref_slice %arg3[%add3A_1373, %dma_start3A_1386] : memref<1638400x128xf32, #tpu.memory_space<hbm>> -> memref<512x128xf32, #tpu.memory_space<hbm>>
    tpu.enqueue_dma source(%arg5 : memref<512x128xf32, #tpu.memory_space<vmem>>) target(%dma_start3A_1387 : memref<512x128xf32, #tpu.memory_space<hbm>>) target_semaphore(%dma_start3A_1385 : memref<!tpu.dma_semaphore, #tpu.memory_space<semaphore_mem>>)
    %add3A_1388 = arith.constant 45056 : i32
    %add3A_1389 = arith.addi %mul3A_9, %add3A_1388 : i32
    %dma_wait3A_1390 = arith.constant 0 : i32
    %dma_wait3A_1391 = arith.constant 0 : i32
    %dma_wait3A_1392 = tpu.memref_slice %arg3[%add3A_1325, %dma_wait3A_1391] : memref<1638400x128xf32, #tpu.memory_space<hbm>> -> memref<512x128xf32, #tpu.memory_space<hbm>>
    %dma_wait3A_1393 = tpu.memref_slice %arg6[%dma_wait3A_1390] : memref<4x!tpu.dma_semaphore, #tpu.memory_space<semaphore_mem>> -> memref<1x!tpu.dma_semaphore, #tpu.memory_space<semaphore_mem>>
    %dma_wait3A_1394 = tpu.memref_squeeze %dma_wait3A_1393 : memref<1x!tpu.dma_semaphore, #tpu.memory_space<semaphore_mem>> -> memref<!tpu.dma_semaphore, #tpu.memory_space<semaphore_mem>>
    %dma_wait3A_1395 = arith.constant 0 : i32
    %dma_wait3A_1396 = tpu.memref_slice %arg3[%add3A_1325, %dma_wait3A_1395] : memref<1638400x128xf32, #tpu.memory_space<hbm>> -> memref<512x128xf32, #tpu.memory_space<hbm>>
    tpu.wait_dma2 semaphore(%dma_wait3A_1394 : memref<!tpu.dma_semaphore, #tpu.memory_space<semaphore_mem>>) src(%arg5 : memref<512x128xf32, #tpu.memory_space<vmem>>) dst(%dma_wait3A_1396 : memref<512x128xf32, #tpu.memory_space<hbm>>)
    %dma_start3A_1397 = arith.constant 0 : i32
    %dma_start3A_1398 = arith.constant 0 : i32
    %dma_start3A_1399 = tpu.memref_slice %arg3[%add3A_1389, %dma_start3A_1398] : memref<1638400x128xf32, #tpu.memory_space<hbm>> -> memref<512x128xf32, #tpu.memory_space<hbm>>
    %dma_start3A_1400 = tpu.memref_slice %arg6[%dma_start3A_1397] : memref<4x!tpu.dma_semaphore, #tpu.memory_space<semaphore_mem>> -> memref<1x!tpu.dma_semaphore, #tpu.memory_space<semaphore_mem>>
    %dma_start3A_1401 = tpu.memref_squeeze %dma_start3A_1400 : memref<1x!tpu.dma_semaphore, #tpu.memory_space<semaphore_mem>> -> memref<!tpu.dma_semaphore, #tpu.memory_space<semaphore_mem>>
    %dma_start3A_1402 = arith.constant 0 : i32
    %dma_start3A_1403 = tpu.memref_slice %arg3[%add3A_1389, %dma_start3A_1402] : memref<1638400x128xf32, #tpu.memory_space<hbm>> -> memref<512x128xf32, #tpu.memory_space<hbm>>
    tpu.enqueue_dma source(%arg5 : memref<512x128xf32, #tpu.memory_space<vmem>>) target(%dma_start3A_1403 : memref<512x128xf32, #tpu.memory_space<hbm>>) target_semaphore(%dma_start3A_1401 : memref<!tpu.dma_semaphore, #tpu.memory_space<semaphore_mem>>)
    %add3A_1404 = arith.constant 45568 : i32
    %add3A_1405 = arith.addi %mul3A_9, %add3A_1404 : i32
    %dma_wait3A_1406 = arith.constant 1 : i32
    %dma_wait3A_1407 = arith.constant 0 : i32
    %dma_wait3A_1408 = tpu.memref_slice %arg3[%add3A_1341, %dma_wait3A_1407] : memref<1638400x128xf32, #tpu.memory_space<hbm>> -> memref<512x128xf32, #tpu.memory_space<hbm>>
    %dma_wait3A_1409 = tpu.memref_slice %arg6[%dma_wait3A_1406] : memref<4x!tpu.dma_semaphore, #tpu.memory_space<semaphore_mem>> -> memref<1x!tpu.dma_semaphore, #tpu.memory_space<semaphore_mem>>
    %dma_wait3A_1410 = tpu.memref_squeeze %dma_wait3A_1409 : memref<1x!tpu.dma_semaphore, #tpu.memory_space<semaphore_mem>> -> memref<!tpu.dma_semaphore, #tpu.memory_space<semaphore_mem>>
    %dma_wait3A_1411 = arith.constant 0 : i32
    %dma_wait3A_1412 = tpu.memref_slice %arg3[%add3A_1341, %dma_wait3A_1411] : memref<1638400x128xf32, #tpu.memory_space<hbm>> -> memref<512x128xf32, #tpu.memory_space<hbm>>
    tpu.wait_dma2 semaphore(%dma_wait3A_1410 : memref<!tpu.dma_semaphore, #tpu.memory_space<semaphore_mem>>) src(%arg5 : memref<512x128xf32, #tpu.memory_space<vmem>>) dst(%dma_wait3A_1412 : memref<512x128xf32, #tpu.memory_space<hbm>>)
    %dma_start3A_1413 = arith.constant 1 : i32
    %dma_start3A_1414 = arith.constant 0 : i32
    %dma_start3A_1415 = tpu.memref_slice %arg3[%add3A_1405, %dma_start3A_1414] : memref<1638400x128xf32, #tpu.memory_space<hbm>> -> memref<512x128xf32, #tpu.memory_space<hbm>>
    %dma_start3A_1416 = tpu.memref_slice %arg6[%dma_start3A_1413] : memref<4x!tpu.dma_semaphore, #tpu.memory_space<semaphore_mem>> -> memref<1x!tpu.dma_semaphore, #tpu.memory_space<semaphore_mem>>
    %dma_start3A_1417 = tpu.memref_squeeze %dma_start3A_1416 : memref<1x!tpu.dma_semaphore, #tpu.memory_space<semaphore_mem>> -> memref<!tpu.dma_semaphore, #tpu.memory_space<semaphore_mem>>
    %dma_start3A_1418 = arith.constant 0 : i32
    %dma_start3A_1419 = tpu.memref_slice %arg3[%add3A_1405, %dma_start3A_1418] : memref<1638400x128xf32, #tpu.memory_space<hbm>> -> memref<512x128xf32, #tpu.memory_space<hbm>>
    tpu.enqueue_dma source(%arg5 : memref<512x128xf32, #tpu.memory_space<vmem>>) target(%dma_start3A_1419 : memref<512x128xf32, #tpu.memory_space<hbm>>) target_semaphore(%dma_start3A_1417 : memref<!tpu.dma_semaphore, #tpu.memory_space<semaphore_mem>>)
    %add3A_1420 = arith.constant 46080 : i32
    %add3A_1421 = arith.addi %mul3A_9, %add3A_1420 : i32
    %dma_wait3A_1422 = arith.constant 2 : i32
    %dma_wait3A_1423 = arith.constant 0 : i32
    %dma_wait3A_1424 = tpu.memref_slice %arg3[%add3A_1357, %dma_wait3A_1423] : memref<1638400x128xf32, #tpu.memory_space<hbm>> -> memref<512x128xf32, #tpu.memory_space<hbm>>
    %dma_wait3A_1425 = tpu.memref_slice %arg6[%dma_wait3A_1422] : memref<4x!tpu.dma_semaphore, #tpu.memory_space<semaphore_mem>> -> memref<1x!tpu.dma_semaphore, #tpu.memory_space<semaphore_mem>>
    %dma_wait3A_1426 = tpu.memref_squeeze %dma_wait3A_1425 : memref<1x!tpu.dma_semaphore, #tpu.memory_space<semaphore_mem>> -> memref<!tpu.dma_semaphore, #tpu.memory_space<semaphore_mem>>
    %dma_wait3A_1427 = arith.constant 0 : i32
    %dma_wait3A_1428 = tpu.memref_slice %arg3[%add3A_1357, %dma_wait3A_1427] : memref<1638400x128xf32, #tpu.memory_space<hbm>> -> memref<512x128xf32, #tpu.memory_space<hbm>>
    tpu.wait_dma2 semaphore(%dma_wait3A_1426 : memref<!tpu.dma_semaphore, #tpu.memory_space<semaphore_mem>>) src(%arg5 : memref<512x128xf32, #tpu.memory_space<vmem>>) dst(%dma_wait3A_1428 : memref<512x128xf32, #tpu.memory_space<hbm>>)
    %dma_start3A_1429 = arith.constant 2 : i32
    %dma_start3A_1430 = arith.constant 0 : i32
    %dma_start3A_1431 = tpu.memref_slice %arg3[%add3A_1421, %dma_start3A_1430] : memref<1638400x128xf32, #tpu.memory_space<hbm>> -> memref<512x128xf32, #tpu.memory_space<hbm>>
    %dma_start3A_1432 = tpu.memref_slice %arg6[%dma_start3A_1429] : memref<4x!tpu.dma_semaphore, #tpu.memory_space<semaphore_mem>> -> memref<1x!tpu.dma_semaphore, #tpu.memory_space<semaphore_mem>>
    %dma_start3A_1433 = tpu.memref_squeeze %dma_start3A_1432 : memref<1x!tpu.dma_semaphore, #tpu.memory_space<semaphore_mem>> -> memref<!tpu.dma_semaphore, #tpu.memory_space<semaphore_mem>>
    %dma_start3A_1434 = arith.constant 0 : i32
    %dma_start3A_1435 = tpu.memref_slice %arg3[%add3A_1421, %dma_start3A_1434] : memref<1638400x128xf32, #tpu.memory_space<hbm>> -> memref<512x128xf32, #tpu.memory_space<hbm>>
    tpu.enqueue_dma source(%arg5 : memref<512x128xf32, #tpu.memory_space<vmem>>) target(%dma_start3A_1435 : memref<512x128xf32, #tpu.memory_space<hbm>>) target_semaphore(%dma_start3A_1433 : memref<!tpu.dma_semaphore, #tpu.memory_space<semaphore_mem>>)
    %add3A_1436 = arith.constant 46592 : i32
    %add3A_1437 = arith.addi %mul3A_9, %add3A_1436 : i32
    %dma_wait3A_1438 = arith.constant 3 : i32
    %dma_wait3A_1439 = arith.constant 0 : i32
    %dma_wait3A_1440 = tpu.memref_slice %arg3[%add3A_1373, %dma_wait3A_1439] : memref<1638400x128xf32, #tpu.memory_space<hbm>> -> memref<512x128xf32, #tpu.memory_space<hbm>>
    %dma_wait3A_1441 = tpu.memref_slice %arg6[%dma_wait3A_1438] : memref<4x!tpu.dma_semaphore, #tpu.memory_space<semaphore_mem>> -> memref<1x!tpu.dma_semaphore, #tpu.memory_space<semaphore_mem>>
    %dma_wait3A_1442 = tpu.memref_squeeze %dma_wait3A_1441 : memref<1x!tpu.dma_semaphore, #tpu.memory_space<semaphore_mem>> -> memref<!tpu.dma_semaphore, #tpu.memory_space<semaphore_mem>>
    %dma_wait3A_1443 = arith.constant 0 : i32
    %dma_wait3A_1444 = tpu.memref_slice %arg3[%add3A_1373, %dma_wait3A_1443] : memref<1638400x128xf32, #tpu.memory_space<hbm>> -> memref<512x128xf32, #tpu.memory_space<hbm>>
    tpu.wait_dma2 semaphore(%dma_wait3A_1442 : memref<!tpu.dma_semaphore, #tpu.memory_space<semaphore_mem>>) src(%arg5 : memref<512x128xf32, #tpu.memory_space<vmem>>) dst(%dma_wait3A_1444 : memref<512x128xf32, #tpu.memory_space<hbm>>)
    %dma_start3A_1445 = arith.constant 3 : i32
    %dma_start3A_1446 = arith.constant 0 : i32
    %dma_start3A_1447 = tpu.memref_slice %arg3[%add3A_1437, %dma_start3A_1446] : memref<1638400x128xf32, #tpu.memory_space<hbm>> -> memref<512x128xf32, #tpu.memory_space<hbm>>
    %dma_start3A_1448 = tpu.memref_slice %arg6[%dma_start3A_1445] : memref<4x!tpu.dma_semaphore, #tpu.memory_space<semaphore_mem>> -> memref<1x!tpu.dma_semaphore, #tpu.memory_space<semaphore_mem>>
    %dma_start3A_1449 = tpu.memref_squeeze %dma_start3A_1448 : memref<1x!tpu.dma_semaphore, #tpu.memory_space<semaphore_mem>> -> memref<!tpu.dma_semaphore, #tpu.memory_space<semaphore_mem>>
    %dma_start3A_1450 = arith.constant 0 : i32
    %dma_start3A_1451 = tpu.memref_slice %arg3[%add3A_1437, %dma_start3A_1450] : memref<1638400x128xf32, #tpu.memory_space<hbm>> -> memref<512x128xf32, #tpu.memory_space<hbm>>
    tpu.enqueue_dma source(%arg5 : memref<512x128xf32, #tpu.memory_space<vmem>>) target(%dma_start3A_1451 : memref<512x128xf32, #tpu.memory_space<hbm>>) target_semaphore(%dma_start3A_1449 : memref<!tpu.dma_semaphore, #tpu.memory_space<semaphore_mem>>)
    %add3A_1452 = arith.constant 47104 : i32
    %add3A_1453 = arith.addi %mul3A_9, %add3A_1452 : i32
    %dma_wait3A_1454 = arith.constant 0 : i32
    %dma_wait3A_1455 = arith.constant 0 : i32
    %dma_wait3A_1456 = tpu.memref_slice %arg3[%add3A_1389, %dma_wait3A_1455] : memref<1638400x128xf32, #tpu.memory_space<hbm>> -> memref<512x128xf32, #tpu.memory_space<hbm>>
    %dma_wait3A_1457 = tpu.memref_slice %arg6[%dma_wait3A_1454] : memref<4x!tpu.dma_semaphore, #tpu.memory_space<semaphore_mem>> -> memref<1x!tpu.dma_semaphore, #tpu.memory_space<semaphore_mem>>
    %dma_wait3A_1458 = tpu.memref_squeeze %dma_wait3A_1457 : memref<1x!tpu.dma_semaphore, #tpu.memory_space<semaphore_mem>> -> memref<!tpu.dma_semaphore, #tpu.memory_space<semaphore_mem>>
    %dma_wait3A_1459 = arith.constant 0 : i32
    %dma_wait3A_1460 = tpu.memref_slice %arg3[%add3A_1389, %dma_wait3A_1459] : memref<1638400x128xf32, #tpu.memory_space<hbm>> -> memref<512x128xf32, #tpu.memory_space<hbm>>
    tpu.wait_dma2 semaphore(%dma_wait3A_1458 : memref<!tpu.dma_semaphore, #tpu.memory_space<semaphore_mem>>) src(%arg5 : memref<512x128xf32, #tpu.memory_space<vmem>>) dst(%dma_wait3A_1460 : memref<512x128xf32, #tpu.memory_space<hbm>>)
    %dma_start3A_1461 = arith.constant 0 : i32
    %dma_start3A_1462 = arith.constant 0 : i32
    %dma_start3A_1463 = tpu.memref_slice %arg3[%add3A_1453, %dma_start3A_1462] : memref<1638400x128xf32, #tpu.memory_space<hbm>> -> memref<512x128xf32, #tpu.memory_space<hbm>>
    %dma_start3A_1464 = tpu.memref_slice %arg6[%dma_start3A_1461] : memref<4x!tpu.dma_semaphore, #tpu.memory_space<semaphore_mem>> -> memref<1x!tpu.dma_semaphore, #tpu.memory_space<semaphore_mem>>
    %dma_start3A_1465 = tpu.memref_squeeze %dma_start3A_1464 : memref<1x!tpu.dma_semaphore, #tpu.memory_space<semaphore_mem>> -> memref<!tpu.dma_semaphore, #tpu.memory_space<semaphore_mem>>
    %dma_start3A_1466 = arith.constant 0 : i32
    %dma_start3A_1467 = tpu.memref_slice %arg3[%add3A_1453, %dma_start3A_1466] : memref<1638400x128xf32, #tpu.memory_space<hbm>> -> memref<512x128xf32, #tpu.memory_space<hbm>>
    tpu.enqueue_dma source(%arg5 : memref<512x128xf32, #tpu.memory_space<vmem>>) target(%dma_start3A_1467 : memref<512x128xf32, #tpu.memory_space<hbm>>) target_semaphore(%dma_start3A_1465 : memref<!tpu.dma_semaphore, #tpu.memory_space<semaphore_mem>>)
    %add3A_1468 = arith.constant 47616 : i32
    %add3A_1469 = arith.addi %mul3A_9, %add3A_1468 : i32
    %dma_wait3A_1470 = arith.constant 1 : i32
    %dma_wait3A_1471 = arith.constant 0 : i32
    %dma_wait3A_1472 = tpu.memref_slice %arg3[%add3A_1405, %dma_wait3A_1471] : memref<1638400x128xf32, #tpu.memory_space<hbm>> -> memref<512x128xf32, #tpu.memory_space<hbm>>
    %dma_wait3A_1473 = tpu.memref_slice %arg6[%dma_wait3A_1470] : memref<4x!tpu.dma_semaphore, #tpu.memory_space<semaphore_mem>> -> memref<1x!tpu.dma_semaphore, #tpu.memory_space<semaphore_mem>>
    %dma_wait3A_1474 = tpu.memref_squeeze %dma_wait3A_1473 : memref<1x!tpu.dma_semaphore, #tpu.memory_space<semaphore_mem>> -> memref<!tpu.dma_semaphore, #tpu.memory_space<semaphore_mem>>
    %dma_wait3A_1475 = arith.constant 0 : i32
    %dma_wait3A_1476 = tpu.memref_slice %arg3[%add3A_1405, %dma_wait3A_1475] : memref<1638400x128xf32, #tpu.memory_space<hbm>> -> memref<512x128xf32, #tpu.memory_space<hbm>>
    tpu.wait_dma2 semaphore(%dma_wait3A_1474 : memref<!tpu.dma_semaphore, #tpu.memory_space<semaphore_mem>>) src(%arg5 : memref<512x128xf32, #tpu.memory_space<vmem>>) dst(%dma_wait3A_1476 : memref<512x128xf32, #tpu.memory_space<hbm>>)
    %dma_start3A_1477 = arith.constant 1 : i32
    %dma_start3A_1478 = arith.constant 0 : i32
    %dma_start3A_1479 = tpu.memref_slice %arg3[%add3A_1469, %dma_start3A_1478] : memref<1638400x128xf32, #tpu.memory_space<hbm>> -> memref<512x128xf32, #tpu.memory_space<hbm>>
    %dma_start3A_1480 = tpu.memref_slice %arg6[%dma_start3A_1477] : memref<4x!tpu.dma_semaphore, #tpu.memory_space<semaphore_mem>> -> memref<1x!tpu.dma_semaphore, #tpu.memory_space<semaphore_mem>>
    %dma_start3A_1481 = tpu.memref_squeeze %dma_start3A_1480 : memref<1x!tpu.dma_semaphore, #tpu.memory_space<semaphore_mem>> -> memref<!tpu.dma_semaphore, #tpu.memory_space<semaphore_mem>>
    %dma_start3A_1482 = arith.constant 0 : i32
    %dma_start3A_1483 = tpu.memref_slice %arg3[%add3A_1469, %dma_start3A_1482] : memref<1638400x128xf32, #tpu.memory_space<hbm>> -> memref<512x128xf32, #tpu.memory_space<hbm>>
    tpu.enqueue_dma source(%arg5 : memref<512x128xf32, #tpu.memory_space<vmem>>) target(%dma_start3A_1483 : memref<512x128xf32, #tpu.memory_space<hbm>>) target_semaphore(%dma_start3A_1481 : memref<!tpu.dma_semaphore, #tpu.memory_space<semaphore_mem>>)
    %add3A_1484 = arith.constant 48128 : i32
    %add3A_1485 = arith.addi %mul3A_9, %add3A_1484 : i32
    %dma_wait3A_1486 = arith.constant 2 : i32
    %dma_wait3A_1487 = arith.constant 0 : i32
    %dma_wait3A_1488 = tpu.memref_slice %arg3[%add3A_1421, %dma_wait3A_1487] : memref<1638400x128xf32, #tpu.memory_space<hbm>> -> memref<512x128xf32, #tpu.memory_space<hbm>>
    %dma_wait3A_1489 = tpu.memref_slice %arg6[%dma_wait3A_1486] : memref<4x!tpu.dma_semaphore, #tpu.memory_space<semaphore_mem>> -> memref<1x!tpu.dma_semaphore, #tpu.memory_space<semaphore_mem>>
    %dma_wait3A_1490 = tpu.memref_squeeze %dma_wait3A_1489 : memref<1x!tpu.dma_semaphore, #tpu.memory_space<semaphore_mem>> -> memref<!tpu.dma_semaphore, #tpu.memory_space<semaphore_mem>>
    %dma_wait3A_1491 = arith.constant 0 : i32
    %dma_wait3A_1492 = tpu.memref_slice %arg3[%add3A_1421, %dma_wait3A_1491] : memref<1638400x128xf32, #tpu.memory_space<hbm>> -> memref<512x128xf32, #tpu.memory_space<hbm>>
    tpu.wait_dma2 semaphore(%dma_wait3A_1490 : memref<!tpu.dma_semaphore, #tpu.memory_space<semaphore_mem>>) src(%arg5 : memref<512x128xf32, #tpu.memory_space<vmem>>) dst(%dma_wait3A_1492 : memref<512x128xf32, #tpu.memory_space<hbm>>)
    %dma_start3A_1493 = arith.constant 2 : i32
    %dma_start3A_1494 = arith.constant 0 : i32
    %dma_start3A_1495 = tpu.memref_slice %arg3[%add3A_1485, %dma_start3A_1494] : memref<1638400x128xf32, #tpu.memory_space<hbm>> -> memref<512x128xf32, #tpu.memory_space<hbm>>
    %dma_start3A_1496 = tpu.memref_slice %arg6[%dma_start3A_1493] : memref<4x!tpu.dma_semaphore, #tpu.memory_space<semaphore_mem>> -> memref<1x!tpu.dma_semaphore, #tpu.memory_space<semaphore_mem>>
    %dma_start3A_1497 = tpu.memref_squeeze %dma_start3A_1496 : memref<1x!tpu.dma_semaphore, #tpu.memory_space<semaphore_mem>> -> memref<!tpu.dma_semaphore, #tpu.memory_space<semaphore_mem>>
    %dma_start3A_1498 = arith.constant 0 : i32
    %dma_start3A_1499 = tpu.memref_slice %arg3[%add3A_1485, %dma_start3A_1498] : memref<1638400x128xf32, #tpu.memory_space<hbm>> -> memref<512x128xf32, #tpu.memory_space<hbm>>
    tpu.enqueue_dma source(%arg5 : memref<512x128xf32, #tpu.memory_space<vmem>>) target(%dma_start3A_1499 : memref<512x128xf32, #tpu.memory_space<hbm>>) target_semaphore(%dma_start3A_1497 : memref<!tpu.dma_semaphore, #tpu.memory_space<semaphore_mem>>)
    %add3A_1500 = arith.constant 48640 : i32
    %add3A_1501 = arith.addi %mul3A_9, %add3A_1500 : i32
    %dma_wait3A_1502 = arith.constant 3 : i32
    %dma_wait3A_1503 = arith.constant 0 : i32
    %dma_wait3A_1504 = tpu.memref_slice %arg3[%add3A_1437, %dma_wait3A_1503] : memref<1638400x128xf32, #tpu.memory_space<hbm>> -> memref<512x128xf32, #tpu.memory_space<hbm>>
    %dma_wait3A_1505 = tpu.memref_slice %arg6[%dma_wait3A_1502] : memref<4x!tpu.dma_semaphore, #tpu.memory_space<semaphore_mem>> -> memref<1x!tpu.dma_semaphore, #tpu.memory_space<semaphore_mem>>
    %dma_wait3A_1506 = tpu.memref_squeeze %dma_wait3A_1505 : memref<1x!tpu.dma_semaphore, #tpu.memory_space<semaphore_mem>> -> memref<!tpu.dma_semaphore, #tpu.memory_space<semaphore_mem>>
    %dma_wait3A_1507 = arith.constant 0 : i32
    %dma_wait3A_1508 = tpu.memref_slice %arg3[%add3A_1437, %dma_wait3A_1507] : memref<1638400x128xf32, #tpu.memory_space<hbm>> -> memref<512x128xf32, #tpu.memory_space<hbm>>
    tpu.wait_dma2 semaphore(%dma_wait3A_1506 : memref<!tpu.dma_semaphore, #tpu.memory_space<semaphore_mem>>) src(%arg5 : memref<512x128xf32, #tpu.memory_space<vmem>>) dst(%dma_wait3A_1508 : memref<512x128xf32, #tpu.memory_space<hbm>>)
    %dma_start3A_1509 = arith.constant 3 : i32
    %dma_start3A_1510 = arith.constant 0 : i32
    %dma_start3A_1511 = tpu.memref_slice %arg3[%add3A_1501, %dma_start3A_1510] : memref<1638400x128xf32, #tpu.memory_space<hbm>> -> memref<512x128xf32, #tpu.memory_space<hbm>>
    %dma_start3A_1512 = tpu.memref_slice %arg6[%dma_start3A_1509] : memref<4x!tpu.dma_semaphore, #tpu.memory_space<semaphore_mem>> -> memref<1x!tpu.dma_semaphore, #tpu.memory_space<semaphore_mem>>
    %dma_start3A_1513 = tpu.memref_squeeze %dma_start3A_1512 : memref<1x!tpu.dma_semaphore, #tpu.memory_space<semaphore_mem>> -> memref<!tpu.dma_semaphore, #tpu.memory_space<semaphore_mem>>
    %dma_start3A_1514 = arith.constant 0 : i32
    %dma_start3A_1515 = tpu.memref_slice %arg3[%add3A_1501, %dma_start3A_1514] : memref<1638400x128xf32, #tpu.memory_space<hbm>> -> memref<512x128xf32, #tpu.memory_space<hbm>>
    tpu.enqueue_dma source(%arg5 : memref<512x128xf32, #tpu.memory_space<vmem>>) target(%dma_start3A_1515 : memref<512x128xf32, #tpu.memory_space<hbm>>) target_semaphore(%dma_start3A_1513 : memref<!tpu.dma_semaphore, #tpu.memory_space<semaphore_mem>>)
    %add3A_1516 = arith.constant 49152 : i32
    %add3A_1517 = arith.addi %mul3A_9, %add3A_1516 : i32
    %dma_wait3A_1518 = arith.constant 0 : i32
    %dma_wait3A_1519 = arith.constant 0 : i32
    %dma_wait3A_1520 = tpu.memref_slice %arg3[%add3A_1453, %dma_wait3A_1519] : memref<1638400x128xf32, #tpu.memory_space<hbm>> -> memref<512x128xf32, #tpu.memory_space<hbm>>
    %dma_wait3A_1521 = tpu.memref_slice %arg6[%dma_wait3A_1518] : memref<4x!tpu.dma_semaphore, #tpu.memory_space<semaphore_mem>> -> memref<1x!tpu.dma_semaphore, #tpu.memory_space<semaphore_mem>>
    %dma_wait3A_1522 = tpu.memref_squeeze %dma_wait3A_1521 : memref<1x!tpu.dma_semaphore, #tpu.memory_space<semaphore_mem>> -> memref<!tpu.dma_semaphore, #tpu.memory_space<semaphore_mem>>
    %dma_wait3A_1523 = arith.constant 0 : i32
    %dma_wait3A_1524 = tpu.memref_slice %arg3[%add3A_1453, %dma_wait3A_1523] : memref<1638400x128xf32, #tpu.memory_space<hbm>> -> memref<512x128xf32, #tpu.memory_space<hbm>>
    tpu.wait_dma2 semaphore(%dma_wait3A_1522 : memref<!tpu.dma_semaphore, #tpu.memory_space<semaphore_mem>>) src(%arg5 : memref<512x128xf32, #tpu.memory_space<vmem>>) dst(%dma_wait3A_1524 : memref<512x128xf32, #tpu.memory_space<hbm>>)
    %dma_start3A_1525 = arith.constant 0 : i32
    %dma_start3A_1526 = arith.constant 0 : i32
    %dma_start3A_1527 = tpu.memref_slice %arg3[%add3A_1517, %dma_start3A_1526] : memref<1638400x128xf32, #tpu.memory_space<hbm>> -> memref<512x128xf32, #tpu.memory_space<hbm>>
    %dma_start3A_1528 = tpu.memref_slice %arg6[%dma_start3A_1525] : memref<4x!tpu.dma_semaphore, #tpu.memory_space<semaphore_mem>> -> memref<1x!tpu.dma_semaphore, #tpu.memory_space<semaphore_mem>>
    %dma_start3A_1529 = tpu.memref_squeeze %dma_start3A_1528 : memref<1x!tpu.dma_semaphore, #tpu.memory_space<semaphore_mem>> -> memref<!tpu.dma_semaphore, #tpu.memory_space<semaphore_mem>>
    %dma_start3A_1530 = arith.constant 0 : i32
    %dma_start3A_1531 = tpu.memref_slice %arg3[%add3A_1517, %dma_start3A_1530] : memref<1638400x128xf32, #tpu.memory_space<hbm>> -> memref<512x128xf32, #tpu.memory_space<hbm>>
    tpu.enqueue_dma source(%arg5 : memref<512x128xf32, #tpu.memory_space<vmem>>) target(%dma_start3A_1531 : memref<512x128xf32, #tpu.memory_space<hbm>>) target_semaphore(%dma_start3A_1529 : memref<!tpu.dma_semaphore, #tpu.memory_space<semaphore_mem>>)
    %add3A_1532 = arith.constant 49664 : i32
    %add3A_1533 = arith.addi %mul3A_9, %add3A_1532 : i32
    %dma_wait3A_1534 = arith.constant 1 : i32
    %dma_wait3A_1535 = arith.constant 0 : i32
    %dma_wait3A_1536 = tpu.memref_slice %arg3[%add3A_1469, %dma_wait3A_1535] : memref<1638400x128xf32, #tpu.memory_space<hbm>> -> memref<512x128xf32, #tpu.memory_space<hbm>>
    %dma_wait3A_1537 = tpu.memref_slice %arg6[%dma_wait3A_1534] : memref<4x!tpu.dma_semaphore, #tpu.memory_space<semaphore_mem>> -> memref<1x!tpu.dma_semaphore, #tpu.memory_space<semaphore_mem>>
    %dma_wait3A_1538 = tpu.memref_squeeze %dma_wait3A_1537 : memref<1x!tpu.dma_semaphore, #tpu.memory_space<semaphore_mem>> -> memref<!tpu.dma_semaphore, #tpu.memory_space<semaphore_mem>>
    %dma_wait3A_1539 = arith.constant 0 : i32
    %dma_wait3A_1540 = tpu.memref_slice %arg3[%add3A_1469, %dma_wait3A_1539] : memref<1638400x128xf32, #tpu.memory_space<hbm>> -> memref<512x128xf32, #tpu.memory_space<hbm>>
    tpu.wait_dma2 semaphore(%dma_wait3A_1538 : memref<!tpu.dma_semaphore, #tpu.memory_space<semaphore_mem>>) src(%arg5 : memref<512x128xf32, #tpu.memory_space<vmem>>) dst(%dma_wait3A_1540 : memref<512x128xf32, #tpu.memory_space<hbm>>)
    %dma_start3A_1541 = arith.constant 1 : i32
    %dma_start3A_1542 = arith.constant 0 : i32
    %dma_start3A_1543 = tpu.memref_slice %arg3[%add3A_1533, %dma_start3A_1542] : memref<1638400x128xf32, #tpu.memory_space<hbm>> -> memref<512x128xf32, #tpu.memory_space<hbm>>
    %dma_start3A_1544 = tpu.memref_slice %arg6[%dma_start3A_1541] : memref<4x!tpu.dma_semaphore, #tpu.memory_space<semaphore_mem>> -> memref<1x!tpu.dma_semaphore, #tpu.memory_space<semaphore_mem>>
    %dma_start3A_1545 = tpu.memref_squeeze %dma_start3A_1544 : memref<1x!tpu.dma_semaphore, #tpu.memory_space<semaphore_mem>> -> memref<!tpu.dma_semaphore, #tpu.memory_space<semaphore_mem>>
    %dma_start3A_1546 = arith.constant 0 : i32
    %dma_start3A_1547 = tpu.memref_slice %arg3[%add3A_1533, %dma_start3A_1546] : memref<1638400x128xf32, #tpu.memory_space<hbm>> -> memref<512x128xf32, #tpu.memory_space<hbm>>
    tpu.enqueue_dma source(%arg5 : memref<512x128xf32, #tpu.memory_space<vmem>>) target(%dma_start3A_1547 : memref<512x128xf32, #tpu.memory_space<hbm>>) target_semaphore(%dma_start3A_1545 : memref<!tpu.dma_semaphore, #tpu.memory_space<semaphore_mem>>)
    %add3A_1548 = arith.constant 50176 : i32
    %add3A_1549 = arith.addi %mul3A_9, %add3A_1548 : i32
    %dma_wait3A_1550 = arith.constant 2 : i32
    %dma_wait3A_1551 = arith.constant 0 : i32
    %dma_wait3A_1552 = tpu.memref_slice %arg3[%add3A_1485, %dma_wait3A_1551] : memref<1638400x128xf32, #tpu.memory_space<hbm>> -> memref<512x128xf32, #tpu.memory_space<hbm>>
    %dma_wait3A_1553 = tpu.memref_slice %arg6[%dma_wait3A_1550] : memref<4x!tpu.dma_semaphore, #tpu.memory_space<semaphore_mem>> -> memref<1x!tpu.dma_semaphore, #tpu.memory_space<semaphore_mem>>
    %dma_wait3A_1554 = tpu.memref_squeeze %dma_wait3A_1553 : memref<1x!tpu.dma_semaphore, #tpu.memory_space<semaphore_mem>> -> memref<!tpu.dma_semaphore, #tpu.memory_space<semaphore_mem>>
    %dma_wait3A_1555 = arith.constant 0 : i32
    %dma_wait3A_1556 = tpu.memref_slice %arg3[%add3A_1485, %dma_wait3A_1555] : memref<1638400x128xf32, #tpu.memory_space<hbm>> -> memref<512x128xf32, #tpu.memory_space<hbm>>
    tpu.wait_dma2 semaphore(%dma_wait3A_1554 : memref<!tpu.dma_semaphore, #tpu.memory_space<semaphore_mem>>) src(%arg5 : memref<512x128xf32, #tpu.memory_space<vmem>>) dst(%dma_wait3A_1556 : memref<512x128xf32, #tpu.memory_space<hbm>>)
    %dma_start3A_1557 = arith.constant 2 : i32
    %dma_start3A_1558 = arith.constant 0 : i32
    %dma_start3A_1559 = tpu.memref_slice %arg3[%add3A_1549, %dma_start3A_1558] : memref<1638400x128xf32, #tpu.memory_space<hbm>> -> memref<512x128xf32, #tpu.memory_space<hbm>>
    %dma_start3A_1560 = tpu.memref_slice %arg6[%dma_start3A_1557] : memref<4x!tpu.dma_semaphore, #tpu.memory_space<semaphore_mem>> -> memref<1x!tpu.dma_semaphore, #tpu.memory_space<semaphore_mem>>
    %dma_start3A_1561 = tpu.memref_squeeze %dma_start3A_1560 : memref<1x!tpu.dma_semaphore, #tpu.memory_space<semaphore_mem>> -> memref<!tpu.dma_semaphore, #tpu.memory_space<semaphore_mem>>
    %dma_start3A_1562 = arith.constant 0 : i32
    %dma_start3A_1563 = tpu.memref_slice %arg3[%add3A_1549, %dma_start3A_1562] : memref<1638400x128xf32, #tpu.memory_space<hbm>> -> memref<512x128xf32, #tpu.memory_space<hbm>>
    tpu.enqueue_dma source(%arg5 : memref<512x128xf32, #tpu.memory_space<vmem>>) target(%dma_start3A_1563 : memref<512x128xf32, #tpu.memory_space<hbm>>) target_semaphore(%dma_start3A_1561 : memref<!tpu.dma_semaphore, #tpu.memory_space<semaphore_mem>>)
    %add3A_1564 = arith.constant 50688 : i32
    %add3A_1565 = arith.addi %mul3A_9, %add3A_1564 : i32
    %dma_wait3A_1566 = arith.constant 3 : i32
    %dma_wait3A_1567 = arith.constant 0 : i32
    %dma_wait3A_1568 = tpu.memref_slice %arg3[%add3A_1501, %dma_wait3A_1567] : memref<1638400x128xf32, #tpu.memory_space<hbm>> -> memref<512x128xf32, #tpu.memory_space<hbm>>
    %dma_wait3A_1569 = tpu.memref_slice %arg6[%dma_wait3A_1566] : memref<4x!tpu.dma_semaphore, #tpu.memory_space<semaphore_mem>> -> memref<1x!tpu.dma_semaphore, #tpu.memory_space<semaphore_mem>>
    %dma_wait3A_1570 = tpu.memref_squeeze %dma_wait3A_1569 : memref<1x!tpu.dma_semaphore, #tpu.memory_space<semaphore_mem>> -> memref<!tpu.dma_semaphore, #tpu.memory_space<semaphore_mem>>
    %dma_wait3A_1571 = arith.constant 0 : i32
    %dma_wait3A_1572 = tpu.memref_slice %arg3[%add3A_1501, %dma_wait3A_1571] : memref<1638400x128xf32, #tpu.memory_space<hbm>> -> memref<512x128xf32, #tpu.memory_space<hbm>>
    tpu.wait_dma2 semaphore(%dma_wait3A_1570 : memref<!tpu.dma_semaphore, #tpu.memory_space<semaphore_mem>>) src(%arg5 : memref<512x128xf32, #tpu.memory_space<vmem>>) dst(%dma_wait3A_1572 : memref<512x128xf32, #tpu.memory_space<hbm>>)
    %dma_start3A_1573 = arith.constant 3 : i32
    %dma_start3A_1574 = arith.constant 0 : i32
    %dma_start3A_1575 = tpu.memref_slice %arg3[%add3A_1565, %dma_start3A_1574] : memref<1638400x128xf32, #tpu.memory_space<hbm>> -> memref<512x128xf32, #tpu.memory_space<hbm>>
    %dma_start3A_1576 = tpu.memref_slice %arg6[%dma_start3A_1573] : memref<4x!tpu.dma_semaphore, #tpu.memory_space<semaphore_mem>> -> memref<1x!tpu.dma_semaphore, #tpu.memory_space<semaphore_mem>>
    %dma_start3A_1577 = tpu.memref_squeeze %dma_start3A_1576 : memref<1x!tpu.dma_semaphore, #tpu.memory_space<semaphore_mem>> -> memref<!tpu.dma_semaphore, #tpu.memory_space<semaphore_mem>>
    %dma_start3A_1578 = arith.constant 0 : i32
    %dma_start3A_1579 = tpu.memref_slice %arg3[%add3A_1565, %dma_start3A_1578] : memref<1638400x128xf32, #tpu.memory_space<hbm>> -> memref<512x128xf32, #tpu.memory_space<hbm>>
    tpu.enqueue_dma source(%arg5 : memref<512x128xf32, #tpu.memory_space<vmem>>) target(%dma_start3A_1579 : memref<512x128xf32, #tpu.memory_space<hbm>>) target_semaphore(%dma_start3A_1577 : memref<!tpu.dma_semaphore, #tpu.memory_space<semaphore_mem>>)
    %dma_wait3A_1580 = arith.constant 0 : i32
    %dma_wait3A_1581 = arith.constant 0 : i32
    %dma_wait3A_1582 = tpu.memref_slice %arg3[%add3A_1517, %dma_wait3A_1581] : memref<1638400x128xf32, #tpu.memory_space<hbm>> -> memref<512x128xf32, #tpu.memory_space<hbm>>
    %dma_wait3A_1583 = tpu.memref_slice %arg6[%dma_wait3A_1580] : memref<4x!tpu.dma_semaphore, #tpu.memory_space<semaphore_mem>> -> memref<1x!tpu.dma_semaphore, #tpu.memory_space<semaphore_mem>>
    %dma_wait3A_1584 = tpu.memref_squeeze %dma_wait3A_1583 : memref<1x!tpu.dma_semaphore, #tpu.memory_space<semaphore_mem>> -> memref<!tpu.dma_semaphore, #tpu.memory_space<semaphore_mem>>
    %dma_wait3A_1585 = arith.constant 0 : i32
    %dma_wait3A_1586 = tpu.memref_slice %arg3[%add3A_1517, %dma_wait3A_1585] : memref<1638400x128xf32, #tpu.memory_space<hbm>> -> memref<512x128xf32, #tpu.memory_space<hbm>>
    tpu.wait_dma2 semaphore(%dma_wait3A_1584 : memref<!tpu.dma_semaphore, #tpu.memory_space<semaphore_mem>>) src(%arg5 : memref<512x128xf32, #tpu.memory_space<vmem>>) dst(%dma_wait3A_1586 : memref<512x128xf32, #tpu.memory_space<hbm>>)
    %dma_wait3A_1587 = arith.constant 1 : i32
    %dma_wait3A_1588 = arith.constant 0 : i32
    %dma_wait3A_1589 = tpu.memref_slice %arg3[%add3A_1533, %dma_wait3A_1588] : memref<1638400x128xf32, #tpu.memory_space<hbm>> -> memref<512x128xf32, #tpu.memory_space<hbm>>
    %dma_wait3A_1590 = tpu.memref_slice %arg6[%dma_wait3A_1587] : memref<4x!tpu.dma_semaphore, #tpu.memory_space<semaphore_mem>> -> memref<1x!tpu.dma_semaphore, #tpu.memory_space<semaphore_mem>>
    %dma_wait3A_1591 = tpu.memref_squeeze %dma_wait3A_1590 : memref<1x!tpu.dma_semaphore, #tpu.memory_space<semaphore_mem>> -> memref<!tpu.dma_semaphore, #tpu.memory_space<semaphore_mem>>
    %dma_wait3A_1592 = arith.constant 0 : i32
    %dma_wait3A_1593 = tpu.memref_slice %arg3[%add3A_1533, %dma_wait3A_1592] : memref<1638400x128xf32, #tpu.memory_space<hbm>> -> memref<512x128xf32, #tpu.memory_space<hbm>>
    tpu.wait_dma2 semaphore(%dma_wait3A_1591 : memref<!tpu.dma_semaphore, #tpu.memory_space<semaphore_mem>>) src(%arg5 : memref<512x128xf32, #tpu.memory_space<vmem>>) dst(%dma_wait3A_1593 : memref<512x128xf32, #tpu.memory_space<hbm>>)
    %dma_wait3A_1594 = arith.constant 2 : i32
    %dma_wait3A_1595 = arith.constant 0 : i32
    %dma_wait3A_1596 = tpu.memref_slice %arg3[%add3A_1549, %dma_wait3A_1595] : memref<1638400x128xf32, #tpu.memory_space<hbm>> -> memref<512x128xf32, #tpu.memory_space<hbm>>
    %dma_wait3A_1597 = tpu.memref_slice %arg6[%dma_wait3A_1594] : memref<4x!tpu.dma_semaphore, #tpu.memory_space<semaphore_mem>> -> memref<1x!tpu.dma_semaphore, #tpu.memory_space<semaphore_mem>>
    %dma_wait3A_1598 = tpu.memref_squeeze %dma_wait3A_1597 : memref<1x!tpu.dma_semaphore, #tpu.memory_space<semaphore_mem>> -> memref<!tpu.dma_semaphore, #tpu.memory_space<semaphore_mem>>
    %dma_wait3A_1599 = arith.constant 0 : i32
    %dma_wait3A_1600 = tpu.memref_slice %arg3[%add3A_1549, %dma_wait3A_1599] : memref<1638400x128xf32, #tpu.memory_space<hbm>> -> memref<512x128xf32, #tpu.memory_space<hbm>>
    tpu.wait_dma2 semaphore(%dma_wait3A_1598 : memref<!tpu.dma_semaphore, #tpu.memory_space<semaphore_mem>>) src(%arg5 : memref<512x128xf32, #tpu.memory_space<vmem>>) dst(%dma_wait3A_1600 : memref<512x128xf32, #tpu.memory_space<hbm>>)
    %dma_wait3A_1601 = arith.constant 3 : i32
    %dma_wait3A_1602 = arith.constant 0 : i32
    %dma_wait3A_1603 = tpu.memref_slice %arg3[%add3A_1565, %dma_wait3A_1602] : memref<1638400x128xf32, #tpu.memory_space<hbm>> -> memref<512x128xf32, #tpu.memory_space<hbm>>
    %dma_wait3A_1604 = tpu.memref_slice %arg6[%dma_wait3A_1601] : memref<4x!tpu.dma_semaphore, #tpu.memory_space<semaphore_mem>> -> memref<1x!tpu.dma_semaphore, #tpu.memory_space<semaphore_mem>>
    %dma_wait3A_1605 = tpu.memref_squeeze %dma_wait3A_1604 : memref<1x!tpu.dma_semaphore, #tpu.memory_space<semaphore_mem>> -> memref<!tpu.dma_semaphore, #tpu.memory_space<semaphore_mem>>
    %dma_wait3A_1606 = arith.constant 0 : i32
    %dma_wait3A_1607 = tpu.memref_slice %arg3[%add3A_1565, %dma_wait3A_1606] : memref<1638400x128xf32, #tpu.memory_space<hbm>> -> memref<512x128xf32, #tpu.memory_space<hbm>>
    tpu.wait_dma2 semaphore(%dma_wait3A_1605 : memref<!tpu.dma_semaphore, #tpu.memory_space<semaphore_mem>>) src(%arg5 : memref<512x128xf32, #tpu.memory_space<vmem>>) dst(%dma_wait3A_1607 : memref<512x128xf32, #tpu.memory_space<hbm>>)
    return
  }
}

</mosaic_0001>

<sc_bundles>
// kernel: kernel.3.cloned.1.call-start
scs
__scs_entry_jumppad:
0x0: {  	(pc) =	sbr.rel $0x88, $3  }
0x1: {  	(tag) =	ssettag $0x0;
	lr =	simm.s32 $0x1  }
0x2: {  	[smem:$0x3FA0] =	sst lr;
	_ =	strace $0xD0000000  }
0x3: {  	_ = 	snop  }
0x4: {  	_ = 	snop  }
0x5: {  	_ = 	snop  }
0x6: {  	_ = 	snop  }
0x7: {  	_ = 	snop  }
__scs_overlays_trampoline_lowered:
0x8: {  	[smem:$0x3FAF] =	sst s0  }
0x9: {  	[smem:$0x3FB0] =	sst s1  }
0xa: {  	[smem:$0x3FB1] =	sst s2  }
0xb: {  	[smem:$0x3FB2] =	sst s3  }
0xc: {  	[smem:$0x3FB3] =	sst s4  }
0xd: {  	[smem:$0x3FB4] =	sst s5  }
0xe: {  	[smem:$0x3FB5] =	sst s6  }
0xf: {  	[smem:$0x3FB6] =	sst s7  }
0x10: {  	[smem:$0x3FB7] =	sst s8  }
0x11: {  	[smem:$0x3FB8] =	sst s9;
	s0 =	simm.s32 @!p0 $0x0  }
0x12: {  	s1 =	sld [smem:$0x3F9E];
	s0 =	simm.s32 @p0 $0x1  }
0x13: {  	[smem:$0x3FB9] =	sst s0;
	s0 =	simm.s32 @!p1 $0x0  }
0x14: {  	s2 =	sld [smem:$0x3F9D];
	s0 =	simm.s32 @p1 $0x1  }
0x15: {  	[smem:$0x3FBA] =	sst s0;
	s0 =	simm.s32 @!p2 $0x0  }
0x16: {  	s3 =	sld [smem:$0x3FDB];
	s0 =	simm.s32 @p2 $0x1  }
0x17: {  	s4 =	simm.s32 $0x1BF5;
	[smem:$0x3FBC] =	sst s0  }
0x18: {  	s0 =	sld [smem:$0x3F9F];
	_ =	swait.ge [sflag:s4], $0x0  }
0x19: {  	s7 =	sld [smem:$0x3FA0]  }
0x1a: {  	s8 =	sadd.s32 $0xFFFFE003, lr  }
0x1b: {  	s9 =	sadd.s32 $0xFFFFFEF7, lr;
	s5 =	simm.s32 $0xFFFFFFFF;
	p2 =	slt.u32 s8, $0xFFFFF086  }
0x1c: {  	p1 =	slt.u32 s9, $0xF7A;
	s5 =	simm.s32 @!p2 $0x0  }
0x1d: {  	s5 =	simm.s32 @p1 $0x1;
	p0 =	seq.s32 s7, s2  }
0x1e: {  	s7 =	smul.u32 @!p0 $0xF7A, s2;
	p2 =	seq.s32 @!p0 s5, $0x0  }
0x1f: {  	s9 =	smul.u32 $0xF7A, s1;
	s8 =	simm.s32 @!p0 $0x1BF5;
	p2 =	por !p2, p0  }
0x20: {  	[sflag:s8] =	ssyncset.s32 @!p0 $0xFFFFF086;
	s6 =	sadd.s32 @!p0 s3, s7;
	s7 =	simm.s32 @!p0 $0x108  }
0x21: {  	s3 =	sadd.s32 s3, s9;
	s6 =	sadd.s32 @!p0 $0x88, s6;
	s7 =	simm.s32 @p2 $0x1082  }
0x22: {  	[simem:s7], [sflag:s8] =	dma.local @!p0 [hbm:s6], $0xF7A  }
0x23: {  	s9 =	sor.u32 $0xD0000000, s2;
	s6 =	simm.s32 $0x108;
	_ =	swait.ge @!p0 [sflag:s8], $0x0  }
0x24: {  	s3 =	sadd.s32 $0x88, s3;
	s6 =	simm.s32 @!p1 $0x1082;
	[sflag:s4] =	ssyncset.s32 $0xFFFFF086  }
0x25: {  	[simem:s6], [sflag:s4] =	dma.local [hbm:s3], $0xF7A  }
0x26: {  	[smem:$0x3FA0] =	sst s1;
	(tag) =	ssettag s2;
	_ =	strace s9  }
0x27: {  	s1 =	sld [smem:$0x3FB0]  }
0x28: {  	s2 =	sld [smem:$0x3FB1]  }
0x29: {  	s4 =	sld [smem:$0x3FB3]  }
0x2a: {  	p0 =	seq.s32 s5, $0x0;
	s5 =	sld [smem:$0x3FB4]  }
0x2b: {  	s6 =	sld [smem:$0x3FB5]  }
0x2c: {  	s7 =	sld [smem:$0x3FB6]  }
0x2d: {  	s3 =	simm.s32 $0x108;
	s8 =	sld [smem:$0x3FB7]  }
0x2e: {  	s3 =	simm.s32 @!p0 $0x1082;
	s9 =	sld [smem:$0x3FB8]  }
0x2f: {  	lr =	sadd.s32 s0, s3;
	s0 =	sld [smem:$0x3FAF]  }
0x30: {  	s3 =	sld [smem:$0x3FB2]  }
0x31: {  	[smem:$0x3FBB] =	sst s10  }
0x32: {  	s10 =	sld [smem:$0x3FB9];
	_ =	sdelay $0x3  }
0x33: {  	p0 =	seq.s32 s10, $0x1;
	s10 =	sld [smem:$0x3FBB];
	_ =	sdelay $0x3  }
0x34: {  	[smem:$0x3FBB] =	sst s10  }
0x35: {  	s10 =	sld [smem:$0x3FBA];
	_ =	sdelay $0x3  }
0x36: {  	p1 =	seq.s32 s10, $0x1;
	s10 =	sld [smem:$0x3FBB];
	_ =	sdelay $0x3  }
0x37: {  	[smem:$0x3FBB] =	sst s10  }
0x38: {  	s10 =	sld [smem:$0x3FBC]  }
0x39: {  	_ = 	snop;
	(pc) =	sbr.ind lr, $3  }
0x3a: {  	_ = 	snop  }
0x3b: {  	_ = 	snop  }
0x3c: {  	p2 =	seq.s32 s10, $0x1;
	s10 =	sld [smem:$0x3FBB]  }
0x3d: {  	_ =	shalt  }
0x3e: {  	_ =	shalt  }
0x3f: {  	_ =	shalt  }
0x40: {  	_ =	shalt  }
0x41: {  	_ =	shalt  }
0x42: {  	_ =	shalt  }
0x43: {  	_ =	shalt  }
0x44: {  	_ =	shalt  }
0x45: {  	_ =	shalt  }
0x46: {  	_ =	shalt  }
0x47: {  	_ =	shalt  }
0x48: {  	_ =	shalt  }
0x49: {  	_ =	shalt  }
0x4a: {  	_ =	shalt  }
0x4b: {  	_ =	shalt  }
0x4c: {  	_ =	shalt  }
0x4d: {  	_ =	shalt  }
0x4e: {  	_ =	shalt  }
0x4f: {  	_ =	shalt  }
0x50: {  	_ =	shalt  }
0x51: {  	_ =	shalt  }
0x52: {  	_ =	shalt  }
0x53: {  	_ =	shalt  }
0x54: {  	_ =	shalt  }
0x55: {  	_ =	shalt  }
0x56: {  	_ =	shalt  }
0x57: {  	_ =	shalt  }
0x58: {  	_ =	shalt  }
0x59: {  	_ =	shalt  }
0x5a: {  	_ =	shalt  }
0x5b: {  	_ =	shalt  }
0x5c: {  	_ =	shalt  }
0x5d: {  	_ =	shalt  }
0x5e: {  	_ =	shalt  }
0x5f: {  	_ =	shalt  }
0x60: {  	_ =	shalt  }
0x61: {  	_ =	shalt  }
0x62: {  	_ =	shalt  }
0x63: {  	_ =	shalt  }
0x64: {  	_ =	shalt  }
0x65: {  	_ =	shalt  }
0x66: {  	_ =	shalt  }
0x67: {  	_ =	shalt  }
0x68: {  	_ =	shalt  }
0x69: {  	_ =	shalt  }
0x6a: {  	_ =	shalt  }
0x6b: {  	_ =	shalt  }
0x6c: {  	_ =	shalt  }
0x6d: {  	_ =	shalt  }
0x6e: {  	_ =	shalt  }
0x6f: {  	_ =	shalt  }
0x70: {  	_ =	shalt  }
0x71: {  	_ =	shalt  }
0x72: {  	_ =	shalt  }
0x73: {  	_ =	shalt  }
0x74: {  	_ =	shalt  }
0x75: {  	_ =	shalt  }
0x76: {  	_ =	shalt  }
0x77: {  	_ =	shalt  }
0x78: {  	_ =	shalt  }
0x79: {  	_ =	shalt  }
0x7a: {  	_ =	shalt  }
0x7b: {  	_ =	shalt  }
0x7c: {  	_ =	shalt  }
0x7d: {  	_ =	shalt  }
0x7e: {  	_ =	shalt  }
0x7f: {  	_ =	shalt  }
0x80: {  	_ =	shalt  }
0x81: {  	_ =	shalt  }
0x82: {  	_ =	shalt  }
0x83: {  	_ =	shalt  }
0x84: {  	_ =	shalt  }
0x85: {  	_ =	shalt  }
0x86: {  	_ =	shalt  }
0x87: {  	_ =	shalt  }
.Lfunc_end0:
.L_simem_size_0:
called_computation_lowered:
.L_overlay_start_0:
0x88: {  	s2 =	sld [smem:$0x3FD9]  }
0x89: {  	s3 =	sld [smem:$0x3FFE];
	_ =	sdelay $0x1  }
0x8a: {  	s1 =	srdreg.scid  }
0x8b: {  	s0 =	sand.u32 $0x1, s1  }
0x8c: {  	s17 =	sshll.u32 s0, $0xA;
	s2 =	sadd.s32 s3, s2  }
0x8d: {  	s2 =	sadd.s32 s2, s17  }
0x8e: {  	[smem:$0x3FC7] =	sst s2  }
0x8f: {  	_ = 	snop  }
0x90: {  	s2 =	sld [smem:$0x3FD0];
	(tm) =	ssettm $0x1  }
0x91: {  	s18 =	sld [smem:$0x3FFB];
	_ =	sdelay $0x3  }
0x92: {  	_ =	strace s18  }
0x93: {  	s3 =	sld [smem:$0x3FFC];
	_ =	sdelay $0x3  }
0x94: {  	_ =	strace s3  }
0x95: {  	s3 =	sld [smem:$0x3FFD];
	_ =	sdelay $0x3  }
0x96: {  	_ =	strace s3  }
0x97: {  	_ =	strace $0x8FFFFFFF  }
0x98: {  	s19 =	sld [smem:$0x3FDB];
	_ =	sdelay $0x1  }
0x99: {  	s4 =	simm.s32 $_scs_section_size  }
0x9a: {  	s5 =	simm.s32 $_size__tile_overlayer_lowered;
	s6 =	simm.s32 $_tile_overlayer_lowered  }
0x9b: {  	s22 =	simm.s32 $0x1BFF;
	s21 =	sshll.u32 s6, $0x1;
	s3 =	sadd.s32 s4, s19  }
0x9c: {  	s7 =	simm.s32 $0x0;
	s20 =	sshll.u32 s5, $0x1;
	s5 =	sadd.s32 s21, s3  }
0x9d: {  	[timem:s7], [sflag:s22] =	dma.local [hbm:s5], s20  }
0x9e: {  	_ =	swait.ge [sflag:s22], s20  }
0x9f: {  	s4 =	ssub.s32 $0x0, s20;
	[sflag:s22] =	ssyncset.done $0x0  }
0xa0: {  	[sflag:s22] =	ssyncadd.s32 s4;
	_ =	sdelay $0x1  }
0xa1: {  	s23 =	simm.s32 $0x1B8B  }
0xa2: {  	_ =	swait.ge [sflag:s23], $0x1  }
0xa3: {  	[sflag:s23] =	ssyncset.done $0x0  }
0xa4: {  	s25 =	simm.s32 $0x1B8E;
	s24 =	sld [smem:$0x3FFE];
	[sflag:s23] =	ssyncadd.s32 $0xFFFFFFFF  }
0xa5: {  	s26 =	simm.s32 $execute0_lowered;
	[smem:$0x3FD2] =	sst s25  }
0xa6: {  	s5 =	sshll.u32 s26, $0x1;
	_ =	strace $0x80000046;
	[dreg:$0x1] =	wrdreg $0xFFFFFFFF  }
0xa7: {  	s28 =	simm.s32 $_size_execute0_lowered;
	s3 =	sadd.s32 s3, s5;
	[dreg:$0x0] =	wrdreg $0x0  }
0xa8: {  	s5 =	sshll.u32 s28, $0x1;
	[dreg:$0x2] =	wrdreg s3  }
0xa9: {  	[dreg:$0x3] =	wrdreg s5  }
0xaa: {  	[dreg:$0x4] =	wrdreg $0xC0  }
0xab: {  	_ =	task [dreg:s7], $0x5FFFF  }
0xac: {  	[dreg:$0x1] =	wrdreg $0xFFFFFFFF  }
0xad: {  	[dreg:$0x0] =	wrdreg $0x60  }
0xae: {  	[dreg:$0x2] =	wrdreg s24  }
0xaf: {  	[dreg:$0x3] =	wrdreg s2  }
0xb0: {  	[dreg:$0x4] =	wrdreg $0x9  }
0xb1: {  	_ =	task.clear_ibuf [dreg:s7], $0x5FFFF;
	_ =	strace $0x90000046  }
0xb2: {  	s29 =	simm.s32 $0x9;
	_ =	strace $0x80000048  }
0xb3: {  	_ =	swait.ge [sflag:s29], $0x1  }
0xb4: {  	[sflag:s29] =	ssyncadd.s32 $0xFFFFFFFF  }
0xb5: {  	_ =	strace $0x90000048  }
0xb6: {  	_ =	sfence  }
0xb7: {  	s30 =	sld [smem:$0x0];
	_ =	sdelay $0x2  }
0xb8: {  	s31 =	sshll.u32 s1, $0xD;
	s1 =	sshrl.u32 s1, $0x2  }
0xb9: {  	s3 =	sand.u32 $0x4000, s31;
	s1 =	sadd.s32 s1, s30  }
0xba: {  	s0 =	sor.u32 s3, s0;
	s1 =	sshll.u32 s1, $0x11  }
0xbb: {  	s0 =	sor.u32 s1, s0  }
0xbc: {  	s0 =	sadd.s32 $0x8F2B, s0  }
0xbd: {  	[sflag:s0] =	ssyncadd.remote.s32 $0x1  }
0xbe: {  	_ =	sfence.sel $0xFFFF  }
0xbf: {  	[dreg:$0x0] =	wrdreg $0xFFFFFFFF;
	(pc) =	sbr.abs _section_cstart, $3  }
0xc0: {  	[dreg:$0x1] =	wrdreg $0xFFFFFFFF  }
0xc1: {  	_ =	task.clear_ibuf [dreg:s7], $0x2FFFF;
	_ =	strace $0x9FFFFFFF  }
0xc2: {  	(tm) =	ssettm $0x7FFFFFFF  }
0xc3: {  	_ =	shalt  }
tec
execute0_lowered:
.L_overlay_start_1:
0x0: {  	(tag) =	ssettag $0x1  }
0x1: {  	s1 =	srdreg.scid;
	s2 =	stileid.u32  }
0x2: {  	s1 =	sand.u32 $0x1, s1;
	s4 =	sshll.u32 s2, $0x1  }
0x3: {  	s4 =	sor.u32 s1, s4  }
0x4: {  	s5 =	smul.u32 $0x640000, s4  }
0x5: {  	s0 =	rddreg [dreg:$0x0]  }
0x6: {  	s3 =	rddreg [dreg:$0x1];
	s2 =	simm.s32 $0x0;
	s5 =	sshrl.u32 s5, $0x3  }
0x7: {  	s0 =	sadd.s32 $0x400, s0;
	[smem:$0x7FF] =	sst s2;
	s12 =	sadd.s32 s3, s5  }
0x8: {  	_ =	strace $0x80000047;
	[dreg:$0x3] =	wrdreg s0;
	s11 =	sadd.s32 $0x8000, s12  }
0x9: {  	s13 =	sadd.s32 $0xA000, s12;
	[dreg:$0x4] =	wrdreg s11  }
0xa: {  	s14 =	sadd.s32 $0xC000, s12;
	[dreg:$0x5] =	wrdreg s13  }
0xb: {  	s15 =	sadd.s32 $0xE000, s12;
	[dreg:$0x6] =	wrdreg s14  }
0xc: {  	s17 =	sadd.s32 $0x10000, s12;
	[dreg:$0x7] =	wrdreg s15  }
0xd: {  	s18 =	sadd.s32 $0x12000, s12;
	[dreg:$0x8] =	wrdreg s17  }
0xe: {  	s19 =	sadd.s32 $0x14000, s12;
	[dreg:$0x9] =	wrdreg s18  }
0xf: {  	s20 =	sadd.s32 $0x16000, s12;
	[dreg:$0xa] =	wrdreg s19  }
0x10: {  	s21 =	sadd.s32 $0x18000, s12;
	[dreg:$0xb] =	wrdreg s20  }
0x11: {  	s22 =	sadd.s32 $0x1A000, s12;
	[dreg:$0xc] =	wrdreg s21  }
0x12: {  	s23 =	sadd.s32 $0x1C000, s12;
	[dreg:$0xd] =	wrdreg s22  }
0x13: {  	s1 =	ssub.s32 $0x2, s1;
	s24 =	sadd.s32 $0x1E000, s12;
	[dreg:$0xe] =	wrdreg s23  }
0x14: {  	s6 =	sshrl.u32 s1, $0x1;
	s25 =	sadd.s32 $0x20000, s12;
	[dreg:$0xf] =	wrdreg s24  }
0x15: {  	s7 =	smul.u32 $0xC8000, s4;
	s26 =	sadd.s32 $0x22000, s12;
	[dreg:$0x10] =	wrdreg s25  }
0x16: {  	s4 =	ssub.s32 s1, s6;
	s1 =	sadd.s32 $0x24000, s12;
	[dreg:$0x11] =	wrdreg s26  }
0x17: {  	s16 =	sadd.s32 s3, s7;
	s3 =	sadd.s32 $0x26000, s12;
	[dreg:$0x12] =	wrdreg s1  }
0x18: {  	s5 =	sadd.s32 $0x28000, s12;
	[dreg:$0x13] =	wrdreg s3  }
0x19: {  	s6 =	sadd.s32 $0x2A000, s12;
	[dreg:$0x14] =	wrdreg s5  }
0x1a: {  	s7 =	sadd.s32 $0x2C000, s12;
	[dreg:$0x15] =	wrdreg s6  }
0x1b: {  	s8 =	sadd.s32 $0x2E000, s12;
	[dreg:$0x16] =	wrdreg s7  }
0x1c: {  	s9 =	sadd.s32 $0x30000, s12;
	[dreg:$0x17] =	wrdreg s8  }
0x1d: {  	s10 =	sadd.s32 $0x32000, s12;
	[dreg:$0x18] =	wrdreg s9  }
0x1e: {  	[dreg:$0x19] =	wrdreg s10;
	s11 =	sadd.s32 $0x34000, s12  }
0x1f: {  	s13 =	sadd.s32 $0x36000, s12;
	[dreg:$0x1a] =	wrdreg s11  }
0x20: {  	s14 =	sadd.s32 $0x38000, s12;
	[dreg:$0x1b] =	wrdreg s13  }
0x21: {  	s15 =	sadd.s32 $0x3A000, s12;
	[dreg:$0x1c] =	wrdreg s14  }
0x22: {  	s17 =	sadd.s32 $0x3C000, s12;
	[dreg:$0x1d] =	wrdreg s15  }
0x23: {  	s18 =	sadd.s32 $0x3E000, s12;
	[dreg:$0x1e] =	wrdreg s17  }
0x24: {  	s19 =	sadd.s32 $0x40000, s12;
	[dreg:$0x1f] =	wrdreg s18  }
0x25: {  	s20 =	sadd.s32 $0x42000, s12;
	[smem:$0x7CA] =	sst s19  }
0x26: {  	s21 =	sadd.s32 $0x44000, s12;
	[smem:$0x7CB] =	sst s20  }
0x27: {  	s22 =	sadd.s32 $0x46000, s12;
	[smem:$0x7CC] =	sst s21  }
0x28: {  	s23 =	sadd.s32 $0x48000, s12;
	[smem:$0x7CD] =	sst s22  }
0x29: {  	s24 =	sadd.s32 $0x4A000, s12;
	[smem:$0x7CE] =	sst s23  }
0x2a: {  	s25 =	sadd.s32 $0x4C000, s12;
	[smem:$0x7CF] =	sst s24  }
0x2b: {  	s26 =	sadd.s32 $0x4E000, s12;
	[smem:$0x7D0] =	sst s25  }
0x2c: {  	s1 =	sadd.s32 $0x50000, s12;
	[smem:$0x7D1] =	sst s26  }
0x2d: {  	s3 =	sadd.s32 $0x52000, s12;
	[smem:$0x7D2] =	sst s1  }
0x2e: {  	s5 =	sadd.s32 $0x54000, s12;
	[smem:$0x7D3] =	sst s3  }
0x2f: {  	s6 =	sadd.s32 $0x56000, s12;
	[smem:$0x7D4] =	sst s5  }
0x30: {  	s7 =	sadd.s32 $0x58000, s12;
	[smem:$0x7D5] =	sst s6  }
0x31: {  	s8 =	sadd.s32 $0x5A000, s12;
	[smem:$0x7D6] =	sst s7  }
0x32: {  	s9 =	sadd.s32 $0x5C000, s12;
	[smem:$0x7D7] =	sst s8  }
0x33: {  	s10 =	sadd.s32 $0x5E000, s12;
	[smem:$0x7D8] =	sst s9  }
0x34: {  	[smem:$0x7D9] =	sst s10;
	s11 =	sadd.s32 $0x60000, s12  }
0x35: {  	s13 =	sadd.s32 $0x62000, s12;
	[smem:$0x7DA] =	sst s11  }
0x36: {  	s14 =	sadd.s32 $0x64000, s12;
	[smem:$0x7DB] =	sst s13  }
0x37: {  	s15 =	sadd.s32 $0x66000, s12;
	[smem:$0x7DC] =	sst s14  }
0x38: {  	s17 =	sadd.s32 $0x68000, s12;
	[smem:$0x7DD] =	sst s15  }
0x39: {  	s18 =	sadd.s32 $0x6A000, s12;
	[smem:$0x7DE] =	sst s17  }
0x3a: {  	s19 =	sadd.s32 $0x6C000, s12;
	[smem:$0x7DF] =	sst s18  }
0x3b: {  	s20 =	sadd.s32 $0x6E000, s12;
	[smem:$0x7E0] =	sst s19  }
0x3c: {  	s21 =	sadd.s32 $0x70000, s12;
	[smem:$0x7E1] =	sst s20  }
0x3d: {  	s22 =	sadd.s32 $0x72000, s12;
	[smem:$0x7E2] =	sst s21  }
0x3e: {  	s23 =	sadd.s32 $0x74000, s12;
	[smem:$0x7E3] =	sst s22  }
0x3f: {  	s24 =	sadd.s32 $0x76000, s12;
	[smem:$0x7E4] =	sst s23  }
0x40: {  	s25 =	sadd.s32 $0x78000, s12;
	[smem:$0x7E5] =	sst s24  }
0x41: {  	s26 =	sadd.s32 $0x7A000, s12;
	[smem:$0x7E6] =	sst s25  }
0x42: {  	s1 =	sadd.s32 $0x7C000, s12;
	[smem:$0x7E7] =	sst s26  }
0x43: {  	s3 =	sadd.s32 $0x7E000, s12;
	[smem:$0x7E8] =	sst s1  }
0x44: {  	s5 =	sadd.s32 $0x80000, s12;
	[smem:$0x7E9] =	sst s3  }
0x45: {  	s6 =	sadd.s32 $0x82000, s12;
	[smem:$0x7EA] =	sst s5  }
0x46: {  	s7 =	sadd.s32 $0x84000, s12;
	[smem:$0x7EB] =	sst s6  }
0x47: {  	s8 =	sadd.s32 $0x86000, s12;
	[smem:$0x7EC] =	sst s7  }
0x48: {  	s9 =	sadd.s32 $0x88000, s12;
	[smem:$0x7ED] =	sst s8  }
0x49: {  	s10 =	sadd.s32 $0x8A000, s12;
	[smem:$0x7EE] =	sst s9  }
0x4a: {  	[smem:$0x7EF] =	sst s10;
	s11 =	sadd.s32 $0x8C000, s12  }
0x4b: {  	s13 =	sadd.s32 $0x8E000, s12;
	[smem:$0x7F0] =	sst s11  }
0x4c: {  	s14 =	sadd.s32 $0x90000, s12;
	[smem:$0x7F1] =	sst s13  }
0x4d: {  	s28 =	sadd.s32 $0xAA000, s12;
	s15 =	sadd.s32 $0x92000, s12;
	[smem:$0x7F2] =	sst s14  }
0x4e: {  	s29 =	sadd.s32 $0xAC000, s12;
	s17 =	sadd.s32 $0x94000, s12;
	[smem:$0x7F3] =	sst s15  }
0x4f: {  	s30 =	sadd.s32 $0xAE000, s12;
	s18 =	sadd.s32 $0x96000, s12;
	[smem:$0x7F4] =	sst s17  }
0x50: {  	s31 =	sadd.s32 $0xB0000, s12;
	s19 =	sadd.s32 $0x98000, s12;
	[smem:$0x7F5] =	sst s18  }
0x51: {  	s0 =	sadd.s32 $0xB4000, s12;
	s20 =	sadd.s32 $0x9A000, s12;
	[smem:$0x7F6] =	sst s19  }
0x52: {  	s21 =	sadd.s32 $0x9C000, s12;
	s22 =	sadd.s32 $0x9E000, s12;
	[smem:$0x7F7] =	sst s20  }
0x53: {  	s23 =	sadd.s32 $0xA0000, s12;
	s24 =	sadd.s32 $0xA2000, s12;
	[smem:$0x7F8] =	sst s21  }
0x54: {  	s25 =	sadd.s32 $0xA4000, s12;
	s26 =	sadd.s32 $0xA6000, s12;
	[smem:$0x7F9] =	sst s22  }
0x55: {  	s1 =	sadd.s32 $0xB2000, s12;
	s3 =	sadd.s32 $0xB6000, s12;
	[smem:$0x7FA] =	sst s23  }
0x56: {  	s5 =	sadd.s32 $0xB8000, s12;
	s6 =	sadd.s32 $0xBA000, s12;
	[smem:$0x7FB] =	sst s24  }
0x57: {  	s7 =	sadd.s32 $0xBC000, s12;
	s8 =	sadd.s32 $0xBE000, s12;
	[smem:$0x7FC] =	sst s25  }
0x58: {  	s9 =	sadd.s32 $0xC0000, s12;
	s10 =	sadd.s32 $0xC2000, s12;
	[smem:$0x7FD] =	sst s26  }
0x59: {  	s26 =	sadd.s32 $0xA8000, s12;
	s11 =	sadd.s32 $0xC4000, s12;
	s12 =	sadd.s32 $0xC6000, s12  }
0x5a: {  	s13 =	smax.u32 s4, $0x1;
	s14 =	sadd.s32 $0x2000, s16;
	s15 =	sadd.s32 $0x4000, s16  }
0x5b: {  	s25 =	smov.u32 s16;
	s16 =	sadd.s32 $0x6000, s16;
	s17 =	simm.s32 $0x5  }
0x5c: {  	s18 =	simm.s32 $0x80;
	s19 =	simm.s32 $0x1;
	s20 =	simm.s32 $0x2  }
0x5d: {  	s21 =	simm.s32 $0x3;
	s22 =	simm.s32 $0x4;
	s4 =	simm.s32 $0x0  }
.LBB2_1:
0x5e: {  	s23 =	rddreg [dreg:$0x3]  }
0x5f: {  	[tilespmem:s2], [sflag:$0x5] =	stream.linear.gather [hbm4b:s23+s2], $0x80, $0x38;
	[tilespmem:$0x10080] =	vst v63  }
0x60: {  	_ =	swait.ge [sflag:s17], $0x80  }
0x61: {  	[sflag:s17] =	ssyncset.done $0x0  }
0x62: {  	[sflag:s17] =	ssyncadd.s32 $0xFFFFFF80  }
0x63: {  	v0 =	vld [tilespmem:$0x0];
	_ =	sdelay $0x3  }
0x64: {  	s24 =	simm.s32 $0x200;
	s23 =	simm.s32 $0x0  }
.LBB2_2:
0x65: {  	p0 =	sne.s32 s24, $0x3FE00;
	[tilespmem:s23+$0xF0] =	vst v0  }
0x66: {  	[tilespmem:s23+$0x80] =	vst v0  }
0x67: {  	[tilespmem:s23+$0x90] =	vst v0  }
.Ltmp0:
0x68: {  	[tilespmem:s23+$0xA0] =	vst v0;
	(pc) =	sbr.rel @p0 .LBB2_2-.Ltmp0, $4  }
0x69: {  	[tilespmem:s23+$0xB0] =	vst v0  }
0x6a: {  	[tilespmem:s23+$0xC0] =	vst v0  }
0x6b: {  	[tilespmem:s23+$0xD0] =	vst v0  }
0x6c: {  	[tilespmem:s23+$0xE0] =	vst v0;
	s23 =	sshra.s32 s24, $0x2;
	s24 =	sadd.s32 $0x200, s24  }
0x6d: {  	[tilespmem:s23+$0xF0] =	vst v0  }
0x6e: {  	[tilespmem:s23+$0x80] =	vst v0  }
0x6f: {  	[tilespmem:s23+$0x90] =	vst v0  }
0x70: {  	[tilespmem:s23+$0xA0] =	vst v0  }
0x71: {  	[tilespmem:s23+$0xB0] =	vst v0  }
0x72: {  	[tilespmem:s23+$0xC0] =	vst v0  }
0x73: {  	[tilespmem:s23+$0xD0] =	vst v0  }
0x74: {  	[tilespmem:s23+$0xE0] =	vst v0  }
0x75: {  	[hbm4b:s25+s2] =	stream.linear.scatter [tilespmem:s18], [sflag:$0x1], $0x10000, $0x38;
	[tilespmem:$0x10080] =	vst v63  }
0x76: {  	_ = 	snop  }
0x77: {  	[hbm4b:s14+s2] =	stream.linear.scatter [tilespmem:s18], [sflag:$0x2], $0x10000, $0x38;
	[tilespmem:$0x10080] =	vst v63  }
0x78: {  	_ = 	snop  }
0x79: {  	[hbm4b:s15+s2] =	stream.linear.scatter [tilespmem:s18], [sflag:$0x3], $0x10000, $0x38;
	[tilespmem:$0x10080] =	vst v63  }
0x7a: {  	_ = 	snop  }
0x7b: {  	[hbm4b:s16+s2] =	stream.linear.scatter [tilespmem:s18], [sflag:$0x4], $0x10000, $0x38;
	[tilespmem:$0x10080] =	vst v63  }
0x7c: {  	_ =	swait.ge [sflag:s19], $0x10000  }
0x7d: {  	[sflag:s19] =	ssyncset.done $0x0  }
0x7e: {  	s24 =	rddreg [dreg:$0x4];
	[sflag:s19] =	ssyncadd.s32 $0xFFFF0000  }
0x7f: {  	[hbm4b:s24+s2] =	stream.linear.scatter [tilespmem:s18], [sflag:$0x1], $0x10000, $0x38;
	[tilespmem:$0x10080] =	vst v63  }
0x80: {  	_ =	swait.ge [sflag:s20], $0x10000  }
0x81: {  	[sflag:s20] =	ssyncset.done $0x0  }
0x82: {  	s24 =	rddreg [dreg:$0x5];
	[sflag:s20] =	ssyncadd.s32 $0xFFFF0000  }
0x83: {  	[hbm4b:s24+s2] =	stream.linear.scatter [tilespmem:s18], [sflag:$0x2], $0x10000, $0x38;
	[tilespmem:$0x10080] =	vst v63  }
0x84: {  	_ =	swait.ge [sflag:s21], $0x10000  }
0x85: {  	[sflag:s21] =	ssyncset.done $0x0  }
0x86: {  	s24 =	rddreg [dreg:$0x6];
	[sflag:s21] =	ssyncadd.s32 $0xFFFF0000  }
0x87: {  	[hbm4b:s24+s2] =	stream.linear.scatter [tilespmem:s18], [sflag:$0x3], $0x10000, $0x38;
	[tilespmem:$0x10080] =	vst v63  }
0x88: {  	_ =	swait.ge [sflag:s22], $0x10000  }
0x89: {  	[sflag:s22] =	ssyncset.done $0x0  }
0x8a: {  	s24 =	rddreg [dreg:$0x7];
	[sflag:s22] =	ssyncadd.s32 $0xFFFF0000  }
0x8b: {  	[hbm4b:s24+s2] =	stream.linear.scatter [tilespmem:s18], [sflag:$0x4], $0x10000, $0x38;
	[tilespmem:$0x10080] =	vst v63  }
0x8c: {  	_ =	swait.ge [sflag:s19], $0x10000  }
0x8d: {  	[sflag:s19] =	ssyncset.done $0x0  }
0x8e: {  	s24 =	rddreg [dreg:$0x8];
	[sflag:s19] =	ssyncadd.s32 $0xFFFF0000  }
0x8f: {  	[hbm4b:s24+s2] =	stream.linear.scatter [tilespmem:s18], [sflag:$0x1], $0x10000, $0x38;
	[tilespmem:$0x10080] =	vst v63  }
0x90: {  	_ =	swait.ge [sflag:s20], $0x10000  }
0x91: {  	[sflag:s20] =	ssyncset.done $0x0  }
0x92: {  	s24 =	rddreg [dreg:$0x9];
	[sflag:s20] =	ssyncadd.s32 $0xFFFF0000  }
0x93: {  	[hbm4b:s24+s2] =	stream.linear.scatter [tilespmem:s18], [sflag:$0x2], $0x10000, $0x38;
	[tilespmem:$0x10080] =	vst v63  }
0x94: {  	_ =	swait.ge [sflag:s21], $0x10000  }
0x95: {  	[sflag:s21] =	ssyncset.done $0x0  }
0x96: {  	s24 =	rddreg [dreg:$0xa];
	[sflag:s21] =	ssyncadd.s32 $0xFFFF0000  }
0x97: {  	[hbm4b:s24+s2] =	stream.linear.scatter [tilespmem:s18], [sflag:$0x3], $0x10000, $0x38;
	[tilespmem:$0x10080] =	vst v63  }
0x98: {  	_ =	swait.ge [sflag:s22], $0x10000  }
0x99: {  	[sflag:s22] =	ssyncset.done $0x0  }
0x9a: {  	s24 =	rddreg [dreg:$0xb];
	[sflag:s22] =	ssyncadd.s32 $0xFFFF0000  }
0x9b: {  	[hbm4b:s24+s2] =	stream.linear.scatter [tilespmem:s18], [sflag:$0x4], $0x10000, $0x38;
	[tilespmem:$0x10080] =	vst v63  }
0x9c: {  	_ =	swait.ge [sflag:s19], $0x10000  }
0x9d: {  	[sflag:s19] =	ssyncset.done $0x0  }
0x9e: {  	s24 =	rddreg [dreg:$0xc];
	[sflag:s19] =	ssyncadd.s32 $0xFFFF0000  }
0x9f: {  	[hbm4b:s24+s2] =	stream.linear.scatter [tilespmem:s18], [sflag:$0x1], $0x10000, $0x38;
	[tilespmem:$0x10080] =	vst v63  }
0xa0: {  	_ =	swait.ge [sflag:s20], $0x10000  }
0xa1: {  	[sflag:s20] =	ssyncset.done $0x0  }
0xa2: {  	s24 =	rddreg [dreg:$0xd];
	[sflag:s20] =	ssyncadd.s32 $0xFFFF0000  }
0xa3: {  	[hbm4b:s24+s2] =	stream.linear.scatter [tilespmem:s18], [sflag:$0x2], $0x10000, $0x38;
	[tilespmem:$0x10080] =	vst v63  }
0xa4: {  	_ =	swait.ge [sflag:s21], $0x10000  }
0xa5: {  	[sflag:s21] =	ssyncset.done $0x0  }
0xa6: {  	s24 =	rddreg [dreg:$0xe];
	[sflag:s21] =	ssyncadd.s32 $0xFFFF0000  }
0xa7: {  	[hbm4b:s24+s2] =	stream.linear.scatter [tilespmem:s18], [sflag:$0x3], $0x10000, $0x38;
	[tilespmem:$0x10080] =	vst v63  }
0xa8: {  	_ =	swait.ge [sflag:s22], $0x10000  }
0xa9: {  	[sflag:s22] =	ssyncset.done $0x0  }
0xaa: {  	s24 =	rddreg [dreg:$0xf];
	[sflag:s22] =	ssyncadd.s32 $0xFFFF0000  }
0xab: {  	[hbm4b:s24+s2] =	stream.linear.scatter [tilespmem:s18], [sflag:$0x4], $0x10000, $0x38;
	[tilespmem:$0x10080] =	vst v63  }
0xac: {  	_ =	swait.ge [sflag:s19], $0x10000  }
0xad: {  	[sflag:s19] =	ssyncset.done $0x0  }
0xae: {  	s24 =	rddreg [dreg:$0x10];
	[sflag:s19] =	ssyncadd.s32 $0xFFFF0000  }
0xaf: {  	[hbm4b:s24+s2] =	stream.linear.scatter [tilespmem:s18], [sflag:$0x1], $0x10000, $0x38;
	[tilespmem:$0x10080] =	vst v63  }
0xb0: {  	_ =	swait.ge [sflag:s20], $0x10000  }
0xb1: {  	[sflag:s20] =	ssyncset.done $0x0  }
0xb2: {  	s24 =	rddreg [dreg:$0x11];
	[sflag:s20] =	ssyncadd.s32 $0xFFFF0000  }
0xb3: {  	[hbm4b:s24+s2] =	stream.linear.scatter [tilespmem:s18], [sflag:$0x2], $0x10000, $0x38;
	[tilespmem:$0x10080] =	vst v63  }
0xb4: {  	_ =	swait.ge [sflag:s21], $0x10000  }
0xb5: {  	[sflag:s21] =	ssyncset.done $0x0  }
0xb6: {  	s24 =	rddreg [dreg:$0x12];
	[sflag:s21] =	ssyncadd.s32 $0xFFFF0000  }
0xb7: {  	[hbm4b:s24+s2] =	stream.linear.scatter [tilespmem:s18], [sflag:$0x3], $0x10000, $0x38;
	[tilespmem:$0x10080] =	vst v63  }
0xb8: {  	_ =	swait.ge [sflag:s22], $0x10000  }
0xb9: {  	[sflag:s22] =	ssyncset.done $0x0  }
0xba: {  	s24 =	rddreg [dreg:$0x13];
	[sflag:s22] =	ssyncadd.s32 $0xFFFF0000  }
0xbb: {  	[hbm4b:s24+s2] =	stream.linear.scatter [tilespmem:s18], [sflag:$0x4], $0x10000, $0x38;
	[tilespmem:$0x10080] =	vst v63  }
0xbc: {  	_ =	swait.ge [sflag:s19], $0x10000  }
0xbd: {  	[sflag:s19] =	ssyncset.done $0x0  }
0xbe: {  	s24 =	rddreg [dreg:$0x14];
	[sflag:s19] =	ssyncadd.s32 $0xFFFF0000  }
0xbf: {  	[hbm4b:s24+s2] =	stream.linear.scatter [tilespmem:s18], [sflag:$0x1], $0x10000, $0x38;
	[tilespmem:$0x10080] =	vst v63  }
0xc0: {  	_ =	swait.ge [sflag:s20], $0x10000  }
0xc1: {  	[sflag:s20] =	ssyncset.done $0x0  }
0xc2: {  	s24 =	rddreg [dreg:$0x15];
	[sflag:s20] =	ssyncadd.s32 $0xFFFF0000  }
0xc3: {  	[hbm4b:s24+s2] =	stream.linear.scatter [tilespmem:s18], [sflag:$0x2], $0x10000, $0x38;
	[tilespmem:$0x10080] =	vst v63  }
0xc4: {  	_ =	swait.ge [sflag:s21], $0x10000  }
0xc5: {  	[sflag:s21] =	ssyncset.done $0x0  }
0xc6: {  	s24 =	rddreg [dreg:$0x16];
	[sflag:s21] =	ssyncadd.s32 $0xFFFF0000  }
0xc7: {  	[hbm4b:s24+s2] =	stream.linear.scatter [tilespmem:s18], [sflag:$0x3], $0x10000, $0x38;
	[tilespmem:$0x10080] =	vst v63  }
0xc8: {  	_ =	swait.ge [sflag:s22], $0x10000  }
0xc9: {  	[sflag:s22] =	ssyncset.done $0x0  }
0xca: {  	s24 =	rddreg [dreg:$0x17];
	[sflag:s22] =	ssyncadd.s32 $0xFFFF0000  }
0xcb: {  	[hbm4b:s24+s2] =	stream.linear.scatter [tilespmem:s18], [sflag:$0x4], $0x10000, $0x38;
	[tilespmem:$0x10080] =	vst v63  }
0xcc: {  	_ =	swait.ge [sflag:s19], $0x10000  }
0xcd: {  	[sflag:s19] =	ssyncset.done $0x0  }
0xce: {  	s24 =	rddreg [dreg:$0x18];
	[sflag:s19] =	ssyncadd.s32 $0xFFFF0000  }
0xcf: {  	[hbm4b:s24+s2] =	stream.linear.scatter [tilespmem:s18], [sflag:$0x1], $0x10000, $0x38;
	[tilespmem:$0x10080] =	vst v63  }
0xd0: {  	_ =	swait.ge [sflag:s20], $0x10000  }
0xd1: {  	[sflag:s20] =	ssyncset.done $0x0  }
0xd2: {  	s24 =	rddreg [dreg:$0x19];
	[sflag:s20] =	ssyncadd.s32 $0xFFFF0000  }
0xd3: {  	[hbm4b:s24+s2] =	stream.linear.scatter [tilespmem:s18], [sflag:$0x2], $0x10000, $0x38;
	[tilespmem:$0x10080] =	vst v63  }
0xd4: {  	_ =	swait.ge [sflag:s21], $0x10000  }
0xd5: {  	[sflag:s21] =	ssyncset.done $0x0  }
0xd6: {  	s24 =	rddreg [dreg:$0x1a];
	[sflag:s21] =	ssyncadd.s32 $0xFFFF0000  }
0xd7: {  	[hbm4b:s24+s2] =	stream.linear.scatter [tilespmem:s18], [sflag:$0x3], $0x10000, $0x38;
	[tilespmem:$0x10080] =	vst v63  }
0xd8: {  	_ =	swait.ge [sflag:s22], $0x10000  }
0xd9: {  	[sflag:s22] =	ssyncset.done $0x0  }
0xda: {  	s24 =	rddreg [dreg:$0x1b];
	[sflag:s22] =	ssyncadd.s32 $0xFFFF0000  }
0xdb: {  	[hbm4b:s24+s2] =	stream.linear.scatter [tilespmem:s18], [sflag:$0x4], $0x10000, $0x38;
	[tilespmem:$0x10080] =	vst v63  }
0xdc: {  	_ =	swait.ge [sflag:s19], $0x10000  }
0xdd: {  	[sflag:s19] =	ssyncset.done $0x0  }
0xde: {  	s24 =	rddreg [dreg:$0x1c];
	[sflag:s19] =	ssyncadd.s32 $0xFFFF0000  }
0xdf: {  	[hbm4b:s24+s2] =	stream.linear.scatter [tilespmem:s18], [sflag:$0x1], $0x10000, $0x38;
	[tilespmem:$0x10080] =	vst v63  }
0xe0: {  	_ =	swait.ge [sflag:s20], $0x10000  }
0xe1: {  	[sflag:s20] =	ssyncset.done $0x0  }
0xe2: {  	s24 =	rddreg [dreg:$0x1d];
	[sflag:s20] =	ssyncadd.s32 $0xFFFF0000  }
0xe3: {  	[hbm4b:s24+s2] =	stream.linear.scatter [tilespmem:s18], [sflag:$0x2], $0x10000, $0x38;
	[tilespmem:$0x10080] =	vst v63  }
0xe4: {  	_ =	swait.ge [sflag:s21], $0x10000  }
0xe5: {  	[sflag:s21] =	ssyncset.done $0x0  }
0xe6: {  	s24 =	rddreg [dreg:$0x1e];
	[sflag:s21] =	ssyncadd.s32 $0xFFFF0000  }
0xe7: {  	[hbm4b:s24+s2] =	stream.linear.scatter [tilespmem:s18], [sflag:$0x3], $0x10000, $0x38;
	[tilespmem:$0x10080] =	vst v63  }
0xe8: {  	_ =	swait.ge [sflag:s22], $0x10000  }
0xe9: {  	[sflag:s22] =	ssyncset.done $0x0  }
0xea: {  	s24 =	rddreg [dreg:$0x1f];
	[sflag:s22] =	ssyncadd.s32 $0xFFFF0000  }
0xeb: {  	[hbm4b:s24+s2] =	stream.linear.scatter [tilespmem:s18], [sflag:$0x4], $0x10000, $0x38;
	[tilespmem:$0x10080] =	vst v63  }
0xec: {  	_ =	swait.ge [sflag:s19], $0x10000  }
0xed: {  	s24 =	sld [smem:$0x7CA]  }
0xee: {  	[sflag:s19] =	ssyncset.done $0x0  }
0xef: {  	[sflag:s19] =	ssyncadd.s32 $0xFFFF0000  }
0xf0: {  	[hbm4b:s24+s2] =	stream.linear.scatter [tilespmem:s18], [sflag:$0x1], $0x10000, $0x38;
	[tilespmem:$0x10080] =	vst v63  }
0xf1: {  	_ =	swait.ge [sflag:s20], $0x10000  }
0xf2: {  	s24 =	sld [smem:$0x7CB]  }
0xf3: {  	[sflag:s20] =	ssyncset.done $0x0  }
0xf4: {  	[sflag:s20] =	ssyncadd.s32 $0xFFFF0000  }
0xf5: {  	[hbm4b:s24+s2] =	stream.linear.scatter [tilespmem:s18], [sflag:$0x2], $0x10000, $0x38;
	[tilespmem:$0x10080] =	vst v63  }
0xf6: {  	_ =	swait.ge [sflag:s21], $0x10000  }
0xf7: {  	s24 =	sld [smem:$0x7CC]  }
0xf8: {  	[sflag:s21] =	ssyncset.done $0x0  }
0xf9: {  	[sflag:s21] =	ssyncadd.s32 $0xFFFF0000  }
0xfa: {  	[hbm4b:s24+s2] =	stream.linear.scatter [tilespmem:s18], [sflag:$0x3], $0x10000, $0x38;
	[tilespmem:$0x10080] =	vst v63  }
0xfb: {  	_ =	swait.ge [sflag:s22], $0x10000  }
0xfc: {  	s24 =	sld [smem:$0x7CD]  }
0xfd: {  	[sflag:s22] =	ssyncset.done $0x0  }
0xfe: {  	[sflag:s22] =	ssyncadd.s32 $0xFFFF0000  }
0xff: {  	[hbm4b:s24+s2] =	stream.linear.scatter [tilespmem:s18], [sflag:$0x4], $0x10000, $0x38;
	[tilespmem:$0x10080] =	vst v63  }
0x100: {  	_ =	swait.ge [sflag:s19], $0x10000  }
0x101: {  	s24 =	sld [smem:$0x7CE]  }
0x102: {  	[sflag:s19] =	ssyncset.done $0x0  }
0x103: {  	[sflag:s19] =	ssyncadd.s32 $0xFFFF0000  }
0x104: {  	[hbm4b:s24+s2] =	stream.linear.scatter [tilespmem:s18], [sflag:$0x1], $0x10000, $0x38;
	[tilespmem:$0x10080] =	vst v63  }
0x105: {  	_ =	swait.ge [sflag:s20], $0x10000  }
0x106: {  	s24 =	sld [smem:$0x7CF]  }
0x107: {  	[sflag:s20] =	ssyncset.done $0x0  }
0x108: {  	[sflag:s20] =	ssyncadd.s32 $0xFFFF0000  }
0x109: {  	[hbm4b:s24+s2] =	stream.linear.scatter [tilespmem:s18], [sflag:$0x2], $0x10000, $0x38;
	[tilespmem:$0x10080] =	vst v63  }
0x10a: {  	_ =	swait.ge [sflag:s21], $0x10000  }
0x10b: {  	s24 =	sld [smem:$0x7D0]  }
0x10c: {  	[sflag:s21] =	ssyncset.done $0x0  }
0x10d: {  	[sflag:s21] =	ssyncadd.s32 $0xFFFF0000  }
0x10e: {  	[hbm4b:s24+s2] =	stream.linear.scatter [tilespmem:s18], [sflag:$0x3], $0x10000, $0x38;
	[tilespmem:$0x10080] =	vst v63  }
0x10f: {  	_ =	swait.ge [sflag:s22], $0x10000  }
0x110: {  	s24 =	sld [smem:$0x7D1]  }
0x111: {  	[sflag:s22] =	ssyncset.done $0x0  }
0x112: {  	[sflag:s22] =	ssyncadd.s32 $0xFFFF0000  }
0x113: {  	[hbm4b:s24+s2] =	stream.linear.scatter [tilespmem:s18], [sflag:$0x4], $0x10000, $0x38;
	[tilespmem:$0x10080] =	vst v63  }
0x114: {  	_ =	swait.ge [sflag:s19], $0x10000  }
0x115: {  	s24 =	sld [smem:$0x7D2]  }
0x116: {  	[sflag:s19] =	ssyncset.done $0x0  }
0x117: {  	[sflag:s19] =	ssyncadd.s32 $0xFFFF0000  }
0x118: {  	[hbm4b:s24+s2] =	stream.linear.scatter [tilespmem:s18], [sflag:$0x1], $0x10000, $0x38;
	[tilespmem:$0x10080] =	vst v63  }
0x119: {  	_ =	swait.ge [sflag:s20], $0x10000  }
0x11a: {  	s24 =	sld [smem:$0x7D3]  }
0x11b: {  	[sflag:s20] =	ssyncset.done $0x0  }
0x11c: {  	[sflag:s20] =	ssyncadd.s32 $0xFFFF0000  }
0x11d: {  	[hbm4b:s24+s2] =	stream.linear.scatter [tilespmem:s18], [sflag:$0x2], $0x10000, $0x38;
	[tilespmem:$0x10080] =	vst v63  }
0x11e: {  	_ =	swait.ge [sflag:s21], $0x10000  }
0x11f: {  	s24 =	sld [smem:$0x7D4]  }
0x120: {  	[sflag:s21] =	ssyncset.done $0x0  }
0x121: {  	[sflag:s21] =	ssyncadd.s32 $0xFFFF0000  }
0x122: {  	[hbm4b:s24+s2] =	stream.linear.scatter [tilespmem:s18], [sflag:$0x3], $0x10000, $0x38;
	[tilespmem:$0x10080] =	vst v63  }
0x123: {  	_ =	swait.ge [sflag:s22], $0x10000  }
0x124: {  	s24 =	sld [smem:$0x7D5]  }
0x125: {  	[sflag:s22] =	ssyncset.done $0x0  }
0x126: {  	[sflag:s22] =	ssyncadd.s32 $0xFFFF0000  }
0x127: {  	[hbm4b:s24+s2] =	stream.linear.scatter [tilespmem:s18], [sflag:$0x4], $0x10000, $0x38;
	[tilespmem:$0x10080] =	vst v63  }
0x128: {  	_ =	swait.ge [sflag:s19], $0x10000  }
0x129: {  	s24 =	sld [smem:$0x7D6]  }
0x12a: {  	[sflag:s19] =	ssyncset.done $0x0  }
0x12b: {  	[sflag:s19] =	ssyncadd.s32 $0xFFFF0000  }
0x12c: {  	[hbm4b:s24+s2] =	stream.linear.scatter [tilespmem:s18], [sflag:$0x1], $0x10000, $0x38;
	[tilespmem:$0x10080] =	vst v63  }
0x12d: {  	_ =	swait.ge [sflag:s20], $0x10000  }
0x12e: {  	s24 =	sld [smem:$0x7D7]  }
0x12f: {  	[sflag:s20] =	ssyncset.done $0x0  }
0x130: {  	[sflag:s20] =	ssyncadd.s32 $0xFFFF0000  }
0x131: {  	[hbm4b:s24+s2] =	stream.linear.scatter [tilespmem:s18], [sflag:$0x2], $0x10000, $0x38;
	[tilespmem:$0x10080] =	vst v63  }
0x132: {  	_ =	swait.ge [sflag:s21], $0x10000  }
0x133: {  	s24 =	sld [smem:$0x7D8]  }
0x134: {  	[sflag:s21] =	ssyncset.done $0x0  }
0x135: {  	[sflag:s21] =	ssyncadd.s32 $0xFFFF0000  }
0x136: {  	[hbm4b:s24+s2] =	stream.linear.scatter [tilespmem:s18], [sflag:$0x3], $0x10000, $0x38;
	[tilespmem:$0x10080] =	vst v63  }
0x137: {  	_ =	swait.ge [sflag:s22], $0x10000  }
0x138: {  	s24 =	sld [smem:$0x7D9]  }
0x139: {  	[sflag:s22] =	ssyncset.done $0x0  }
0x13a: {  	[sflag:s22] =	ssyncadd.s32 $0xFFFF0000  }
0x13b: {  	[hbm4b:s24+s2] =	stream.linear.scatter [tilespmem:s18], [sflag:$0x4], $0x10000, $0x38;
	[tilespmem:$0x10080] =	vst v63  }
0x13c: {  	_ =	swait.ge [sflag:s19], $0x10000  }
0x13d: {  	s24 =	sld [smem:$0x7DA]  }
0x13e: {  	[sflag:s19] =	ssyncset.done $0x0  }
0x13f: {  	[sflag:s19] =	ssyncadd.s32 $0xFFFF0000  }
0x140: {  	[hbm4b:s24+s2] =	stream.linear.scatter [tilespmem:s18], [sflag:$0x1], $0x10000, $0x38;
	[tilespmem:$0x10080] =	vst v63  }
0x141: {  	_ =	swait.ge [sflag:s20], $0x10000  }
0x142: {  	s24 =	sld [smem:$0x7DB]  }
0x143: {  	[sflag:s20] =	ssyncset.done $0x0  }
0x144: {  	[sflag:s20] =	ssyncadd.s32 $0xFFFF0000  }
0x145: {  	[hbm4b:s24+s2] =	stream.linear.scatter [tilespmem:s18], [sflag:$0x2], $0x10000, $0x38;
	[tilespmem:$0x10080] =	vst v63  }
0x146: {  	_ =	swait.ge [sflag:s21], $0x10000  }
0x147: {  	s24 =	sld [smem:$0x7DC]  }
0x148: {  	[sflag:s21] =	ssyncset.done $0x0  }
0x149: {  	[sflag:s21] =	ssyncadd.s32 $0xFFFF0000  }
0x14a: {  	[hbm4b:s24+s2] =	stream.linear.scatter [tilespmem:s18], [sflag:$0x3], $0x10000, $0x38;
	[tilespmem:$0x10080] =	vst v63  }
0x14b: {  	_ =	swait.ge [sflag:s22], $0x10000  }
0x14c: {  	s24 =	sld [smem:$0x7DD]  }
0x14d: {  	[sflag:s22] =	ssyncset.done $0x0  }
0x14e: {  	[sflag:s22] =	ssyncadd.s32 $0xFFFF0000  }
0x14f: {  	[hbm4b:s24+s2] =	stream.linear.scatter [tilespmem:s18], [sflag:$0x4], $0x10000, $0x38;
	[tilespmem:$0x10080] =	vst v63  }
0x150: {  	_ =	swait.ge [sflag:s19], $0x10000  }
0x151: {  	s24 =	sld [smem:$0x7DE]  }
0x152: {  	[sflag:s19] =	ssyncset.done $0x0  }
0x153: {  	[sflag:s19] =	ssyncadd.s32 $0xFFFF0000  }
0x154: {  	[hbm4b:s24+s2] =	stream.linear.scatter [tilespmem:s18], [sflag:$0x1], $0x10000, $0x38;
	[tilespmem:$0x10080] =	vst v63  }
0x155: {  	_ =	swait.ge [sflag:s20], $0x10000  }
0x156: {  	s24 =	sld [smem:$0x7DF]  }
0x157: {  	[sflag:s20] =	ssyncset.done $0x0  }
0x158: {  	[sflag:s20] =	ssyncadd.s32 $0xFFFF0000  }
0x159: {  	[hbm4b:s24+s2] =	stream.linear.scatter [tilespmem:s18], [sflag:$0x2], $0x10000, $0x38;
	[tilespmem:$0x10080] =	vst v63  }
0x15a: {  	_ =	swait.ge [sflag:s21], $0x10000  }
0x15b: {  	s24 =	sld [smem:$0x7E0]  }
0x15c: {  	[sflag:s21] =	ssyncset.done $0x0  }
0x15d: {  	[sflag:s21] =	ssyncadd.s32 $0xFFFF0000  }
0x15e: {  	[hbm4b:s24+s2] =	stream.linear.scatter [tilespmem:s18], [sflag:$0x3], $0x10000, $0x38;
	[tilespmem:$0x10080] =	vst v63  }
0x15f: {  	_ =	swait.ge [sflag:s22], $0x10000  }
0x160: {  	s24 =	sld [smem:$0x7E1]  }
0x161: {  	[sflag:s22] =	ssyncset.done $0x0  }
0x162: {  	[sflag:s22] =	ssyncadd.s32 $0xFFFF0000  }
0x163: {  	[hbm4b:s24+s2] =	stream.linear.scatter [tilespmem:s18], [sflag:$0x4], $0x10000, $0x38;
	[tilespmem:$0x10080] =	vst v63  }
0x164: {  	_ =	swait.ge [sflag:s19], $0x10000  }
0x165: {  	s24 =	sld [smem:$0x7E2]  }
0x166: {  	[sflag:s19] =	ssyncset.done $0x0  }
0x167: {  	[sflag:s19] =	ssyncadd.s32 $0xFFFF0000  }
0x168: {  	[hbm4b:s24+s2] =	stream.linear.scatter [tilespmem:s18], [sflag:$0x1], $0x10000, $0x38;
	[tilespmem:$0x10080] =	vst v63  }
0x169: {  	_ =	swait.ge [sflag:s20], $0x10000  }
0x16a: {  	s24 =	sld [smem:$0x7E3]  }
0x16b: {  	[sflag:s20] =	ssyncset.done $0x0  }
0x16c: {  	[sflag:s20] =	ssyncadd.s32 $0xFFFF0000  }
0x16d: {  	[hbm4b:s24+s2] =	stream.linear.scatter [tilespmem:s18], [sflag:$0x2], $0x10000, $0x38;
	[tilespmem:$0x10080] =	vst v63  }
0x16e: {  	_ =	swait.ge [sflag:s21], $0x10000  }
0x16f: {  	s24 =	sld [smem:$0x7E4]  }
0x170: {  	[sflag:s21] =	ssyncset.done $0x0  }
0x171: {  	[sflag:s21] =	ssyncadd.s32 $0xFFFF0000  }
0x172: {  	[hbm4b:s24+s2] =	stream.linear.scatter [tilespmem:s18], [sflag:$0x3], $0x10000, $0x38;
	[tilespmem:$0x10080] =	vst v63  }
0x173: {  	_ =	swait.ge [sflag:s22], $0x10000  }
0x174: {  	s24 =	sld [smem:$0x7E5]  }
0x175: {  	[sflag:s22] =	ssyncset.done $0x0  }
0x176: {  	[sflag:s22] =	ssyncadd.s32 $0xFFFF0000  }
0x177: {  	[hbm4b:s24+s2] =	stream.linear.scatter [tilespmem:s18], [sflag:$0x4], $0x10000, $0x38;
	[tilespmem:$0x10080] =	vst v63  }
0x178: {  	_ =	swait.ge [sflag:s19], $0x10000  }
0x179: {  	s24 =	sld [smem:$0x7E6]  }
0x17a: {  	[sflag:s19] =	ssyncset.done $0x0  }
0x17b: {  	[sflag:s19] =	ssyncadd.s32 $0xFFFF0000  }
0x17c: {  	[hbm4b:s24+s2] =	stream.linear.scatter [tilespmem:s18], [sflag:$0x1], $0x10000, $0x38;
	[tilespmem:$0x10080] =	vst v63  }
0x17d: {  	_ =	swait.ge [sflag:s20], $0x10000  }
0x17e: {  	s24 =	sld [smem:$0x7E7]  }
0x17f: {  	[sflag:s20] =	ssyncset.done $0x0  }
0x180: {  	[sflag:s20] =	ssyncadd.s32 $0xFFFF0000  }
0x181: {  	[hbm4b:s24+s2] =	stream.linear.scatter [tilespmem:s18], [sflag:$0x2], $0x10000, $0x38;
	[tilespmem:$0x10080] =	vst v63  }
0x182: {  	_ =	swait.ge [sflag:s21], $0x10000  }
0x183: {  	s24 =	sld [smem:$0x7E8]  }
0x184: {  	[sflag:s21] =	ssyncset.done $0x0  }
0x185: {  	[sflag:s21] =	ssyncadd.s32 $0xFFFF0000  }
0x186: {  	[hbm4b:s24+s2] =	stream.linear.scatter [tilespmem:s18], [sflag:$0x3], $0x10000, $0x38;
	[tilespmem:$0x10080] =	vst v63  }
0x187: {  	_ =	swait.ge [sflag:s22], $0x10000  }
0x188: {  	s24 =	sld [smem:$0x7E9]  }
0x189: {  	[sflag:s22] =	ssyncset.done $0x0  }
0x18a: {  	[sflag:s22] =	ssyncadd.s32 $0xFFFF0000  }
0x18b: {  	[hbm4b:s24+s2] =	stream.linear.scatter [tilespmem:s18], [sflag:$0x4], $0x10000, $0x38;
	[tilespmem:$0x10080] =	vst v63  }
0x18c: {  	_ =	swait.ge [sflag:s19], $0x10000  }
0x18d: {  	s24 =	sld [smem:$0x7EA]  }
0x18e: {  	[sflag:s19] =	ssyncset.done $0x0  }
0x18f: {  	[sflag:s19] =	ssyncadd.s32 $0xFFFF0000  }
0x190: {  	[hbm4b:s24+s2] =	stream.linear.scatter [tilespmem:s18], [sflag:$0x1], $0x10000, $0x38;
	[tilespmem:$0x10080] =	vst v63  }
0x191: {  	_ =	swait.ge [sflag:s20], $0x10000  }
0x192: {  	s24 =	sld [smem:$0x7EB]  }
0x193: {  	[sflag:s20] =	ssyncset.done $0x0  }
0x194: {  	[sflag:s20] =	ssyncadd.s32 $0xFFFF0000  }
0x195: {  	[hbm4b:s24+s2] =	stream.linear.scatter [tilespmem:s18], [sflag:$0x2], $0x10000, $0x38;
	[tilespmem:$0x10080] =	vst v63  }
0x196: {  	_ =	swait.ge [sflag:s21], $0x10000  }
0x197: {  	s24 =	sld [smem:$0x7EC]  }
0x198: {  	[sflag:s21] =	ssyncset.done $0x0  }
0x199: {  	[sflag:s21] =	ssyncadd.s32 $0xFFFF0000  }
0x19a: {  	[hbm4b:s24+s2] =	stream.linear.scatter [tilespmem:s18], [sflag:$0x3], $0x10000, $0x38;
	[tilespmem:$0x10080] =	vst v63  }
0x19b: {  	_ =	swait.ge [sflag:s22], $0x10000  }
0x19c: {  	s24 =	sld [smem:$0x7ED]  }
0x19d: {  	[sflag:s22] =	ssyncset.done $0x0  }
0x19e: {  	[sflag:s22] =	ssyncadd.s32 $0xFFFF0000  }
0x19f: {  	[hbm4b:s24+s2] =	stream.linear.scatter [tilespmem:s18], [sflag:$0x4], $0x10000, $0x38;
	[tilespmem:$0x10080] =	vst v63  }
0x1a0: {  	_ =	swait.ge [sflag:s19], $0x10000  }
0x1a1: {  	s24 =	sld [smem:$0x7EE]  }
0x1a2: {  	[sflag:s19] =	ssyncset.done $0x0  }
0x1a3: {  	[sflag:s19] =	ssyncadd.s32 $0xFFFF0000  }
0x1a4: {  	[hbm4b:s24+s2] =	stream.linear.scatter [tilespmem:s18], [sflag:$0x1], $0x10000, $0x38;
	[tilespmem:$0x10080] =	vst v63  }
0x1a5: {  	_ =	swait.ge [sflag:s20], $0x10000  }
0x1a6: {  	s24 =	sld [smem:$0x7EF]  }
0x1a7: {  	[sflag:s20] =	ssyncset.done $0x0  }
0x1a8: {  	[sflag:s20] =	ssyncadd.s32 $0xFFFF0000  }
0x1a9: {  	[hbm4b:s24+s2] =	stream.linear.scatter [tilespmem:s18], [sflag:$0x2], $0x10000, $0x38;
	[tilespmem:$0x10080] =	vst v63  }
0x1aa: {  	_ =	swait.ge [sflag:s21], $0x10000  }
0x1ab: {  	s24 =	sld [smem:$0x7F0]  }
0x1ac: {  	[sflag:s21] =	ssyncset.done $0x0  }
0x1ad: {  	[sflag:s21] =	ssyncadd.s32 $0xFFFF0000  }
0x1ae: {  	[hbm4b:s24+s2] =	stream.linear.scatter [tilespmem:s18], [sflag:$0x3], $0x10000, $0x38;
	[tilespmem:$0x10080] =	vst v63  }
0x1af: {  	_ =	swait.ge [sflag:s22], $0x10000  }
0x1b0: {  	s24 =	sld [smem:$0x7F1]  }
0x1b1: {  	[sflag:s22] =	ssyncset.done $0x0  }
0x1b2: {  	[sflag:s22] =	ssyncadd.s32 $0xFFFF0000  }
0x1b3: {  	[hbm4b:s24+s2] =	stream.linear.scatter [tilespmem:s18], [sflag:$0x4], $0x10000, $0x38;
	[tilespmem:$0x10080] =	vst v63  }
0x1b4: {  	_ =	swait.ge [sflag:s19], $0x10000  }
0x1b5: {  	s24 =	sld [smem:$0x7F2]  }
0x1b6: {  	[sflag:s19] =	ssyncset.done $0x0  }
0x1b7: {  	[sflag:s19] =	ssyncadd.s32 $0xFFFF0000  }
0x1b8: {  	[hbm4b:s24+s2] =	stream.linear.scatter [tilespmem:s18], [sflag:$0x1], $0x10000, $0x38;
	[tilespmem:$0x10080] =	vst v63  }
0x1b9: {  	_ =	swait.ge [sflag:s20], $0x10000  }
0x1ba: {  	s24 =	sld [smem:$0x7F3]  }
0x1bb: {  	[sflag:s20] =	ssyncset.done $0x0  }
0x1bc: {  	[sflag:s20] =	ssyncadd.s32 $0xFFFF0000  }
0x1bd: {  	[hbm4b:s24+s2] =	stream.linear.scatter [tilespmem:s18], [sflag:$0x2], $0x10000, $0x38;
	[tilespmem:$0x10080] =	vst v63  }
0x1be: {  	_ =	swait.ge [sflag:s21], $0x10000  }
0x1bf: {  	s24 =	sld [smem:$0x7F4]  }
0x1c0: {  	[sflag:s21] =	ssyncset.done $0x0  }
0x1c1: {  	[sflag:s21] =	ssyncadd.s32 $0xFFFF0000  }
0x1c2: {  	[hbm4b:s24+s2] =	stream.linear.scatter [tilespmem:s18], [sflag:$0x3], $0x10000, $0x38;
	[tilespmem:$0x10080] =	vst v63  }
0x1c3: {  	_ =	swait.ge [sflag:s22], $0x10000  }
0x1c4: {  	s24 =	sld [smem:$0x7F5]  }
0x1c5: {  	[sflag:s22] =	ssyncset.done $0x0  }
0x1c6: {  	[sflag:s22] =	ssyncadd.s32 $0xFFFF0000  }
0x1c7: {  	[hbm4b:s24+s2] =	stream.linear.scatter [tilespmem:s18], [sflag:$0x4], $0x10000, $0x38;
	[tilespmem:$0x10080] =	vst v63  }
0x1c8: {  	_ =	swait.ge [sflag:s19], $0x10000  }
0x1c9: {  	s24 =	sld [smem:$0x7F6]  }
0x1ca: {  	[sflag:s19] =	ssyncset.done $0x0  }
0x1cb: {  	[sflag:s19] =	ssyncadd.s32 $0xFFFF0000  }
0x1cc: {  	[hbm4b:s24+s2] =	stream.linear.scatter [tilespmem:s18], [sflag:$0x1], $0x10000, $0x38;
	[tilespmem:$0x10080] =	vst v63  }
0x1cd: {  	_ =	swait.ge [sflag:s20], $0x10000  }
0x1ce: {  	s24 =	sld [smem:$0x7F7]  }
0x1cf: {  	[sflag:s20] =	ssyncset.done $0x0  }
0x1d0: {  	[sflag:s20] =	ssyncadd.s32 $0xFFFF0000  }
0x1d1: {  	[hbm4b:s24+s2] =	stream.linear.scatter [tilespmem:s18], [sflag:$0x2], $0x10000, $0x38;
	[tilespmem:$0x10080] =	vst v63  }
0x1d2: {  	_ =	swait.ge [sflag:s21], $0x10000  }
0x1d3: {  	s24 =	sld [smem:$0x7F8]  }
0x1d4: {  	[sflag:s21] =	ssyncset.done $0x0  }
0x1d5: {  	[sflag:s21] =	ssyncadd.s32 $0xFFFF0000  }
0x1d6: {  	[hbm4b:s24+s2] =	stream.linear.scatter [tilespmem:s18], [sflag:$0x3], $0x10000, $0x38;
	[tilespmem:$0x10080] =	vst v63  }
0x1d7: {  	_ =	swait.ge [sflag:s22], $0x10000  }
0x1d8: {  	s24 =	sld [smem:$0x7F9]  }
0x1d9: {  	[sflag:s22] =	ssyncset.done $0x0  }
0x1da: {  	[sflag:s22] =	ssyncadd.s32 $0xFFFF0000  }
0x1db: {  	[hbm4b:s24+s2] =	stream.linear.scatter [tilespmem:s18], [sflag:$0x4], $0x10000, $0x38;
	[tilespmem:$0x10080] =	vst v63  }
0x1dc: {  	_ =	swait.ge [sflag:s19], $0x10000  }
0x1dd: {  	s24 =	sld [smem:$0x7FA]  }
0x1de: {  	[sflag:s19] =	ssyncset.done $0x0  }
0x1df: {  	[sflag:s19] =	ssyncadd.s32 $0xFFFF0000  }
0x1e0: {  	[hbm4b:s24+s2] =	stream.linear.scatter [tilespmem:s18], [sflag:$0x1], $0x10000, $0x38;
	[tilespmem:$0x10080] =	vst v63  }
0x1e1: {  	_ =	swait.ge [sflag:s20], $0x10000  }
0x1e2: {  	s24 =	sld [smem:$0x7FB]  }
0x1e3: {  	[sflag:s20] =	ssyncset.done $0x0  }
0x1e4: {  	[sflag:s20] =	ssyncadd.s32 $0xFFFF0000  }
0x1e5: {  	[hbm4b:s24+s2] =	stream.linear.scatter [tilespmem:s18], [sflag:$0x2], $0x10000, $0x38;
	[tilespmem:$0x10080] =	vst v63  }
0x1e6: {  	_ =	swait.ge [sflag:s21], $0x10000  }
0x1e7: {  	s24 =	sld [smem:$0x7FC]  }
0x1e8: {  	[sflag:s21] =	ssyncset.done $0x0  }
0x1e9: {  	[sflag:s21] =	ssyncadd.s32 $0xFFFF0000  }
0x1ea: {  	[hbm4b:s24+s2] =	stream.linear.scatter [tilespmem:s18], [sflag:$0x3], $0x10000, $0x38;
	[tilespmem:$0x10080] =	vst v63  }
0x1eb: {  	_ =	swait.ge [sflag:s22], $0x10000  }
0x1ec: {  	s24 =	sld [smem:$0x7FD]  }
0x1ed: {  	[sflag:s22] =	ssyncset.done $0x0  }
0x1ee: {  	[sflag:s22] =	ssyncadd.s32 $0xFFFF0000  }
0x1ef: {  	[hbm4b:s24+s2] =	stream.linear.scatter [tilespmem:s18], [sflag:$0x4], $0x10000, $0x38;
	[tilespmem:$0x10080] =	vst v63  }
0x1f0: {  	_ =	swait.ge [sflag:s19], $0x10000  }
0x1f1: {  	[sflag:s19] =	ssyncset.done $0x0  }
0x1f2: {  	[sflag:s19] =	ssyncadd.s32 $0xFFFF0000  }
0x1f3: {  	[hbm4b:s26+s2] =	stream.linear.scatter [tilespmem:s18], [sflag:$0x1], $0x10000, $0x38;
	[tilespmem:$0x10080] =	vst v63  }
0x1f4: {  	_ =	swait.ge [sflag:s20], $0x10000  }
0x1f5: {  	[sflag:s20] =	ssyncset.done $0x0  }
0x1f6: {  	[sflag:s20] =	ssyncadd.s32 $0xFFFF0000  }
0x1f7: {  	[hbm4b:s28+s2] =	stream.linear.scatter [tilespmem:s18], [sflag:$0x2], $0x10000, $0x38;
	[tilespmem:$0x10080] =	vst v63  }
0x1f8: {  	_ =	swait.ge [sflag:s21], $0x10000  }
0x1f9: {  	[sflag:s21] =	ssyncset.done $0x0  }
0x1fa: {  	[sflag:s21] =	ssyncadd.s32 $0xFFFF0000  }
0x1fb: {  	[hbm4b:s29+s2] =	stream.linear.scatter [tilespmem:s18], [sflag:$0x3], $0x10000, $0x38;
	[tilespmem:$0x10080] =	vst v63  }
0x1fc: {  	_ =	swait.ge [sflag:s22], $0x10000  }
0x1fd: {  	[sflag:s22] =	ssyncset.done $0x0  }
0x1fe: {  	[sflag:s22] =	ssyncadd.s32 $0xFFFF0000  }
0x1ff: {  	[hbm4b:s30+s2] =	stream.linear.scatter [tilespmem:s18], [sflag:$0x4], $0x10000, $0x38;
	[tilespmem:$0x10080] =	vst v63  }
0x200: {  	_ =	swait.ge [sflag:s19], $0x10000  }
0x201: {  	[sflag:s19] =	ssyncset.done $0x0  }
0x202: {  	[sflag:s19] =	ssyncadd.s32 $0xFFFF0000  }
0x203: {  	[hbm4b:s31+s2] =	stream.linear.scatter [tilespmem:s18], [sflag:$0x1], $0x10000, $0x38;
	[tilespmem:$0x10080] =	vst v63  }
0x204: {  	_ =	swait.ge [sflag:s20], $0x10000  }
0x205: {  	[sflag:s20] =	ssyncset.done $0x0  }
0x206: {  	[sflag:s20] =	ssyncadd.s32 $0xFFFF0000  }
0x207: {  	[hbm4b:s1+s2] =	stream.linear.scatter [tilespmem:s18], [sflag:$0x2], $0x10000, $0x38;
	[tilespmem:$0x10080] =	vst v63  }
0x208: {  	_ =	swait.ge [sflag:s21], $0x10000  }
0x209: {  	[sflag:s21] =	ssyncset.done $0x0  }
0x20a: {  	[sflag:s21] =	ssyncadd.s32 $0xFFFF0000  }
0x20b: {  	[hbm4b:s0+s2] =	stream.linear.scatter [tilespmem:s18], [sflag:$0x3], $0x10000, $0x38;
	[tilespmem:$0x10080] =	vst v63  }
0x20c: {  	_ =	swait.ge [sflag:s22], $0x10000  }
0x20d: {  	[sflag:s22] =	ssyncset.done $0x0  }
0x20e: {  	[sflag:s22] =	ssyncadd.s32 $0xFFFF0000  }
0x20f: {  	[hbm4b:s3+s2] =	stream.linear.scatter [tilespmem:s18], [sflag:$0x4], $0x10000, $0x38;
	[tilespmem:$0x10080] =	vst v63  }
0x210: {  	_ =	swait.ge [sflag:s19], $0x10000  }
0x211: {  	[sflag:s19] =	ssyncset.done $0x0  }
0x212: {  	[sflag:s19] =	ssyncadd.s32 $0xFFFF0000  }
0x213: {  	[hbm4b:s5+s2] =	stream.linear.scatter [tilespmem:s18], [sflag:$0x1], $0x10000, $0x38;
	[tilespmem:$0x10080] =	vst v63  }
0x214: {  	_ =	swait.ge [sflag:s20], $0x10000  }
0x215: {  	[sflag:s20] =	ssyncset.done $0x0  }
0x216: {  	[sflag:s20] =	ssyncadd.s32 $0xFFFF0000  }
0x217: {  	[hbm4b:s6+s2] =	stream.linear.scatter [tilespmem:s18], [sflag:$0x2], $0x10000, $0x38;
	[tilespmem:$0x10080] =	vst v63  }
0x218: {  	_ =	swait.ge [sflag:s21], $0x10000  }
0x219: {  	[sflag:s21] =	ssyncset.done $0x0  }
0x21a: {  	[sflag:s21] =	ssyncadd.s32 $0xFFFF0000  }
0x21b: {  	[hbm4b:s7+s2] =	stream.linear.scatter [tilespmem:s18], [sflag:$0x3], $0x10000, $0x38;
	[tilespmem:$0x10080] =	vst v63  }
0x21c: {  	_ =	swait.ge [sflag:s22], $0x10000  }
0x21d: {  	[sflag:s22] =	ssyncset.done $0x0  }
0x21e: {  	[sflag:s22] =	ssyncadd.s32 $0xFFFF0000  }
0x21f: {  	[hbm4b:s8+s2] =	stream.linear.scatter [tilespmem:s18], [sflag:$0x4], $0x10000, $0x38;
	[tilespmem:$0x10080] =	vst v63  }
0x220: {  	_ =	swait.ge [sflag:s19], $0x10000  }
0x221: {  	[sflag:s19] =	ssyncset.done $0x0  }
0x222: {  	[sflag:s19] =	ssyncadd.s32 $0xFFFF0000  }
0x223: {  	[hbm4b:s9+s2] =	stream.linear.scatter [tilespmem:s18], [sflag:$0x1], $0x10000, $0x38;
	[tilespmem:$0x10080] =	vst v63  }
0x224: {  	_ =	swait.ge [sflag:s20], $0x10000  }
0x225: {  	[sflag:s20] =	ssyncset.done $0x0  }
0x226: {  	[sflag:s20] =	ssyncadd.s32 $0xFFFF0000  }
0x227: {  	[hbm4b:s10+s2] =	stream.linear.scatter [tilespmem:s18], [sflag:$0x2], $0x10000, $0x38;
	[tilespmem:$0x10080] =	vst v63  }
0x228: {  	_ =	swait.ge [sflag:s21], $0x10000  }
0x229: {  	[sflag:s21] =	ssyncset.done $0x0  }
0x22a: {  	[sflag:s21] =	ssyncadd.s32 $0xFFFF0000  }
0x22b: {  	[hbm4b:s11+s2] =	stream.linear.scatter [tilespmem:s18], [sflag:$0x3], $0x10000, $0x38;
	[tilespmem:$0x10080] =	vst v63  }
0x22c: {  	_ =	swait.ge [sflag:s22], $0x10000  }
0x22d: {  	[sflag:s22] =	ssyncset.done $0x0  }
0x22e: {  	[sflag:s22] =	ssyncadd.s32 $0xFFFF0000  }
0x22f: {  	[hbm4b:s12+s2] =	stream.linear.scatter [tilespmem:s18], [sflag:$0x4], $0x10000, $0x38;
	[tilespmem:$0x10080] =	vst v63  }
0x230: {  	_ =	swait.ge [sflag:s19], $0x10000  }
0x231: {  	[sflag:s19] =	ssyncset.done $0x0  }
0x232: {  	[sflag:s19] =	ssyncadd.s32 $0xFFFF0000  }
0x233: {  	_ =	swait.ge [sflag:s20], $0x10000  }
0x234: {  	[sflag:s20] =	ssyncset.done $0x0  }
0x235: {  	s4 =	sadd.s32 $0x1, s4;
	[sflag:s20] =	ssyncadd.s32 $0xFFFF0000  }
0x236: {  	p0 =	sne.s32 s4, s13;
	_ =	swait.ge [sflag:s21], $0x10000  }
.Ltmp1:
0x237: {  	[sflag:s21] =	ssyncset.done $0x0;
	(pc) =	sbr.rel @p0 .LBB2_1-.Ltmp1, $4  }
0x238: {  	[sflag:s21] =	ssyncadd.s32 $0xFFFF0000  }
0x239: {  	_ =	swait.ge [sflag:s22], $0x10000  }
0x23a: {  	[sflag:s22] =	ssyncset.done $0x0  }
0x23b: {  	[sflag:s22] =	ssyncadd.s32 $0xFFFF0000  }
0x23c: {  	_ =	sfence.sel $0x180000  }
0x23d: {  	[bflag:$0x0] =	sbarrier.arrive $0xFFFF  }
0x23e: {  	_ =	strace $0x90000047  }
0x23f: {  	s0 =	stileid.u32;
	[bflag:$0x2] =	sbarrier.arrive $0xFFFF  }
0x240: {  	p0 =	sne.s32 s0, $0x0;
	s0 =	rddreg [dreg:$0x2]  }
0x241: {  	s0 =	sadd.s32 @!p0 $0x100000, s0  }
0x242: {  	[sflag:s0] =	ssyncadd.tile.s32 @!p0 $0x1;
	_ =	shalt  }
.Lfunc_end2:
_tile_overlayer_lowered:
.L_overlay_start_2:
0x243: {  	(tag) =	ssettag $0x2  }
0x244: {  	s0 =	rddreg [dreg:$0x0];
	s2 =	stileid.u32  }
0x245: {  	s1 =	rddreg [dreg:$0x1];
	p0 =	sne.s32 s2, $0x0  }
0x246: {  	s3 =	rddreg [dreg:$0x2];
	[bflag:$0x3] =	sbarrier.arrive $0xFFFF;
	s2 =	simm.s32 @!p0 $0x1C05  }
0x247: {  	[timem:s3], [sflag:s2] =	dma.local @!p0 [hbm:s0], s1  }
0x248: {  	s0 =	simm.s32 @!p0 $0x5  }
0x249: {  	_ =	swait.ge @!p0 [sflag:s0], s1  }
0x24a: {  	s1 =	ssub.s32 @!p0 $0x0, s1;
	[sflag:s0] =	ssyncset.done @!p0 $0x0  }
0x24b: {  	[sflag:s0] =	ssyncadd.s32 @!p0 s1  }
0x24c: {  	[bflag:$0x3] =	sbarrier.arrive $0xFFFF  }
0x24d: {  	_ =	shalt  }

</sc_bundles>
